<compile_context>
chip_gen: v7x
topology: tpu7x:2x2x1
jax: 0.10.2.dev20260603
libtpu: 0.0.44.dev20260713+nightly
codegen_flags: <defaults>
</compile_context>

<pallas_src>
import functools

import jax
import jax.numpy as jnp
from jax import lax
from jax.experimental import pallas as pl
from jax.experimental.pallas import tpu as pltpu
from jax.experimental.pallas import tpu_sc as plsc

N_NODES = 10000
N_EDGES = 320000
HIDDEN = 128
NUM_GRAPHS = 64
VOCAB = 28

NP = 10240
NPT = NP // 16
EPB = 19968
EREM = N_EDGES - 16 * EPB


def _vrsqrt(d):
    i = lax.bitcast_convert_type(d, jnp.int32)
    i = jnp.int32(0x5F3759DF) - lax.shift_right_arithmetic(i, 1)
    y = lax.bitcast_convert_type(i, jnp.float32)
    for _ in range(3):
        y = y * (1.5 - 0.5 * d * y * y)
    return y


def _sc_body(x_hbm, ei_hbm, bt_hbm, emb_hbm, w_hbm, b_hbm,
             out_hbm,
             embed_v, w_v, b_v, zvec_v, s_v, hist_v, acc_v, ed_v, ed2_v,
             xv_v, btv_v, mat_v, dinv_v, z_v, out64_v, outm_v,
             sem_ed, sem_ed2, sem_x, sem_bt,
             sh_part, sh_s, sh_out):
    sid = lax.axis_index("s")
    viota = lax.iota(jnp.int32, 16)
    zf = jnp.zeros((16,), jnp.float32)
    ones = jnp.ones((16,), jnp.float32)
    nbase = sid * NPT
    ebase = sid * EPB

    with jax.named_scope("ph_stage"):
        cp_ed = pltpu.async_copy(ei_hbm.at[:, pl.ds(ebase, EPB)], ed_v,
                                 sem_ed)
        @pl.when(sid == 0)
        def _():
            cp2 = pltpu.async_copy(
                ei_hbm.at[:, pl.ds(16 * EPB, EREM)], ed2_v, sem_ed2)
            del cp2
        NTAIL = N_NODES - 15 * NPT
        @pl.when(sid < 15)
        def _():
            cp1 = pltpu.async_copy(x_hbm.at[pl.ds(nbase, NPT)], xv_v,
                                   sem_x)
            cp2 = pltpu.async_copy(bt_hbm.at[pl.ds(nbase, NPT)], btv_v,
                                   sem_bt)
            del cp1, cp2
        @pl.when(sid == 15)
        def _():
            cp1 = pltpu.async_copy(x_hbm.at[pl.ds(15 * NPT, NTAIL)],
                                   xv_v.at[pl.ds(0, NTAIL)], sem_x)
            cp2 = pltpu.async_copy(bt_hbm.at[pl.ds(15 * NPT, NTAIL)],
                                   btv_v.at[pl.ds(0, NTAIL)], sem_bt)
            del cp1, cp2
            zi = jnp.zeros((16,), jnp.int32)
            for q in range(NTAIL // 16, NPT // 16):
                xv_v[pl.ds(q * 16, 16)] = zi
                btv_v[pl.ds(q * 16, 16)] = zi
        pltpu.sync_copy(emb_hbm, embed_v.at[pl.ds(0, VOCAB)])
        pltpu.sync_copy(w_hbm, w_v)
        pltpu.sync_copy(b_hbm, b_v.at[pl.ds(0, 1)])

    with jax.named_scope("ph_zvec"):
        rows0 = viota
        rows1 = viota + 16

        def zstep(kk, carry):
            z0, z1 = carry
            kcol = kk * 16 + viota
            wv = plsc.load_gather(w_v, [kcol, jnp.zeros((16,), jnp.int32)])
            for j in range(16):
                wk = wv[j]
                kj = kk * 16 + j
                c0 = plsc.load_gather(embed_v, [rows0, rows0 * 0 + kj])
                c1 = plsc.load_gather(embed_v, [rows1, rows1 * 0 + kj])
                z0 = z0 + c0 * wk
                z1 = z1 + c1 * wk
            return (z0, z1)

        zv0, zv1 = lax.fori_loop(0, HIDDEN // 16, zstep, (zf, zf))
        zvec_v[pl.ds(0, 16)] = zv0
        zvec_v[pl.ds(16, 16)] = zv1

    with jax.named_scope("ph_zero"):
        @plsc.parallel_loop(0, NP // 16, unroll=8)
        def _(i):
            hist_v[pl.ds(i * 16, 16)] = zf
            acc_v[pl.ds(i * 16, 16)] = zf

    with jax.named_scope("ph_hist"):
        cp_ed.wait()

        @plsc.parallel_loop(0, EPB // 16, unroll=8)
        def _(i):
            dv = ed_v[1, pl.ds(i * 16, 16)]
            plsc.addupdate_scatter(hist_v, [dv], ones)

        @pl.when(sid == 0)
        def _():
            pltpu.make_async_copy(ei_hbm.at[:, pl.ds(16 * EPB, EREM)],
                                  ed2_v, sem_ed2).wait()

            @plsc.parallel_loop(0, EREM // 16, unroll=8)
            def _(i):
                dv = ed2_v[1, pl.ds(i * 16, 16)]
                plsc.addupdate_scatter(hist_v, [dv], ones)

    with jax.named_scope("ph_degcomb"):
        NTAIL = N_NODES - 15 * NPT
        @pl.when(sid < 15)
        def _():
            pltpu.make_async_copy(x_hbm.at[pl.ds(nbase, NPT)], xv_v,
                                  sem_x).wait()
        @pl.when(sid == 15)
        def _():
            pltpu.make_async_copy(x_hbm.at[pl.ds(15 * NPT, NTAIL)],
                                  xv_v.at[pl.ds(0, NTAIL)], sem_x).wait()
        pltpu.sync_copy(hist_v, sh_part.at[sid])
        plsc.subcore_barrier()
        pltpu.sync_copy(sh_part.at[:, pl.ds(nbase, NPT)], mat_v)

        @plsc.parallel_loop(0, NPT // 16, unroll=2)
        def _(i):
            sl = pl.ds(i * 16, 16)
            a = mat_v[0, sl]
            for t in range(1, 16):
                a = a + mat_v[t, sl]
            d = a + 1.0
            di = _vrsqrt(d)
            dinv_v[sl] = di
            zl = plsc.load_gather(zvec_v, [xv_v[sl]])
            z_v[sl] = zl
            s_v[pl.ds(nbase + i * 16, 16)] = di * zl

        pltpu.sync_copy(s_v.at[pl.ds(nbase, NPT)],
                        sh_s.at[pl.ds(nbase, NPT)])
        plsc.subcore_barrier()
        pltpu.sync_copy(sh_s, s_v)

    with jax.named_scope("ph_edge"):
        @plsc.parallel_loop(0, EPB // 16, unroll=8)
        def _(i):
            sl = pl.ds(i * 16, 16)
            m = plsc.load_gather(s_v, [ed_v[0, sl]])
            plsc.addupdate_scatter(acc_v, [ed_v[1, sl]], m)

        @pl.when(sid == 0)
        def _():
            @plsc.parallel_loop(0, EREM // 16, unroll=8)
            def _(i):
                sl = pl.ds(i * 16, 16)
                m = plsc.load_gather(s_v, [ed2_v[0, sl]])
                plsc.addupdate_scatter(acc_v, [ed2_v[1, sl]], m)

    with jax.named_scope("ph_final"):
        @pl.when(sid < 15)
        def _():
            pltpu.make_async_copy(bt_hbm.at[pl.ds(nbase, NPT)], btv_v,
                                  sem_bt).wait()
        @pl.when(sid == 15)
        def _():
            pltpu.make_async_copy(
                bt_hbm.at[pl.ds(15 * NPT, N_NODES - 15 * NPT)],
                btv_v.at[pl.ds(0, N_NODES - 15 * NPT)], sem_bt).wait()
        pltpu.sync_copy(acc_v, sh_part.at[sid])
        plsc.subcore_barrier()
        pltpu.sync_copy(sh_part.at[:, pl.ds(nbase, NPT)], mat_v)
        for q in range(NUM_GRAPHS // 16):
            out64_v[pl.ds(q * 16, 16)] = zf
        bvec = plsc.load_gather(b_v, [jnp.zeros((16,), jnp.int32)])

        @plsc.parallel_loop(0, NPT // 16, unroll=2)
        def _(i):
            sl = pl.ds(i * 16, 16)
            a = mat_v[0, sl]
            for t in range(1, 16):
                a = a + mat_v[t, sl]
            di = dinv_v[sl]
            yv = di * a + di * di * z_v[sl] + bvec
            gid = nbase + i * 16 + viota
            plsc.addupdate_scatter(out64_v, [btv_v[sl]], yv,
                                   mask=gid < N_NODES)

    with jax.named_scope("ph_out"):
        pltpu.sync_copy(out64_v, sh_out.at[sid, pl.ds(0, NUM_GRAPHS)])
        plsc.subcore_barrier()

        @pl.when(sid == 0)
        def _():
            for t in range(16):
                pltpu.sync_copy(sh_out.at[t, pl.ds(0, NUM_GRAPHS)],
                                outm_v.at[t])
            for q in range(NUM_GRAPHS // 16):
                a = outm_v[0, pl.ds(q * 16, 16)]
                for t in range(1, 16):
                    a = a + outm_v[t, pl.ds(q * 16, 16)]
                out64_v[pl.ds(q * 16, 16)] = a
            pltpu.sync_copy(out64_v, out_hbm)


@functools.partial(
    pl.kernel,
    out_type=jax.ShapeDtypeStruct((NUM_GRAPHS,), jnp.float32),
    mesh=plsc.VectorSubcoreMesh(core_axis_name="c", subcore_axis_name="s",
                                num_cores=1, num_subcores=16),
    compiler_params=pltpu.CompilerParams(needs_layout_passes=False),
    scratch_types=[
        pltpu.VMEM((32, HIDDEN), jnp.float32),
        pltpu.VMEM((HIDDEN, 1), jnp.float32),
        pltpu.VMEM((16,), jnp.float32),
        pltpu.VMEM((32,), jnp.float32),
        pltpu.VMEM((NP,), jnp.float32),
        pltpu.VMEM((NP,), jnp.float32),
        pltpu.VMEM((NP,), jnp.float32),
        pltpu.VMEM((2, EPB), jnp.int32),
        pltpu.VMEM((2, EREM), jnp.int32),
        pltpu.VMEM((NPT,), jnp.int32),
        pltpu.VMEM((NPT,), jnp.int32),
        pltpu.VMEM((16, NPT), jnp.float32),
        pltpu.VMEM((NPT,), jnp.float32),
        pltpu.VMEM((NPT,), jnp.float32),
        pltpu.VMEM((NUM_GRAPHS,), jnp.float32),
        pltpu.VMEM((16, NUM_GRAPHS), jnp.float32),
        pltpu.SemaphoreType.DMA,
        pltpu.SemaphoreType.DMA,
        pltpu.SemaphoreType.DMA,
        pltpu.SemaphoreType.DMA,
        pltpu.VMEM_SHARED((16, NP), jnp.float32),
        pltpu.VMEM_SHARED((NP,), jnp.float32),
        pltpu.VMEM_SHARED((16, 128), jnp.float32),
    ],
)
def _sc_kernel(x_f, ei, batch, embed_flat, w_flat, b, out, *scratch):
    _sc_body(x_f, ei, batch, embed_flat, w_flat, b, out, *scratch)


def kernel(x, edge_index, batch, embed_table, W, b):
    return _sc_kernel(x.reshape(-1), edge_index, batch, embed_table, W, b)

# --- scband reference (transcript-rebuilt; emitter-appended) ---
"""Pipeline reference for scband-test-net-81466939671128 (READ-ONLY COPY).

The authoritative reference and input builder live on the scoring server;
editing this copy changes nothing except your own understanding.
"""

import jax, jax.numpy as jnp
import numpy as np

N_NODES = 10000
N_EDGES = 320000
HIDDEN = 128
OUT_DIM = 1
NUM_GRAPHS = 64
VOCAB = 28


def setup_inputs(seed: int = 0) -> dict:
    key = jax.random.key(seed)
    k1, k2, k3, k4, k5, k6 = jax.random.split(key, 6)
    x = jax.random.randint(k1, (N_NODES, 1), 0, VOCAB, dtype=jnp.int32)
    edge_index = jax.random.randint(k2, (2, N_EDGES), 0, N_NODES, dtype=jnp.int32)
    batch = jnp.sort(jax.random.randint(k3, (N_NODES,), 0, NUM_GRAPHS, dtype=jnp.int32))
    embed_table = jax.random.normal(k4, (VOCAB, HIDDEN), dtype=jnp.float32)
    W = jax.random.normal(k5, (HIDDEN, OUT_DIM), dtype=jnp.float32) * (1.0 / np.sqrt(HIDDEN))
    b = jnp.zeros((OUT_DIM,), dtype=jnp.float32)
    return {"x": x, "edge_index": edge_index, "batch": batch,
            "embed_table": embed_table, "W": W, "b": b}


def reference(x, edge_index, batch, embed_table, W, b):
    # y = embed(x)[:, 0, :]
    h = jnp.take(embed_table, x[:, 0], axis=0)  # [N, HIDDEN]
    # GCNLayer: symmetric-normalized aggregation with self-loops, then linear
    loops = jnp.arange(N_NODES, dtype=edge_index.dtype)
    src = jnp.concatenate([edge_index[0], loops])
    dst = jnp.concatenate([edge_index[1], loops])
    deg = jnp.zeros((N_NODES,), dtype=h.dtype).at[dst].add(1.0)
    dinv = jax.lax.rsqrt(deg)
    norm = dinv[src] * dinv[dst]  # [E+N]
    msg = h[src] * norm[:, None]  # gather + scale
    agg = jnp.zeros((N_NODES, HIDDEN), dtype=h.dtype).at[dst].add(msg)  # scatter-add
    y = agg @ W + b  # [N, 1]
    y = jnp.squeeze(y, -1)  # [N]
    # scatter_sum over graph ids
    out = jax.ops.segment_sum(y, batch, num_segments=NUM_GRAPHS)  # [NUM_GRAPHS]
    return out

if __name__ == "__main__":
    import jax
    _d = setup_inputs()
    print(jax.jit(kernel)(*tuple(_d.values())))

</pallas_src>

<mosaic_0001>
#map = affine_map<(d0, d1) -> (0)>
#map1 = affine_map<(d0, d1) -> (0, 0)>
module attributes {stable_mosaic.version = 14 : i64} {
  func.func @_sc_kernel(%arg0: i32, %arg1: i32, %arg2: memref<10000xi32, #tpu.memory_space<hbm>>, %arg3: memref<2x320000xi32, #tpu.memory_space<hbm>>, %arg4: memref<10000xi32, #tpu.memory_space<hbm>>, %arg5: memref<28x128xf32, #tpu.memory_space<hbm>>, %arg6: memref<128x1xf32, #tpu.memory_space<hbm>>, %arg7: memref<1xf32, #tpu.memory_space<hbm>>, %arg8: memref<64xf32, #tpu.memory_space<hbm>>, %arg9: memref<32x128xf32, #tpu.memory_space<vmem>>, %arg10: memref<128x1xf32, #tpu.memory_space<vmem>>, %arg11: memref<16xf32, #tpu.memory_space<vmem>>, %arg12: memref<32xf32, #tpu.memory_space<vmem>>, %arg13: memref<10240xf32, #tpu.memory_space<vmem>>, %arg14: memref<10240xf32, #tpu.memory_space<vmem>>, %arg15: memref<10240xf32, #tpu.memory_space<vmem>>, %arg16: memref<2x19968xi32, #tpu.memory_space<vmem>>, %arg17: memref<2x512xi32, #tpu.memory_space<vmem>>, %arg18: memref<640xi32, #tpu.memory_space<vmem>>, %arg19: memref<640xi32, #tpu.memory_space<vmem>>, %arg20: memref<16x640xf32, #tpu.memory_space<vmem>>, %arg21: memref<640xf32, #tpu.memory_space<vmem>>, %arg22: memref<640xf32, #tpu.memory_space<vmem>>, %arg23: memref<64xf32, #tpu.memory_space<vmem>>, %arg24: memref<16x64xf32, #tpu.memory_space<vmem>>, %arg25: memref<!tpu.dma_semaphore, #tpu.memory_space<semaphore_mem>>, %arg26: memref<!tpu.dma_semaphore, #tpu.memory_space<semaphore_mem>>, %arg27: memref<!tpu.dma_semaphore, #tpu.memory_space<semaphore_mem>>, %arg28: memref<!tpu.dma_semaphore, #tpu.memory_space<semaphore_mem>>, %arg29: memref<16x10240xf32, #tpu.memory_space<vmem_shared>>, %arg30: memref<10240xf32, #tpu.memory_space<vmem_shared>>, %arg31: memref<16x128xf32, #tpu.memory_space<vmem_shared>>) attributes {dimension_semantics = [#tpu.dimension_semantics<core_parallel>, #tpu.dimension_semantics<subcore_parallel>], iteration_bounds = array<i64: 1, 16>, scalar_prefetch = 0 : i64, scratch_operands = 23 : i64, tpu.core_type = #tpu.core_type<sc_vector_subcore>, window_params = [{transform_indices = #map}, {transform_indices = #map1}, {transform_indices = #map}, {transform_indices = #map1}, {transform_indices = #map1}, {transform_indices = #map}, {transform_indices = #map}]} {
    %iota3A = tpu.iota {dimensions = array<i32: 0>} : vector<16xi32>
    %broadcast_in_dim3A = arith.constant 0.000000e+00 : f32
    %broadcast_in_dim3A_0 = vector.broadcast %broadcast_in_dim3A : f32 to vector<16xf32>
    %broadcast_in_dim3A_1 = arith.constant 1.000000e+00 : f32
    %broadcast_in_dim3A_2 = vector.broadcast %broadcast_in_dim3A_1 : f32 to vector<16xf32>
    %mul3A = arith.constant 640 : i32
    %mul3A_3 = arith.muli %arg1, %mul3A : i32
    %mul3A_4 = arith.constant 19968 : i32
    %mul3A_5 = arith.muli %arg1, %mul3A_4 : i32
    "tpu.trace_start"() <{level = 10 : i32, message = "ph_stage"}> : () -> ()
    %dma_start3A = arith.constant 0 : i32
    %dma_start3A_6 = tpu.memref_slice %arg3[%dma_start3A, %mul3A_5] : memref<2x320000xi32, #tpu.memory_space<hbm>> -> memref<2x19968xi32, #tpu.memory_space<hbm>>
    %dma_start3A_7 = arith.constant 0 : i32
    %dma_start3A_8 = tpu.memref_slice %arg3[%dma_start3A_7, %mul3A_5] : memref<2x320000xi32, #tpu.memory_space<hbm>> -> memref<2x19968xi32, #tpu.memory_space<hbm>>
    tpu.enqueue_dma source(%dma_start3A_8 : memref<2x19968xi32, #tpu.memory_space<hbm>>) target(%arg16 : memref<2x19968xi32, #tpu.memory_space<vmem>>) target_semaphore(%arg25 : memref<!tpu.dma_semaphore, #tpu.memory_space<semaphore_mem>>)
    %eq3A = arith.constant 0 : i32
    %eq3A_9 = arith.cmpi eq, %arg1, %eq3A : i32
    %convert_element_type3A = arith.extui %eq3A_9 : i1 to i32
    %cond3A = arith.constant 0 : i32
    %cond3A_10 = arith.cmpi ne, %convert_element_type3A, %cond3A : i32
    scf.if %cond3A_10 {
      %dma_start3A_95 = arith.constant 0 : i32
      %dma_start3A_96 = arith.constant 319488 : i32
      %dma_start3A_97 = tpu.memref_slice %arg3[%dma_start3A_95, %dma_start3A_96] : memref<2x320000xi32, #tpu.memory_space<hbm>> -> memref<2x512xi32, #tpu.memory_space<hbm>>
      %dma_start3A_98 = arith.constant 0 : i32
      %dma_start3A_99 = arith.constant 319488 : i32
      %dma_start3A_100 = tpu.memref_slice %arg3[%dma_start3A_98, %dma_start3A_99] : memref<2x320000xi32, #tpu.memory_space<hbm>> -> memref<2x512xi32, #tpu.memory_space<hbm>>
      tpu.enqueue_dma source(%dma_start3A_100 : memref<2x512xi32, #tpu.memory_space<hbm>>) target(%arg17 : memref<2x512xi32, #tpu.memory_space<vmem>>) target_semaphore(%arg26 : memref<!tpu.dma_semaphore, #tpu.memory_space<semaphore_mem>>)
    } else {
    }
    %lt3A = arith.constant 15 : i32
    %lt3A_11 = arith.cmpi slt, %arg1, %lt3A : i32
    %convert_element_type3A_12 = arith.extui %lt3A_11 : i1 to i32
    %cond3A_13 = arith.constant 0 : i32
    %cond3A_14 = arith.cmpi ne, %convert_element_type3A_12, %cond3A_13 : i32
    scf.if %cond3A_14 {
      %dma_start3A_95 = tpu.memref_slice %arg2[%mul3A_3] : memref<10000xi32, #tpu.memory_space<hbm>> -> memref<640xi32, #tpu.memory_space<hbm>>
      %dma_start3A_96 = tpu.memref_slice %arg2[%mul3A_3] : memref<10000xi32, #tpu.memory_space<hbm>> -> memref<640xi32, #tpu.memory_space<hbm>>
      tpu.enqueue_dma source(%dma_start3A_96 : memref<640xi32, #tpu.memory_space<hbm>>) target(%arg18 : memref<640xi32, #tpu.memory_space<vmem>>) target_semaphore(%arg27 : memref<!tpu.dma_semaphore, #tpu.memory_space<semaphore_mem>>)
      %dma_start3A_97 = tpu.memref_slice %arg4[%mul3A_3] : memref<10000xi32, #tpu.memory_space<hbm>> -> memref<640xi32, #tpu.memory_space<hbm>>
      %dma_start3A_98 = tpu.memref_slice %arg4[%mul3A_3] : memref<10000xi32, #tpu.memory_space<hbm>> -> memref<640xi32, #tpu.memory_space<hbm>>
      tpu.enqueue_dma source(%dma_start3A_98 : memref<640xi32, #tpu.memory_space<hbm>>) target(%arg19 : memref<640xi32, #tpu.memory_space<vmem>>) target_semaphore(%arg28 : memref<!tpu.dma_semaphore, #tpu.memory_space<semaphore_mem>>)
    } else {
    }
    %eq3A_15 = arith.constant 15 : i32
    %eq3A_16 = arith.cmpi eq, %arg1, %eq3A_15 : i32
    %convert_element_type3A_17 = arith.extui %eq3A_16 : i1 to i32
    %cond3A_18 = arith.constant 0 : i32
    %cond3A_19 = arith.cmpi ne, %convert_element_type3A_17, %cond3A_18 : i32
    scf.if %cond3A_19 {
      %dma_start3A_95 = arith.constant 0 : i32
      %dma_start3A_96 = tpu.memref_slice %arg18[%dma_start3A_95] : memref<640xi32, #tpu.memory_space<vmem>> -> memref<400xi32, #tpu.memory_space<vmem>>
      %dma_start3A_97 = arith.constant 9600 : i32
      %dma_start3A_98 = tpu.memref_slice %arg2[%dma_start3A_97] : memref<10000xi32, #tpu.memory_space<hbm>> -> memref<400xi32, #tpu.memory_space<hbm>>
      %dma_start3A_99 = arith.constant 0 : i32
      %dma_start3A_100 = tpu.memref_slice %arg18[%dma_start3A_99] : memref<640xi32, #tpu.memory_space<vmem>> -> memref<400xi32, #tpu.memory_space<vmem>>
      %dma_start3A_101 = arith.constant 9600 : i32
      %dma_start3A_102 = tpu.memref_slice %arg2[%dma_start3A_101] : memref<10000xi32, #tpu.memory_space<hbm>> -> memref<400xi32, #tpu.memory_space<hbm>>
      tpu.enqueue_dma source(%dma_start3A_102 : memref<400xi32, #tpu.memory_space<hbm>>) target(%dma_start3A_100 : memref<400xi32, #tpu.memory_space<vmem>>) target_semaphore(%arg27 : memref<!tpu.dma_semaphore, #tpu.memory_space<semaphore_mem>>)
      %dma_start3A_103 = arith.constant 0 : i32
      %dma_start3A_104 = tpu.memref_slice %arg19[%dma_start3A_103] : memref<640xi32, #tpu.memory_space<vmem>> -> memref<400xi32, #tpu.memory_space<vmem>>
      %dma_start3A_105 = arith.constant 9600 : i32
      %dma_start3A_106 = tpu.memref_slice %arg4[%dma_start3A_105] : memref<10000xi32, #tpu.memory_space<hbm>> -> memref<400xi32, #tpu.memory_space<hbm>>
      %dma_start3A_107 = arith.constant 0 : i32
      %dma_start3A_108 = tpu.memref_slice %arg19[%dma_start3A_107] : memref<640xi32, #tpu.memory_space<vmem>> -> memref<400xi32, #tpu.memory_space<vmem>>
      %dma_start3A_109 = arith.constant 9600 : i32
      %dma_start3A_110 = tpu.memref_slice %arg4[%dma_start3A_109] : memref<10000xi32, #tpu.memory_space<hbm>> -> memref<400xi32, #tpu.memory_space<hbm>>
      tpu.enqueue_dma source(%dma_start3A_110 : memref<400xi32, #tpu.memory_space<hbm>>) target(%dma_start3A_108 : memref<400xi32, #tpu.memory_space<vmem>>) target_semaphore(%arg28 : memref<!tpu.dma_semaphore, #tpu.memory_space<semaphore_mem>>)
      %broadcast_in_dim3A_111 = arith.constant 0 : i32
      %broadcast_in_dim3A_112 = vector.broadcast %broadcast_in_dim3A_111 : i32 to vector<16xi32>
      %swap3A_113 = arith.constant 400 : index
      %swap3A_114 = tpu.vector_load %arg18[%swap3A_113] {strides = array<i32>} : memref<640xi32, #tpu.memory_space<vmem>>, vector<16xi32>,
      tpu.vector_store %arg18[%swap3A_113], %broadcast_in_dim3A_112 {strides = array<i32>} : memref<640xi32, #tpu.memory_space<vmem>>, vector<16xi32>,
      %swap3A_115 = arith.constant 400 : index
      %swap3A_116 = tpu.vector_load %arg19[%swap3A_115] {strides = array<i32>} : memref<640xi32, #tpu.memory_space<vmem>>, vector<16xi32>,
      tpu.vector_store %arg19[%swap3A_115], %broadcast_in_dim3A_112 {strides = array<i32>} : memref<640xi32, #tpu.memory_space<vmem>>, vector<16xi32>,
      %swap3A_117 = arith.constant 416 : index
      %swap3A_118 = tpu.vector_load %arg18[%swap3A_117] {strides = array<i32>} : memref<640xi32, #tpu.memory_space<vmem>>, vector<16xi32>,
      tpu.vector_store %arg18[%swap3A_117], %broadcast_in_dim3A_112 {strides = array<i32>} : memref<640xi32, #tpu.memory_space<vmem>>, vector<16xi32>,
      %swap3A_119 = arith.constant 416 : index
      %swap3A_120 = tpu.vector_load %arg19[%swap3A_119] {strides = array<i32>} : memref<640xi32, #tpu.memory_space<vmem>>, vector<16xi32>,
      tpu.vector_store %arg19[%swap3A_119], %broadcast_in_dim3A_112 {strides = array<i32>} : memref<640xi32, #tpu.memory_space<vmem>>, vector<16xi32>,
      %swap3A_121 = arith.constant 432 : index
      %swap3A_122 = tpu.vector_load %arg18[%swap3A_121] {strides = array<i32>} : memref<640xi32, #tpu.memory_space<vmem>>, vector<16xi32>,
      tpu.vector_store %arg18[%swap3A_121], %broadcast_in_dim3A_112 {strides = array<i32>} : memref<640xi32, #tpu.memory_space<vmem>>, vector<16xi32>,
      %swap3A_123 = arith.constant 432 : index
      %swap3A_124 = tpu.vector_load %arg19[%swap3A_123] {strides = array<i32>} : memref<640xi32, #tpu.memory_space<vmem>>, vector<16xi32>,
      tpu.vector_store %arg19[%swap3A_123], %broadcast_in_dim3A_112 {strides = array<i32>} : memref<640xi32, #tpu.memory_space<vmem>>, vector<16xi32>,
      %swap3A_125 = arith.constant 448 : index
      %swap3A_126 = tpu.vector_load %arg18[%swap3A_125] {strides = array<i32>} : memref<640xi32, #tpu.memory_space<vmem>>, vector<16xi32>,
      tpu.vector_store %arg18[%swap3A_125], %broadcast_in_dim3A_112 {strides = array<i32>} : memref<640xi32, #tpu.memory_space<vmem>>, vector<16xi32>,
      %swap3A_127 = arith.constant 448 : index
      %swap3A_128 = tpu.vector_load %arg19[%swap3A_127] {strides = array<i32>} : memref<640xi32, #tpu.memory_space<vmem>>, vector<16xi32>,
      tpu.vector_store %arg19[%swap3A_127], %broadcast_in_dim3A_112 {strides = array<i32>} : memref<640xi32, #tpu.memory_space<vmem>>, vector<16xi32>,
      %swap3A_129 = arith.constant 464 : index
      %swap3A_130 = tpu.vector_load %arg18[%swap3A_129] {strides = array<i32>} : memref<640xi32, #tpu.memory_space<vmem>>, vector<16xi32>,
      tpu.vector_store %arg18[%swap3A_129], %broadcast_in_dim3A_112 {strides = array<i32>} : memref<640xi32, #tpu.memory_space<vmem>>, vector<16xi32>,
      %swap3A_131 = arith.constant 464 : index
      %swap3A_132 = tpu.vector_load %arg19[%swap3A_131] {strides = array<i32>} : memref<640xi32, #tpu.memory_space<vmem>>, vector<16xi32>,
      tpu.vector_store %arg19[%swap3A_131], %broadcast_in_dim3A_112 {strides = array<i32>} : memref<640xi32, #tpu.memory_space<vmem>>, vector<16xi32>,
      %swap3A_133 = arith.constant 480 : index
      %swap3A_134 = tpu.vector_load %arg18[%swap3A_133] {strides = array<i32>} : memref<640xi32, #tpu.memory_space<vmem>>, vector<16xi32>,
      tpu.vector_store %arg18[%swap3A_133], %broadcast_in_dim3A_112 {strides = array<i32>} : memref<640xi32, #tpu.memory_space<vmem>>, vector<16xi32>,
      %swap3A_135 = arith.constant 480 : index
      %swap3A_136 = tpu.vector_load %arg19[%swap3A_135] {strides = array<i32>} : memref<640xi32, #tpu.memory_space<vmem>>, vector<16xi32>,
      tpu.vector_store %arg19[%swap3A_135], %broadcast_in_dim3A_112 {strides = array<i32>} : memref<640xi32, #tpu.memory_space<vmem>>, vector<16xi32>,
      %swap3A_137 = arith.constant 496 : index
      %swap3A_138 = tpu.vector_load %arg18[%swap3A_137] {strides = array<i32>} : memref<640xi32, #tpu.memory_space<vmem>>, vector<16xi32>,
      tpu.vector_store %arg18[%swap3A_137], %broadcast_in_dim3A_112 {strides = array<i32>} : memref<640xi32, #tpu.memory_space<vmem>>, vector<16xi32>,
      %swap3A_139 = arith.constant 496 : index
      %swap3A_140 = tpu.vector_load %arg19[%swap3A_139] {strides = array<i32>} : memref<640xi32, #tpu.memory_space<vmem>>, vector<16xi32>,
      tpu.vector_store %arg19[%swap3A_139], %broadcast_in_dim3A_112 {strides = array<i32>} : memref<640xi32, #tpu.memory_space<vmem>>, vector<16xi32>,
      %swap3A_141 = arith.constant 512 : index
      %swap3A_142 = tpu.vector_load %arg18[%swap3A_141] {strides = array<i32>} : memref<640xi32, #tpu.memory_space<vmem>>, vector<16xi32>,
      tpu.vector_store %arg18[%swap3A_141], %broadcast_in_dim3A_112 {strides = array<i32>} : memref<640xi32, #tpu.memory_space<vmem>>, vector<16xi32>,
      %swap3A_143 = arith.constant 512 : index
      %swap3A_144 = tpu.vector_load %arg19[%swap3A_143] {strides = array<i32>} : memref<640xi32, #tpu.memory_space<vmem>>, vector<16xi32>,
      tpu.vector_store %arg19[%swap3A_143], %broadcast_in_dim3A_112 {strides = array<i32>} : memref<640xi32, #tpu.memory_space<vmem>>, vector<16xi32>,
      %swap3A_145 = arith.constant 528 : index
      %swap3A_146 = tpu.vector_load %arg18[%swap3A_145] {strides = array<i32>} : memref<640xi32, #tpu.memory_space<vmem>>, vector<16xi32>,
      tpu.vector_store %arg18[%swap3A_145], %broadcast_in_dim3A_112 {strides = array<i32>} : memref<640xi32, #tpu.memory_space<vmem>>, vector<16xi32>,
      %swap3A_147 = arith.constant 528 : index
      %swap3A_148 = tpu.vector_load %arg19[%swap3A_147] {strides = array<i32>} : memref<640xi32, #tpu.memory_space<vmem>>, vector<16xi32>,
      tpu.vector_store %arg19[%swap3A_147], %broadcast_in_dim3A_112 {strides = array<i32>} : memref<640xi32, #tpu.memory_space<vmem>>, vector<16xi32>,
      %swap3A_149 = arith.constant 544 : index
      %swap3A_150 = tpu.vector_load %arg18[%swap3A_149] {strides = array<i32>} : memref<640xi32, #tpu.memory_space<vmem>>, vector<16xi32>,
      tpu.vector_store %arg18[%swap3A_149], %broadcast_in_dim3A_112 {strides = array<i32>} : memref<640xi32, #tpu.memory_space<vmem>>, vector<16xi32>,
      %swap3A_151 = arith.constant 544 : index
      %swap3A_152 = tpu.vector_load %arg19[%swap3A_151] {strides = array<i32>} : memref<640xi32, #tpu.memory_space<vmem>>, vector<16xi32>,
      tpu.vector_store %arg19[%swap3A_151], %broadcast_in_dim3A_112 {strides = array<i32>} : memref<640xi32, #tpu.memory_space<vmem>>, vector<16xi32>,
      %swap3A_153 = arith.constant 560 : index
      %swap3A_154 = tpu.vector_load %arg18[%swap3A_153] {strides = array<i32>} : memref<640xi32, #tpu.memory_space<vmem>>, vector<16xi32>,
      tpu.vector_store %arg18[%swap3A_153], %broadcast_in_dim3A_112 {strides = array<i32>} : memref<640xi32, #tpu.memory_space<vmem>>, vector<16xi32>,
      %swap3A_155 = arith.constant 560 : index
      %swap3A_156 = tpu.vector_load %arg19[%swap3A_155] {strides = array<i32>} : memref<640xi32, #tpu.memory_space<vmem>>, vector<16xi32>,
      tpu.vector_store %arg19[%swap3A_155], %broadcast_in_dim3A_112 {strides = array<i32>} : memref<640xi32, #tpu.memory_space<vmem>>, vector<16xi32>,
      %swap3A_157 = arith.constant 576 : index
      %swap3A_158 = tpu.vector_load %arg18[%swap3A_157] {strides = array<i32>} : memref<640xi32, #tpu.memory_space<vmem>>, vector<16xi32>,
      tpu.vector_store %arg18[%swap3A_157], %broadcast_in_dim3A_112 {strides = array<i32>} : memref<640xi32, #tpu.memory_space<vmem>>, vector<16xi32>,
      %swap3A_159 = arith.constant 576 : index
      %swap3A_160 = tpu.vector_load %arg19[%swap3A_159] {strides = array<i32>} : memref<640xi32, #tpu.memory_space<vmem>>, vector<16xi32>,
      tpu.vector_store %arg19[%swap3A_159], %broadcast_in_dim3A_112 {strides = array<i32>} : memref<640xi32, #tpu.memory_space<vmem>>, vector<16xi32>,
      %swap3A_161 = arith.constant 592 : index
      %swap3A_162 = tpu.vector_load %arg18[%swap3A_161] {strides = array<i32>} : memref<640xi32, #tpu.memory_space<vmem>>, vector<16xi32>,
      tpu.vector_store %arg18[%swap3A_161], %broadcast_in_dim3A_112 {strides = array<i32>} : memref<640xi32, #tpu.memory_space<vmem>>, vector<16xi32>,
      %swap3A_163 = arith.constant 592 : index
      %swap3A_164 = tpu.vector_load %arg19[%swap3A_163] {strides = array<i32>} : memref<640xi32, #tpu.memory_space<vmem>>, vector<16xi32>,
      tpu.vector_store %arg19[%swap3A_163], %broadcast_in_dim3A_112 {strides = array<i32>} : memref<640xi32, #tpu.memory_space<vmem>>, vector<16xi32>,
      %swap3A_165 = arith.constant 608 : index
      %swap3A_166 = tpu.vector_load %arg18[%swap3A_165] {strides = array<i32>} : memref<640xi32, #tpu.memory_space<vmem>>, vector<16xi32>,
      tpu.vector_store %arg18[%swap3A_165], %broadcast_in_dim3A_112 {strides = array<i32>} : memref<640xi32, #tpu.memory_space<vmem>>, vector<16xi32>,
      %swap3A_167 = arith.constant 608 : index
      %swap3A_168 = tpu.vector_load %arg19[%swap3A_167] {strides = array<i32>} : memref<640xi32, #tpu.memory_space<vmem>>, vector<16xi32>,
      tpu.vector_store %arg19[%swap3A_167], %broadcast_in_dim3A_112 {strides = array<i32>} : memref<640xi32, #tpu.memory_space<vmem>>, vector<16xi32>,
      %swap3A_169 = arith.constant 624 : index
      %swap3A_170 = tpu.vector_load %arg18[%swap3A_169] {strides = array<i32>} : memref<640xi32, #tpu.memory_space<vmem>>, vector<16xi32>,
      tpu.vector_store %arg18[%swap3A_169], %broadcast_in_dim3A_112 {strides = array<i32>} : memref<640xi32, #tpu.memory_space<vmem>>, vector<16xi32>,
      %swap3A_171 = arith.constant 624 : index
      %swap3A_172 = tpu.vector_load %arg19[%swap3A_171] {strides = array<i32>} : memref<640xi32, #tpu.memory_space<vmem>>, vector<16xi32>,
      tpu.vector_store %arg19[%swap3A_171], %broadcast_in_dim3A_112 {strides = array<i32>} : memref<640xi32, #tpu.memory_space<vmem>>, vector<16xi32>,
    } else {
    }
    "tpu.region"() ({
      %run_scoped3A = tpu.sem_alloc : memref<!tpu.dma_semaphore, #tpu.memory_space<semaphore_mem>>
      %dma_start3A_95 = arith.constant 0 : i32
      %dma_start3A_96 = arith.constant 0 : i32
      %dma_start3A_97 = tpu.memref_slice %arg9[%dma_start3A_95, %dma_start3A_96] : memref<32x128xf32, #tpu.memory_space<vmem>> -> memref<28x128xf32, #tpu.memory_space<vmem>>
      %dma_start3A_98 = arith.constant 0 : i32
      %dma_start3A_99 = arith.constant 0 : i32
      %dma_start3A_100 = tpu.memref_slice %arg9[%dma_start3A_98, %dma_start3A_99] : memref<32x128xf32, #tpu.memory_space<vmem>> -> memref<28x128xf32, #tpu.memory_space<vmem>>
      tpu.enqueue_dma source(%arg5 : memref<28x128xf32, #tpu.memory_space<hbm>>) target(%dma_start3A_100 : memref<28x128xf32, #tpu.memory_space<vmem>>) target_semaphore(%run_scoped3A : memref<!tpu.dma_semaphore, #tpu.memory_space<semaphore_mem>>)
      %dma_wait3A_101 = arith.constant 0 : i32
      %dma_wait3A_102 = arith.constant 0 : i32
      %dma_wait3A_103 = tpu.memref_slice %arg9[%dma_wait3A_101, %dma_wait3A_102] : memref<32x128xf32, #tpu.memory_space<vmem>> -> memref<28x128xf32, #tpu.memory_space<vmem>>
      %dma_wait3A_104 = arith.constant 0 : i32
      %dma_wait3A_105 = arith.constant 0 : i32
      %dma_wait3A_106 = tpu.memref_slice %arg9[%dma_wait3A_104, %dma_wait3A_105] : memref<32x128xf32, #tpu.memory_space<vmem>> -> memref<28x128xf32, #tpu.memory_space<vmem>>
      tpu.wait_dma2 semaphore(%run_scoped3A : memref<!tpu.dma_semaphore, #tpu.memory_space<semaphore_mem>>) src(%arg5 : memref<28x128xf32, #tpu.memory_space<hbm>>) dst(%dma_wait3A_106 : memref<28x128xf32, #tpu.memory_space<vmem>>)
      tpu.yield
    }) : () -> ()
    "tpu.region"() ({
      %run_scoped3A = tpu.sem_alloc : memref<!tpu.dma_semaphore, #tpu.memory_space<semaphore_mem>>
      tpu.enqueue_dma source(%arg6 : memref<128x1xf32, #tpu.memory_space<hbm>>) target(%arg10 : memref<128x1xf32, #tpu.memory_space<vmem>>) target_semaphore(%run_scoped3A : memref<!tpu.dma_semaphore, #tpu.memory_space<semaphore_mem>>)
      tpu.wait_dma2 semaphore(%run_scoped3A : memref<!tpu.dma_semaphore, #tpu.memory_space<semaphore_mem>>) src(%arg6 : memref<128x1xf32, #tpu.memory_space<hbm>>) dst(%arg10 : memref<128x1xf32, #tpu.memory_space<vmem>>)
      tpu.yield
    }) : () -> ()
    "tpu.region"() ({
      %run_scoped3A = tpu.sem_alloc : memref<!tpu.dma_semaphore, #tpu.memory_space<semaphore_mem>>
      %dma_start3A_95 = arith.constant 0 : i32
      %dma_start3A_96 = tpu.memref_slice %arg11[%dma_start3A_95] : memref<16xf32, #tpu.memory_space<vmem>> -> memref<1xf32, #tpu.memory_space<vmem>>
      %dma_start3A_97 = arith.constant 0 : i32
      %dma_start3A_98 = tpu.memref_slice %arg11[%dma_start3A_97] : memref<16xf32, #tpu.memory_space<vmem>> -> memref<1xf32, #tpu.memory_space<vmem>>
      tpu.enqueue_dma source(%arg7 : memref<1xf32, #tpu.memory_space<hbm>>) target(%dma_start3A_98 : memref<1xf32, #tpu.memory_space<vmem>>) target_semaphore(%run_scoped3A : memref<!tpu.dma_semaphore, #tpu.memory_space<semaphore_mem>>)
      %dma_wait3A_99 = arith.constant 0 : i32
      %dma_wait3A_100 = tpu.memref_slice %arg11[%dma_wait3A_99] : memref<16xf32, #tpu.memory_space<vmem>> -> memref<1xf32, #tpu.memory_space<vmem>>
      %dma_wait3A_101 = arith.constant 0 : i32
      %dma_wait3A_102 = tpu.memref_slice %arg11[%dma_wait3A_101] : memref<16xf32, #tpu.memory_space<vmem>> -> memref<1xf32, #tpu.memory_space<vmem>>
      tpu.wait_dma2 semaphore(%run_scoped3A : memref<!tpu.dma_semaphore, #tpu.memory_space<semaphore_mem>>) src(%arg7 : memref<1xf32, #tpu.memory_space<hbm>>) dst(%dma_wait3A_102 : memref<1xf32, #tpu.memory_space<vmem>>)
      tpu.yield
    }) : () -> ()
    "tpu.trace_stop"() : () -> ()
    "tpu.trace_start"() <{level = 10 : i32, message = "ph_zvec"}> : () -> ()
    %add3A = arith.constant 16 : i32
    %add3A_20 = vector.broadcast %add3A : i32 to vector<16xi32>
    %add3A_21 = arith.addi %iota3A, %add3A_20 : vector<16xi32>
    %scan3A = arith.constant 0 : i32
    %scan3A_22 = arith.constant 8 : i32
    %scan3A_23 = arith.addi %scan3A, %scan3A_22 : i32
    %scan3A_24 = arith.constant 1 : i32
    %scan3A_25:2 = scf.for %scan3A_95 = %scan3A to %scan3A_23 step %scan3A_24 iter_args(%scan3A_96 = %broadcast_in_dim3A_0, %scan3A_97 = %broadcast_in_dim3A_0) -> (vector<16xf32>, vector<16xf32>)  : i32 {
      %mul3A_98 = arith.constant 16 : i32
      %mul3A_99 = arith.muli %scan3A_95, %mul3A_98 : i32
      %add3A_100 = vector.broadcast %mul3A_99 : i32 to vector<16xi32>
      %add3A_101 = arith.addi %add3A_100, %iota3A : vector<16xi32>
      %broadcast_in_dim3A_102 = arith.constant 0 : i32
      %broadcast_in_dim3A_103 = vector.broadcast %broadcast_in_dim3A_102 : i32 to vector<16xi32>
      %gather3A_104 = tpu.vector_load_idx %arg10[%add3A_101, %broadcast_in_dim3A_103] : memref<128x1xf32, #tpu.memory_space<vmem>>[vector<16xi32>, vector<16xi32>], vector<16xf32>,
      %slice3A = vector.extract_strided_slice %gather3A_104 {offsets = [0], sizes = [1], strides = [1]} : vector<16xf32> to vector<1xf32>
      %squeeze3A = vector.extract %slice3A[0] : f32 from vector<1xf32>
      %mul3A_105 = arith.constant 16 : i32
      %mul3A_106 = arith.muli %scan3A_95, %mul3A_105 : i32
      %add3A_107 = arith.constant 0 : i32
      %add3A_108 = arith.addi %mul3A_106, %add3A_107 : i32
      %mul3A_109 = arith.constant 0 : i32
      %mul3A_110 = vector.broadcast %mul3A_109 : i32 to vector<16xi32>
      %mul3A_111 = arith.muli %iota3A, %mul3A_110 : vector<16xi32>
      %add3A_112 = vector.broadcast %add3A_108 : i32 to vector<16xi32>
      %add3A_113 = arith.addi %mul3A_111, %add3A_112 : vector<16xi32>
      %gather3A_114 = tpu.vector_load_idx %arg9[%iota3A, %add3A_113] : memref<32x128xf32, #tpu.memory_space<vmem>>[vector<16xi32>, vector<16xi32>], vector<16xf32>,
      %mul3A_115 = arith.constant 0 : i32
      %mul3A_116 = vector.broadcast %mul3A_115 : i32 to vector<16xi32>
      %mul3A_117 = arith.muli %add3A_21, %mul3A_116 : vector<16xi32>
      %add3A_118 = vector.broadcast %add3A_108 : i32 to vector<16xi32>
      %add3A_119 = arith.addi %mul3A_117, %add3A_118 : vector<16xi32>
      %gather3A_120 = tpu.vector_load_idx %arg9[%add3A_21, %add3A_119] : memref<32x128xf32, #tpu.memory_space<vmem>>[vector<16xi32>, vector<16xi32>], vector<16xf32>,
      %mul3A_121 = vector.broadcast %squeeze3A : f32 to vector<16xf32>
      %mul3A_122 = arith.mulf %gather3A_114, %mul3A_121 : vector<16xf32>
      %add3A_123 = arith.addf %scan3A_96, %mul3A_122 : vector<16xf32>
      %mul3A_124 = vector.broadcast %squeeze3A : f32 to vector<16xf32>
      %mul3A_125 = arith.mulf %gather3A_120, %mul3A_124 : vector<16xf32>
      %add3A_126 = arith.addf %scan3A_97, %mul3A_125 : vector<16xf32>
      %slice3A_127 = vector.extract_strided_slice %gather3A_104 {offsets = [1], sizes = [1], strides = [1]} : vector<16xf32> to vector<1xf32>
      %squeeze3A_128 = vector.extract %slice3A_127[0] : f32 from vector<1xf32>
      %mul3A_129 = arith.constant 16 : i32
      %mul3A_130 = arith.muli %scan3A_95, %mul3A_129 : i32
      %add3A_131 = arith.constant 1 : i32
      %add3A_132 = arith.addi %mul3A_130, %add3A_131 : i32
      %mul3A_133 = arith.constant 0 : i32
      %mul3A_134 = vector.broadcast %mul3A_133 : i32 to vector<16xi32>
      %mul3A_135 = arith.muli %iota3A, %mul3A_134 : vector<16xi32>
      %add3A_136 = vector.broadcast %add3A_132 : i32 to vector<16xi32>
      %add3A_137 = arith.addi %mul3A_135, %add3A_136 : vector<16xi32>
      %gather3A_138 = tpu.vector_load_idx %arg9[%iota3A, %add3A_137] : memref<32x128xf32, #tpu.memory_space<vmem>>[vector<16xi32>, vector<16xi32>], vector<16xf32>,
      %mul3A_139 = arith.constant 0 : i32
      %mul3A_140 = vector.broadcast %mul3A_139 : i32 to vector<16xi32>
      %mul3A_141 = arith.muli %add3A_21, %mul3A_140 : vector<16xi32>
      %add3A_142 = vector.broadcast %add3A_132 : i32 to vector<16xi32>
      %add3A_143 = arith.addi %mul3A_141, %add3A_142 : vector<16xi32>
      %gather3A_144 = tpu.vector_load_idx %arg9[%add3A_21, %add3A_143] : memref<32x128xf32, #tpu.memory_space<vmem>>[vector<16xi32>, vector<16xi32>], vector<16xf32>,
      %mul3A_145 = vector.broadcast %squeeze3A_128 : f32 to vector<16xf32>
      %mul3A_146 = arith.mulf %gather3A_138, %mul3A_145 : vector<16xf32>
      %add3A_147 = arith.addf %add3A_123, %mul3A_146 : vector<16xf32>
      %mul3A_148 = vector.broadcast %squeeze3A_128 : f32 to vector<16xf32>
      %mul3A_149 = arith.mulf %gather3A_144, %mul3A_148 : vector<16xf32>
      %add3A_150 = arith.addf %add3A_126, %mul3A_149 : vector<16xf32>
      %slice3A_151 = vector.extract_strided_slice %gather3A_104 {offsets = [2], sizes = [1], strides = [1]} : vector<16xf32> to vector<1xf32>
      %squeeze3A_152 = vector.extract %slice3A_151[0] : f32 from vector<1xf32>
      %mul3A_153 = arith.constant 16 : i32
      %mul3A_154 = arith.muli %scan3A_95, %mul3A_153 : i32
      %add3A_155 = arith.constant 2 : i32
      %add3A_156 = arith.addi %mul3A_154, %add3A_155 : i32
      %mul3A_157 = arith.constant 0 : i32
      %mul3A_158 = vector.broadcast %mul3A_157 : i32 to vector<16xi32>
      %mul3A_159 = arith.muli %iota3A, %mul3A_158 : vector<16xi32>
      %add3A_160 = vector.broadcast %add3A_156 : i32 to vector<16xi32>
      %add3A_161 = arith.addi %mul3A_159, %add3A_160 : vector<16xi32>
      %gather3A_162 = tpu.vector_load_idx %arg9[%iota3A, %add3A_161] : memref<32x128xf32, #tpu.memory_space<vmem>>[vector<16xi32>, vector<16xi32>], vector<16xf32>,
      %mul3A_163 = arith.constant 0 : i32
      %mul3A_164 = vector.broadcast %mul3A_163 : i32 to vector<16xi32>
      %mul3A_165 = arith.muli %add3A_21, %mul3A_164 : vector<16xi32>
      %add3A_166 = vector.broadcast %add3A_156 : i32 to vector<16xi32>
      %add3A_167 = arith.addi %mul3A_165, %add3A_166 : vector<16xi32>
      %gather3A_168 = tpu.vector_load_idx %arg9[%add3A_21, %add3A_167] : memref<32x128xf32, #tpu.memory_space<vmem>>[vector<16xi32>, vector<16xi32>], vector<16xf32>,
      %mul3A_169 = vector.broadcast %squeeze3A_152 : f32 to vector<16xf32>
      %mul3A_170 = arith.mulf %gather3A_162, %mul3A_169 : vector<16xf32>
      %add3A_171 = arith.addf %add3A_147, %mul3A_170 : vector<16xf32>
      %mul3A_172 = vector.broadcast %squeeze3A_152 : f32 to vector<16xf32>
      %mul3A_173 = arith.mulf %gather3A_168, %mul3A_172 : vector<16xf32>
      %add3A_174 = arith.addf %add3A_150, %mul3A_173 : vector<16xf32>
      %slice3A_175 = vector.extract_strided_slice %gather3A_104 {offsets = [3], sizes = [1], strides = [1]} : vector<16xf32> to vector<1xf32>
      %squeeze3A_176 = vector.extract %slice3A_175[0] : f32 from vector<1xf32>
      %mul3A_177 = arith.constant 16 : i32
      %mul3A_178 = arith.muli %scan3A_95, %mul3A_177 : i32
      %add3A_179 = arith.constant 3 : i32
      %add3A_180 = arith.addi %mul3A_178, %add3A_179 : i32
      %mul3A_181 = arith.constant 0 : i32
      %mul3A_182 = vector.broadcast %mul3A_181 : i32 to vector<16xi32>
      %mul3A_183 = arith.muli %iota3A, %mul3A_182 : vector<16xi32>
      %add3A_184 = vector.broadcast %add3A_180 : i32 to vector<16xi32>
      %add3A_185 = arith.addi %mul3A_183, %add3A_184 : vector<16xi32>
      %gather3A_186 = tpu.vector_load_idx %arg9[%iota3A, %add3A_185] : memref<32x128xf32, #tpu.memory_space<vmem>>[vector<16xi32>, vector<16xi32>], vector<16xf32>,
      %mul3A_187 = arith.constant 0 : i32
      %mul3A_188 = vector.broadcast %mul3A_187 : i32 to vector<16xi32>
      %mul3A_189 = arith.muli %add3A_21, %mul3A_188 : vector<16xi32>
      %add3A_190 = vector.broadcast %add3A_180 : i32 to vector<16xi32>
      %add3A_191 = arith.addi %mul3A_189, %add3A_190 : vector<16xi32>
      %gather3A_192 = tpu.vector_load_idx %arg9[%add3A_21, %add3A_191] : memref<32x128xf32, #tpu.memory_space<vmem>>[vector<16xi32>, vector<16xi32>], vector<16xf32>,
      %mul3A_193 = vector.broadcast %squeeze3A_176 : f32 to vector<16xf32>
      %mul3A_194 = arith.mulf %gather3A_186, %mul3A_193 : vector<16xf32>
      %add3A_195 = arith.addf %add3A_171, %mul3A_194 : vector<16xf32>
      %mul3A_196 = vector.broadcast %squeeze3A_176 : f32 to vector<16xf32>
      %mul3A_197 = arith.mulf %gather3A_192, %mul3A_196 : vector<16xf32>
      %add3A_198 = arith.addf %add3A_174, %mul3A_197 : vector<16xf32>
      %slice3A_199 = vector.extract_strided_slice %gather3A_104 {offsets = [4], sizes = [1], strides = [1]} : vector<16xf32> to vector<1xf32>
      %squeeze3A_200 = vector.extract %slice3A_199[0] : f32 from vector<1xf32>
      %mul3A_201 = arith.constant 16 : i32
      %mul3A_202 = arith.muli %scan3A_95, %mul3A_201 : i32
      %add3A_203 = arith.constant 4 : i32
      %add3A_204 = arith.addi %mul3A_202, %add3A_203 : i32
      %mul3A_205 = arith.constant 0 : i32
      %mul3A_206 = vector.broadcast %mul3A_205 : i32 to vector<16xi32>
      %mul3A_207 = arith.muli %iota3A, %mul3A_206 : vector<16xi32>
      %add3A_208 = vector.broadcast %add3A_204 : i32 to vector<16xi32>
      %add3A_209 = arith.addi %mul3A_207, %add3A_208 : vector<16xi32>
      %gather3A_210 = tpu.vector_load_idx %arg9[%iota3A, %add3A_209] : memref<32x128xf32, #tpu.memory_space<vmem>>[vector<16xi32>, vector<16xi32>], vector<16xf32>,
      %mul3A_211 = arith.constant 0 : i32
      %mul3A_212 = vector.broadcast %mul3A_211 : i32 to vector<16xi32>
      %mul3A_213 = arith.muli %add3A_21, %mul3A_212 : vector<16xi32>
      %add3A_214 = vector.broadcast %add3A_204 : i32 to vector<16xi32>
      %add3A_215 = arith.addi %mul3A_213, %add3A_214 : vector<16xi32>
      %gather3A_216 = tpu.vector_load_idx %arg9[%add3A_21, %add3A_215] : memref<32x128xf32, #tpu.memory_space<vmem>>[vector<16xi32>, vector<16xi32>], vector<16xf32>,
      %mul3A_217 = vector.broadcast %squeeze3A_200 : f32 to vector<16xf32>
      %mul3A_218 = arith.mulf %gather3A_210, %mul3A_217 : vector<16xf32>
      %add3A_219 = arith.addf %add3A_195, %mul3A_218 : vector<16xf32>
      %mul3A_220 = vector.broadcast %squeeze3A_200 : f32 to vector<16xf32>
      %mul3A_221 = arith.mulf %gather3A_216, %mul3A_220 : vector<16xf32>
      %add3A_222 = arith.addf %add3A_198, %mul3A_221 : vector<16xf32>
      %slice3A_223 = vector.extract_strided_slice %gather3A_104 {offsets = [5], sizes = [1], strides = [1]} : vector<16xf32> to vector<1xf32>
      %squeeze3A_224 = vector.extract %slice3A_223[0] : f32 from vector<1xf32>
      %mul3A_225 = arith.constant 16 : i32
      %mul3A_226 = arith.muli %scan3A_95, %mul3A_225 : i32
      %add3A_227 = arith.constant 5 : i32
      %add3A_228 = arith.addi %mul3A_226, %add3A_227 : i32
      %mul3A_229 = arith.constant 0 : i32
      %mul3A_230 = vector.broadcast %mul3A_229 : i32 to vector<16xi32>
      %mul3A_231 = arith.muli %iota3A, %mul3A_230 : vector<16xi32>
      %add3A_232 = vector.broadcast %add3A_228 : i32 to vector<16xi32>
      %add3A_233 = arith.addi %mul3A_231, %add3A_232 : vector<16xi32>
      %gather3A_234 = tpu.vector_load_idx %arg9[%iota3A, %add3A_233] : memref<32x128xf32, #tpu.memory_space<vmem>>[vector<16xi32>, vector<16xi32>], vector<16xf32>,
      %mul3A_235 = arith.constant 0 : i32
      %mul3A_236 = vector.broadcast %mul3A_235 : i32 to vector<16xi32>
      %mul3A_237 = arith.muli %add3A_21, %mul3A_236 : vector<16xi32>
      %add3A_238 = vector.broadcast %add3A_228 : i32 to vector<16xi32>
      %add3A_239 = arith.addi %mul3A_237, %add3A_238 : vector<16xi32>
      %gather3A_240 = tpu.vector_load_idx %arg9[%add3A_21, %add3A_239] : memref<32x128xf32, #tpu.memory_space<vmem>>[vector<16xi32>, vector<16xi32>], vector<16xf32>,
      %mul3A_241 = vector.broadcast %squeeze3A_224 : f32 to vector<16xf32>
      %mul3A_242 = arith.mulf %gather3A_234, %mul3A_241 : vector<16xf32>
      %add3A_243 = arith.addf %add3A_219, %mul3A_242 : vector<16xf32>
      %mul3A_244 = vector.broadcast %squeeze3A_224 : f32 to vector<16xf32>
      %mul3A_245 = arith.mulf %gather3A_240, %mul3A_244 : vector<16xf32>
      %add3A_246 = arith.addf %add3A_222, %mul3A_245 : vector<16xf32>
      %slice3A_247 = vector.extract_strided_slice %gather3A_104 {offsets = [6], sizes = [1], strides = [1]} : vector<16xf32> to vector<1xf32>
      %squeeze3A_248 = vector.extract %slice3A_247[0] : f32 from vector<1xf32>
      %mul3A_249 = arith.constant 16 : i32
      %mul3A_250 = arith.muli %scan3A_95, %mul3A_249 : i32
      %add3A_251 = arith.constant 6 : i32
      %add3A_252 = arith.addi %mul3A_250, %add3A_251 : i32
      %mul3A_253 = arith.constant 0 : i32
      %mul3A_254 = vector.broadcast %mul3A_253 : i32 to vector<16xi32>
      %mul3A_255 = arith.muli %iota3A, %mul3A_254 : vector<16xi32>
      %add3A_256 = vector.broadcast %add3A_252 : i32 to vector<16xi32>
      %add3A_257 = arith.addi %mul3A_255, %add3A_256 : vector<16xi32>
      %gather3A_258 = tpu.vector_load_idx %arg9[%iota3A, %add3A_257] : memref<32x128xf32, #tpu.memory_space<vmem>>[vector<16xi32>, vector<16xi32>], vector<16xf32>,
      %mul3A_259 = arith.constant 0 : i32
      %mul3A_260 = vector.broadcast %mul3A_259 : i32 to vector<16xi32>
      %mul3A_261 = arith.muli %add3A_21, %mul3A_260 : vector<16xi32>
      %add3A_262 = vector.broadcast %add3A_252 : i32 to vector<16xi32>
      %add3A_263 = arith.addi %mul3A_261, %add3A_262 : vector<16xi32>
      %gather3A_264 = tpu.vector_load_idx %arg9[%add3A_21, %add3A_263] : memref<32x128xf32, #tpu.memory_space<vmem>>[vector<16xi32>, vector<16xi32>], vector<16xf32>,
      %mul3A_265 = vector.broadcast %squeeze3A_248 : f32 to vector<16xf32>
      %mul3A_266 = arith.mulf %gather3A_258, %mul3A_265 : vector<16xf32>
      %add3A_267 = arith.addf %add3A_243, %mul3A_266 : vector<16xf32>
      %mul3A_268 = vector.broadcast %squeeze3A_248 : f32 to vector<16xf32>
      %mul3A_269 = arith.mulf %gather3A_264, %mul3A_268 : vector<16xf32>
      %add3A_270 = arith.addf %add3A_246, %mul3A_269 : vector<16xf32>
      %slice3A_271 = vector.extract_strided_slice %gather3A_104 {offsets = [7], sizes = [1], strides = [1]} : vector<16xf32> to vector<1xf32>
      %squeeze3A_272 = vector.extract %slice3A_271[0] : f32 from vector<1xf32>
      %mul3A_273 = arith.constant 16 : i32
      %mul3A_274 = arith.muli %scan3A_95, %mul3A_273 : i32
      %add3A_275 = arith.constant 7 : i32
      %add3A_276 = arith.addi %mul3A_274, %add3A_275 : i32
      %mul3A_277 = arith.constant 0 : i32
      %mul3A_278 = vector.broadcast %mul3A_277 : i32 to vector<16xi32>
      %mul3A_279 = arith.muli %iota3A, %mul3A_278 : vector<16xi32>
      %add3A_280 = vector.broadcast %add3A_276 : i32 to vector<16xi32>
      %add3A_281 = arith.addi %mul3A_279, %add3A_280 : vector<16xi32>
      %gather3A_282 = tpu.vector_load_idx %arg9[%iota3A, %add3A_281] : memref<32x128xf32, #tpu.memory_space<vmem>>[vector<16xi32>, vector<16xi32>], vector<16xf32>,
      %mul3A_283 = arith.constant 0 : i32
      %mul3A_284 = vector.broadcast %mul3A_283 : i32 to vector<16xi32>
      %mul3A_285 = arith.muli %add3A_21, %mul3A_284 : vector<16xi32>
      %add3A_286 = vector.broadcast %add3A_276 : i32 to vector<16xi32>
      %add3A_287 = arith.addi %mul3A_285, %add3A_286 : vector<16xi32>
      %gather3A_288 = tpu.vector_load_idx %arg9[%add3A_21, %add3A_287] : memref<32x128xf32, #tpu.memory_space<vmem>>[vector<16xi32>, vector<16xi32>], vector<16xf32>,
      %mul3A_289 = vector.broadcast %squeeze3A_272 : f32 to vector<16xf32>
      %mul3A_290 = arith.mulf %gather3A_282, %mul3A_289 : vector<16xf32>
      %add3A_291 = arith.addf %add3A_267, %mul3A_290 : vector<16xf32>
      %mul3A_292 = vector.broadcast %squeeze3A_272 : f32 to vector<16xf32>
      %mul3A_293 = arith.mulf %gather3A_288, %mul3A_292 : vector<16xf32>
      %add3A_294 = arith.addf %add3A_270, %mul3A_293 : vector<16xf32>
      %slice3A_295 = vector.extract_strided_slice %gather3A_104 {offsets = [8], sizes = [1], strides = [1]} : vector<16xf32> to vector<1xf32>
      %squeeze3A_296 = vector.extract %slice3A_295[0] : f32 from vector<1xf32>
      %mul3A_297 = arith.constant 16 : i32
      %mul3A_298 = arith.muli %scan3A_95, %mul3A_297 : i32
      %add3A_299 = arith.constant 8 : i32
      %add3A_300 = arith.addi %mul3A_298, %add3A_299 : i32
      %mul3A_301 = arith.constant 0 : i32
      %mul3A_302 = vector.broadcast %mul3A_301 : i32 to vector<16xi32>
      %mul3A_303 = arith.muli %iota3A, %mul3A_302 : vector<16xi32>
      %add3A_304 = vector.broadcast %add3A_300 : i32 to vector<16xi32>
      %add3A_305 = arith.addi %mul3A_303, %add3A_304 : vector<16xi32>
      %gather3A_306 = tpu.vector_load_idx %arg9[%iota3A, %add3A_305] : memref<32x128xf32, #tpu.memory_space<vmem>>[vector<16xi32>, vector<16xi32>], vector<16xf32>,
      %mul3A_307 = arith.constant 0 : i32
      %mul3A_308 = vector.broadcast %mul3A_307 : i32 to vector<16xi32>
      %mul3A_309 = arith.muli %add3A_21, %mul3A_308 : vector<16xi32>
      %add3A_310 = vector.broadcast %add3A_300 : i32 to vector<16xi32>
      %add3A_311 = arith.addi %mul3A_309, %add3A_310 : vector<16xi32>
      %gather3A_312 = tpu.vector_load_idx %arg9[%add3A_21, %add3A_311] : memref<32x128xf32, #tpu.memory_space<vmem>>[vector<16xi32>, vector<16xi32>], vector<16xf32>,
      %mul3A_313 = vector.broadcast %squeeze3A_296 : f32 to vector<16xf32>
      %mul3A_314 = arith.mulf %gather3A_306, %mul3A_313 : vector<16xf32>
      %add3A_315 = arith.addf %add3A_291, %mul3A_314 : vector<16xf32>
      %mul3A_316 = vector.broadcast %squeeze3A_296 : f32 to vector<16xf32>
      %mul3A_317 = arith.mulf %gather3A_312, %mul3A_316 : vector<16xf32>
      %add3A_318 = arith.addf %add3A_294, %mul3A_317 : vector<16xf32>
      %slice3A_319 = vector.extract_strided_slice %gather3A_104 {offsets = [9], sizes = [1], strides = [1]} : vector<16xf32> to vector<1xf32>
      %squeeze3A_320 = vector.extract %slice3A_319[0] : f32 from vector<1xf32>
      %mul3A_321 = arith.constant 16 : i32
      %mul3A_322 = arith.muli %scan3A_95, %mul3A_321 : i32
      %add3A_323 = arith.constant 9 : i32
      %add3A_324 = arith.addi %mul3A_322, %add3A_323 : i32
      %mul3A_325 = arith.constant 0 : i32
      %mul3A_326 = vector.broadcast %mul3A_325 : i32 to vector<16xi32>
      %mul3A_327 = arith.muli %iota3A, %mul3A_326 : vector<16xi32>
      %add3A_328 = vector.broadcast %add3A_324 : i32 to vector<16xi32>
      %add3A_329 = arith.addi %mul3A_327, %add3A_328 : vector<16xi32>
      %gather3A_330 = tpu.vector_load_idx %arg9[%iota3A, %add3A_329] : memref<32x128xf32, #tpu.memory_space<vmem>>[vector<16xi32>, vector<16xi32>], vector<16xf32>,
      %mul3A_331 = arith.constant 0 : i32
      %mul3A_332 = vector.broadcast %mul3A_331 : i32 to vector<16xi32>
      %mul3A_333 = arith.muli %add3A_21, %mul3A_332 : vector<16xi32>
      %add3A_334 = vector.broadcast %add3A_324 : i32 to vector<16xi32>
      %add3A_335 = arith.addi %mul3A_333, %add3A_334 : vector<16xi32>
      %gather3A_336 = tpu.vector_load_idx %arg9[%add3A_21, %add3A_335] : memref<32x128xf32, #tpu.memory_space<vmem>>[vector<16xi32>, vector<16xi32>], vector<16xf32>,
      %mul3A_337 = vector.broadcast %squeeze3A_320 : f32 to vector<16xf32>
      %mul3A_338 = arith.mulf %gather3A_330, %mul3A_337 : vector<16xf32>
      %add3A_339 = arith.addf %add3A_315, %mul3A_338 : vector<16xf32>
      %mul3A_340 = vector.broadcast %squeeze3A_320 : f32 to vector<16xf32>
      %mul3A_341 = arith.mulf %gather3A_336, %mul3A_340 : vector<16xf32>
      %add3A_342 = arith.addf %add3A_318, %mul3A_341 : vector<16xf32>
      %slice3A_343 = vector.extract_strided_slice %gather3A_104 {offsets = [10], sizes = [1], strides = [1]} : vector<16xf32> to vector<1xf32>
      %squeeze3A_344 = vector.extract %slice3A_343[0] : f32 from vector<1xf32>
      %mul3A_345 = arith.constant 16 : i32
      %mul3A_346 = arith.muli %scan3A_95, %mul3A_345 : i32
      %add3A_347 = arith.constant 10 : i32
      %add3A_348 = arith.addi %mul3A_346, %add3A_347 : i32
      %mul3A_349 = arith.constant 0 : i32
      %mul3A_350 = vector.broadcast %mul3A_349 : i32 to vector<16xi32>
      %mul3A_351 = arith.muli %iota3A, %mul3A_350 : vector<16xi32>
      %add3A_352 = vector.broadcast %add3A_348 : i32 to vector<16xi32>
      %add3A_353 = arith.addi %mul3A_351, %add3A_352 : vector<16xi32>
      %gather3A_354 = tpu.vector_load_idx %arg9[%iota3A, %add3A_353] : memref<32x128xf32, #tpu.memory_space<vmem>>[vector<16xi32>, vector<16xi32>], vector<16xf32>,
      %mul3A_355 = arith.constant 0 : i32
      %mul3A_356 = vector.broadcast %mul3A_355 : i32 to vector<16xi32>
      %mul3A_357 = arith.muli %add3A_21, %mul3A_356 : vector<16xi32>
      %add3A_358 = vector.broadcast %add3A_348 : i32 to vector<16xi32>
      %add3A_359 = arith.addi %mul3A_357, %add3A_358 : vector<16xi32>
      %gather3A_360 = tpu.vector_load_idx %arg9[%add3A_21, %add3A_359] : memref<32x128xf32, #tpu.memory_space<vmem>>[vector<16xi32>, vector<16xi32>], vector<16xf32>,
      %mul3A_361 = vector.broadcast %squeeze3A_344 : f32 to vector<16xf32>
      %mul3A_362 = arith.mulf %gather3A_354, %mul3A_361 : vector<16xf32>
      %add3A_363 = arith.addf %add3A_339, %mul3A_362 : vector<16xf32>
      %mul3A_364 = vector.broadcast %squeeze3A_344 : f32 to vector<16xf32>
      %mul3A_365 = arith.mulf %gather3A_360, %mul3A_364 : vector<16xf32>
      %add3A_366 = arith.addf %add3A_342, %mul3A_365 : vector<16xf32>
      %slice3A_367 = vector.extract_strided_slice %gather3A_104 {offsets = [11], sizes = [1], strides = [1]} : vector<16xf32> to vector<1xf32>
      %squeeze3A_368 = vector.extract %slice3A_367[0] : f32 from vector<1xf32>
      %mul3A_369 = arith.constant 16 : i32
      %mul3A_370 = arith.muli %scan3A_95, %mul3A_369 : i32
      %add3A_371 = arith.constant 11 : i32
      %add3A_372 = arith.addi %mul3A_370, %add3A_371 : i32
      %mul3A_373 = arith.constant 0 : i32
      %mul3A_374 = vector.broadcast %mul3A_373 : i32 to vector<16xi32>
      %mul3A_375 = arith.muli %iota3A, %mul3A_374 : vector<16xi32>
      %add3A_376 = vector.broadcast %add3A_372 : i32 to vector<16xi32>
      %add3A_377 = arith.addi %mul3A_375, %add3A_376 : vector<16xi32>
      %gather3A_378 = tpu.vector_load_idx %arg9[%iota3A, %add3A_377] : memref<32x128xf32, #tpu.memory_space<vmem>>[vector<16xi32>, vector<16xi32>], vector<16xf32>,
      %mul3A_379 = arith.constant 0 : i32
      %mul3A_380 = vector.broadcast %mul3A_379 : i32 to vector<16xi32>
      %mul3A_381 = arith.muli %add3A_21, %mul3A_380 : vector<16xi32>
      %add3A_382 = vector.broadcast %add3A_372 : i32 to vector<16xi32>
      %add3A_383 = arith.addi %mul3A_381, %add3A_382 : vector<16xi32>
      %gather3A_384 = tpu.vector_load_idx %arg9[%add3A_21, %add3A_383] : memref<32x128xf32, #tpu.memory_space<vmem>>[vector<16xi32>, vector<16xi32>], vector<16xf32>,
      %mul3A_385 = vector.broadcast %squeeze3A_368 : f32 to vector<16xf32>
      %mul3A_386 = arith.mulf %gather3A_378, %mul3A_385 : vector<16xf32>
      %add3A_387 = arith.addf %add3A_363, %mul3A_386 : vector<16xf32>
      %mul3A_388 = vector.broadcast %squeeze3A_368 : f32 to vector<16xf32>
      %mul3A_389 = arith.mulf %gather3A_384, %mul3A_388 : vector<16xf32>
      %add3A_390 = arith.addf %add3A_366, %mul3A_389 : vector<16xf32>
      %slice3A_391 = vector.extract_strided_slice %gather3A_104 {offsets = [12], sizes = [1], strides = [1]} : vector<16xf32> to vector<1xf32>
      %squeeze3A_392 = vector.extract %slice3A_391[0] : f32 from vector<1xf32>
      %mul3A_393 = arith.constant 16 : i32
      %mul3A_394 = arith.muli %scan3A_95, %mul3A_393 : i32
      %add3A_395 = arith.constant 12 : i32
      %add3A_396 = arith.addi %mul3A_394, %add3A_395 : i32
      %mul3A_397 = arith.constant 0 : i32
      %mul3A_398 = vector.broadcast %mul3A_397 : i32 to vector<16xi32>
      %mul3A_399 = arith.muli %iota3A, %mul3A_398 : vector<16xi32>
      %add3A_400 = vector.broadcast %add3A_396 : i32 to vector<16xi32>
      %add3A_401 = arith.addi %mul3A_399, %add3A_400 : vector<16xi32>
      %gather3A_402 = tpu.vector_load_idx %arg9[%iota3A, %add3A_401] : memref<32x128xf32, #tpu.memory_space<vmem>>[vector<16xi32>, vector<16xi32>], vector<16xf32>,
      %mul3A_403 = arith.constant 0 : i32
      %mul3A_404 = vector.broadcast %mul3A_403 : i32 to vector<16xi32>
      %mul3A_405 = arith.muli %add3A_21, %mul3A_404 : vector<16xi32>
      %add3A_406 = vector.broadcast %add3A_396 : i32 to vector<16xi32>
      %add3A_407 = arith.addi %mul3A_405, %add3A_406 : vector<16xi32>
      %gather3A_408 = tpu.vector_load_idx %arg9[%add3A_21, %add3A_407] : memref<32x128xf32, #tpu.memory_space<vmem>>[vector<16xi32>, vector<16xi32>], vector<16xf32>,
      %mul3A_409 = vector.broadcast %squeeze3A_392 : f32 to vector<16xf32>
      %mul3A_410 = arith.mulf %gather3A_402, %mul3A_409 : vector<16xf32>
      %add3A_411 = arith.addf %add3A_387, %mul3A_410 : vector<16xf32>
      %mul3A_412 = vector.broadcast %squeeze3A_392 : f32 to vector<16xf32>
      %mul3A_413 = arith.mulf %gather3A_408, %mul3A_412 : vector<16xf32>
      %add3A_414 = arith.addf %add3A_390, %mul3A_413 : vector<16xf32>
      %slice3A_415 = vector.extract_strided_slice %gather3A_104 {offsets = [13], sizes = [1], strides = [1]} : vector<16xf32> to vector<1xf32>
      %squeeze3A_416 = vector.extract %slice3A_415[0] : f32 from vector<1xf32>
      %mul3A_417 = arith.constant 16 : i32
      %mul3A_418 = arith.muli %scan3A_95, %mul3A_417 : i32
      %add3A_419 = arith.constant 13 : i32
      %add3A_420 = arith.addi %mul3A_418, %add3A_419 : i32
      %mul3A_421 = arith.constant 0 : i32
      %mul3A_422 = vector.broadcast %mul3A_421 : i32 to vector<16xi32>
      %mul3A_423 = arith.muli %iota3A, %mul3A_422 : vector<16xi32>
      %add3A_424 = vector.broadcast %add3A_420 : i32 to vector<16xi32>
      %add3A_425 = arith.addi %mul3A_423, %add3A_424 : vector<16xi32>
      %gather3A_426 = tpu.vector_load_idx %arg9[%iota3A, %add3A_425] : memref<32x128xf32, #tpu.memory_space<vmem>>[vector<16xi32>, vector<16xi32>], vector<16xf32>,
      %mul3A_427 = arith.constant 0 : i32
      %mul3A_428 = vector.broadcast %mul3A_427 : i32 to vector<16xi32>
      %mul3A_429 = arith.muli %add3A_21, %mul3A_428 : vector<16xi32>
      %add3A_430 = vector.broadcast %add3A_420 : i32 to vector<16xi32>
      %add3A_431 = arith.addi %mul3A_429, %add3A_430 : vector<16xi32>
      %gather3A_432 = tpu.vector_load_idx %arg9[%add3A_21, %add3A_431] : memref<32x128xf32, #tpu.memory_space<vmem>>[vector<16xi32>, vector<16xi32>], vector<16xf32>,
      %mul3A_433 = vector.broadcast %squeeze3A_416 : f32 to vector<16xf32>
      %mul3A_434 = arith.mulf %gather3A_426, %mul3A_433 : vector<16xf32>
      %add3A_435 = arith.addf %add3A_411, %mul3A_434 : vector<16xf32>
      %mul3A_436 = vector.broadcast %squeeze3A_416 : f32 to vector<16xf32>
      %mul3A_437 = arith.mulf %gather3A_432, %mul3A_436 : vector<16xf32>
      %add3A_438 = arith.addf %add3A_414, %mul3A_437 : vector<16xf32>
      %slice3A_439 = vector.extract_strided_slice %gather3A_104 {offsets = [14], sizes = [1], strides = [1]} : vector<16xf32> to vector<1xf32>
      %squeeze3A_440 = vector.extract %slice3A_439[0] : f32 from vector<1xf32>
      %mul3A_441 = arith.constant 16 : i32
      %mul3A_442 = arith.muli %scan3A_95, %mul3A_441 : i32
      %add3A_443 = arith.constant 14 : i32
      %add3A_444 = arith.addi %mul3A_442, %add3A_443 : i32
      %mul3A_445 = arith.constant 0 : i32
      %mul3A_446 = vector.broadcast %mul3A_445 : i32 to vector<16xi32>
      %mul3A_447 = arith.muli %iota3A, %mul3A_446 : vector<16xi32>
      %add3A_448 = vector.broadcast %add3A_444 : i32 to vector<16xi32>
      %add3A_449 = arith.addi %mul3A_447, %add3A_448 : vector<16xi32>
      %gather3A_450 = tpu.vector_load_idx %arg9[%iota3A, %add3A_449] : memref<32x128xf32, #tpu.memory_space<vmem>>[vector<16xi32>, vector<16xi32>], vector<16xf32>,
      %mul3A_451 = arith.constant 0 : i32
      %mul3A_452 = vector.broadcast %mul3A_451 : i32 to vector<16xi32>
      %mul3A_453 = arith.muli %add3A_21, %mul3A_452 : vector<16xi32>
      %add3A_454 = vector.broadcast %add3A_444 : i32 to vector<16xi32>
      %add3A_455 = arith.addi %mul3A_453, %add3A_454 : vector<16xi32>
      %gather3A_456 = tpu.vector_load_idx %arg9[%add3A_21, %add3A_455] : memref<32x128xf32, #tpu.memory_space<vmem>>[vector<16xi32>, vector<16xi32>], vector<16xf32>,
      %mul3A_457 = vector.broadcast %squeeze3A_440 : f32 to vector<16xf32>
      %mul3A_458 = arith.mulf %gather3A_450, %mul3A_457 : vector<16xf32>
      %add3A_459 = arith.addf %add3A_435, %mul3A_458 : vector<16xf32>
      %mul3A_460 = vector.broadcast %squeeze3A_440 : f32 to vector<16xf32>
      %mul3A_461 = arith.mulf %gather3A_456, %mul3A_460 : vector<16xf32>
      %add3A_462 = arith.addf %add3A_438, %mul3A_461 : vector<16xf32>
      %slice3A_463 = vector.extract_strided_slice %gather3A_104 {offsets = [15], sizes = [1], strides = [1]} : vector<16xf32> to vector<1xf32>
      %squeeze3A_464 = vector.extract %slice3A_463[0] : f32 from vector<1xf32>
      %mul3A_465 = arith.constant 16 : i32
      %mul3A_466 = arith.muli %scan3A_95, %mul3A_465 : i32
      %add3A_467 = arith.constant 15 : i32
      %add3A_468 = arith.addi %mul3A_466, %add3A_467 : i32
      %mul3A_469 = arith.constant 0 : i32
      %mul3A_470 = vector.broadcast %mul3A_469 : i32 to vector<16xi32>
      %mul3A_471 = arith.muli %iota3A, %mul3A_470 : vector<16xi32>
      %add3A_472 = vector.broadcast %add3A_468 : i32 to vector<16xi32>
      %add3A_473 = arith.addi %mul3A_471, %add3A_472 : vector<16xi32>
      %gather3A_474 = tpu.vector_load_idx %arg9[%iota3A, %add3A_473] : memref<32x128xf32, #tpu.memory_space<vmem>>[vector<16xi32>, vector<16xi32>], vector<16xf32>,
      %mul3A_475 = arith.constant 0 : i32
      %mul3A_476 = vector.broadcast %mul3A_475 : i32 to vector<16xi32>
      %mul3A_477 = arith.muli %add3A_21, %mul3A_476 : vector<16xi32>
      %add3A_478 = vector.broadcast %add3A_468 : i32 to vector<16xi32>
      %add3A_479 = arith.addi %mul3A_477, %add3A_478 : vector<16xi32>
      %gather3A_480 = tpu.vector_load_idx %arg9[%add3A_21, %add3A_479] : memref<32x128xf32, #tpu.memory_space<vmem>>[vector<16xi32>, vector<16xi32>], vector<16xf32>,
      %mul3A_481 = vector.broadcast %squeeze3A_464 : f32 to vector<16xf32>
      %mul3A_482 = arith.mulf %gather3A_474, %mul3A_481 : vector<16xf32>
      %add3A_483 = arith.addf %add3A_459, %mul3A_482 : vector<16xf32>
      %mul3A_484 = vector.broadcast %squeeze3A_464 : f32 to vector<16xf32>
      %mul3A_485 = arith.mulf %gather3A_480, %mul3A_484 : vector<16xf32>
      %add3A_486 = arith.addf %add3A_462, %mul3A_485 : vector<16xf32>
      scf.yield %add3A_483, %add3A_486 : vector<16xf32>, vector<16xf32>
    }
    %scan3A_26 = arith.constant 8 : i32
    %swap3A = arith.constant 0 : index
    %swap3A_27 = tpu.vector_load %arg12[%swap3A] {strides = array<i32>} : memref<32xf32, #tpu.memory_space<vmem>>, vector<16xf32>,
    tpu.vector_store %arg12[%swap3A], %scan3A_25#0 {strides = array<i32>} : memref<32xf32, #tpu.memory_space<vmem>>, vector<16xf32>,
    %swap3A_28 = arith.constant 16 : index
    %swap3A_29 = tpu.vector_load %arg12[%swap3A_28] {strides = array<i32>} : memref<32xf32, #tpu.memory_space<vmem>>, vector<16xf32>,
    tpu.vector_store %arg12[%swap3A_28], %scan3A_25#1 {strides = array<i32>} : memref<32xf32, #tpu.memory_space<vmem>>, vector<16xf32>,
    %parallel_loop3A = arith.constant 0 : i32
    %parallel_loop3A_30 = arith.constant 640 : i32
    %parallel_loop3A_31 = arith.constant 1 : i32
    "tpu.trace_stop"() : () -> ()
    "tpu.trace_start"() <{level = 10 : i32, message = "ph_zero"}> : () -> ()
    scf.for %parallel_loop3A_95 = %parallel_loop3A to %parallel_loop3A_30 step %parallel_loop3A_31  : i32 {
      %parallel_loop3A_96 = arith.constant 16 : i32
      %parallel_loop3A_97 = arith.muli %parallel_loop3A_95, %parallel_loop3A_96 : i32
      %parallel_loop3A_98 = arith.index_cast %parallel_loop3A_97 : i32 to index
      %parallel_loop3A_99 = tpu.vector_load %arg14[%parallel_loop3A_98] {strides = array<i32>} : memref<10240xf32, #tpu.memory_space<vmem>>, vector<16xf32>,
      tpu.vector_store %arg14[%parallel_loop3A_98], %broadcast_in_dim3A_0 {strides = array<i32>} : memref<10240xf32, #tpu.memory_space<vmem>>, vector<16xf32>,
      %parallel_loop3A_100 = arith.constant 16 : i32
      %parallel_loop3A_101 = arith.muli %parallel_loop3A_95, %parallel_loop3A_100 : i32
      %parallel_loop3A_102 = arith.index_cast %parallel_loop3A_101 : i32 to index
      %parallel_loop3A_103 = tpu.vector_load %arg15[%parallel_loop3A_102] {strides = array<i32>} : memref<10240xf32, #tpu.memory_space<vmem>>, vector<16xf32>,
      tpu.vector_store %arg15[%parallel_loop3A_102], %broadcast_in_dim3A_0 {strides = array<i32>} : memref<10240xf32, #tpu.memory_space<vmem>>, vector<16xf32>,
    } {sc.loop_unroll_factor = 8 : i64, sc.parallel_access}
    "tpu.trace_stop"() : () -> ()
    "tpu.trace_start"() <{level = 10 : i32, message = "ph_hist"}> : () -> ()
    %dma_wait3A = arith.constant 0 : i32
    %dma_wait3A_32 = tpu.memref_slice %arg3[%dma_wait3A, %mul3A_5] : memref<2x320000xi32, #tpu.memory_space<hbm>> -> memref<2x19968xi32, #tpu.memory_space<hbm>>
    %dma_wait3A_33 = arith.constant 0 : i32
    %dma_wait3A_34 = tpu.memref_slice %arg3[%dma_wait3A_33, %mul3A_5] : memref<2x320000xi32, #tpu.memory_space<hbm>> -> memref<2x19968xi32, #tpu.memory_space<hbm>>
    tpu.wait_dma2 semaphore(%arg25 : memref<!tpu.dma_semaphore, #tpu.memory_space<semaphore_mem>>) src(%dma_wait3A_34 : memref<2x19968xi32, #tpu.memory_space<hbm>>) dst(%arg16 : memref<2x19968xi32, #tpu.memory_space<vmem>>)
    %parallel_loop3A_35 = arith.constant 0 : i32
    %parallel_loop3A_36 = arith.constant 1248 : i32
    %parallel_loop3A_37 = arith.constant 1 : i32
    scf.for %parallel_loop3A_95 = %parallel_loop3A_35 to %parallel_loop3A_36 step %parallel_loop3A_37  : i32 {
      %parallel_loop3A_96 = arith.constant 16 : i32
      %parallel_loop3A_97 = arith.muli %parallel_loop3A_95, %parallel_loop3A_96 : i32
      %parallel_loop3A_98 = arith.constant 1 : i32
      %parallel_loop3A_99 = arith.index_cast %parallel_loop3A_98 : i32 to index
      %parallel_loop3A_100 = arith.index_cast %parallel_loop3A_97 : i32 to index
      %parallel_loop3A_101 = tpu.vector_load %arg16[%parallel_loop3A_99, %parallel_loop3A_100] {strides = array<i32>} : memref<2x19968xi32, #tpu.memory_space<vmem>>, vector<16xi32>,
      tpu.vector_store_idx %arg14[%parallel_loop3A_101], %broadcast_in_dim3A_2 {add = true} : memref<10240xf32, #tpu.memory_space<vmem>>[vector<16xi32>], vector<16xf32>,
    } {sc.loop_unroll_factor = 8 : i64, sc.parallel_access}
    %eq3A_38 = arith.constant 0 : i32
    %eq3A_39 = arith.cmpi eq, %arg1, %eq3A_38 : i32
    %convert_element_type3A_40 = arith.extui %eq3A_39 : i1 to i32
    %cond3A_41 = arith.constant 0 : i32
    %cond3A_42 = arith.cmpi ne, %convert_element_type3A_40, %cond3A_41 : i32
    scf.if %cond3A_42 {
      %dma_wait3A_95 = arith.constant 0 : i32
      %dma_wait3A_96 = arith.constant 319488 : i32
      %dma_wait3A_97 = tpu.memref_slice %arg3[%dma_wait3A_95, %dma_wait3A_96] : memref<2x320000xi32, #tpu.memory_space<hbm>> -> memref<2x512xi32, #tpu.memory_space<hbm>>
      %dma_wait3A_98 = arith.constant 0 : i32
      %dma_wait3A_99 = arith.constant 319488 : i32
      %dma_wait3A_100 = tpu.memref_slice %arg3[%dma_wait3A_98, %dma_wait3A_99] : memref<2x320000xi32, #tpu.memory_space<hbm>> -> memref<2x512xi32, #tpu.memory_space<hbm>>
      tpu.wait_dma2 semaphore(%arg26 : memref<!tpu.dma_semaphore, #tpu.memory_space<semaphore_mem>>) src(%dma_wait3A_100 : memref<2x512xi32, #tpu.memory_space<hbm>>) dst(%arg17 : memref<2x512xi32, #tpu.memory_space<vmem>>)
      %parallel_loop3A_101 = arith.constant 0 : i32
      %parallel_loop3A_102 = arith.constant 32 : i32
      %parallel_loop3A_103 = arith.constant 1 : i32
      scf.for %parallel_loop3A_104 = %parallel_loop3A_101 to %parallel_loop3A_102 step %parallel_loop3A_103  : i32 {
        %parallel_loop3A_105 = arith.constant 16 : i32
        %parallel_loop3A_106 = arith.muli %parallel_loop3A_104, %parallel_loop3A_105 : i32
        %parallel_loop3A_107 = arith.constant 1 : i32
        %parallel_loop3A_108 = arith.index_cast %parallel_loop3A_107 : i32 to index
        %parallel_loop3A_109 = arith.index_cast %parallel_loop3A_106 : i32 to index
        %parallel_loop3A_110 = tpu.vector_load %arg17[%parallel_loop3A_108, %parallel_loop3A_109] {strides = array<i32>} : memref<2x512xi32, #tpu.memory_space<vmem>>, vector<16xi32>,
        tpu.vector_store_idx %arg14[%parallel_loop3A_110], %broadcast_in_dim3A_2 {add = true} : memref<10240xf32, #tpu.memory_space<vmem>>[vector<16xi32>], vector<16xf32>,
      } {sc.loop_unroll_factor = 8 : i64, sc.parallel_access}
    } else {
    }
    %lt3A_43 = arith.constant 15 : i32
    "tpu.trace_stop"() : () -> ()
    "tpu.trace_start"() <{level = 10 : i32, message = "ph_degcomb"}> : () -> ()
    %lt3A_44 = arith.cmpi slt, %arg1, %lt3A_43 : i32
    %convert_element_type3A_45 = arith.extui %lt3A_44 : i1 to i32
    %cond3A_46 = arith.constant 0 : i32
    %cond3A_47 = arith.cmpi ne, %convert_element_type3A_45, %cond3A_46 : i32
    scf.if %cond3A_47 {
      %dma_wait3A_95 = tpu.memref_slice %arg2[%mul3A_3] : memref<10000xi32, #tpu.memory_space<hbm>> -> memref<640xi32, #tpu.memory_space<hbm>>
      %dma_wait3A_96 = tpu.memref_slice %arg2[%mul3A_3] : memref<10000xi32, #tpu.memory_space<hbm>> -> memref<640xi32, #tpu.memory_space<hbm>>
      tpu.wait_dma2 semaphore(%arg27 : memref<!tpu.dma_semaphore, #tpu.memory_space<semaphore_mem>>) src(%dma_wait3A_96 : memref<640xi32, #tpu.memory_space<hbm>>) dst(%arg18 : memref<640xi32, #tpu.memory_space<vmem>>)
    } else {
    }
    %eq3A_48 = arith.constant 15 : i32
    %eq3A_49 = arith.cmpi eq, %arg1, %eq3A_48 : i32
    %convert_element_type3A_50 = arith.extui %eq3A_49 : i1 to i32
    %cond3A_51 = arith.constant 0 : i32
    %cond3A_52 = arith.cmpi ne, %convert_element_type3A_50, %cond3A_51 : i32
    scf.if %cond3A_52 {
      %dma_wait3A_95 = arith.constant 0 : i32
      %dma_wait3A_96 = tpu.memref_slice %arg18[%dma_wait3A_95] : memref<640xi32, #tpu.memory_space<vmem>> -> memref<400xi32, #tpu.memory_space<vmem>>
      %dma_wait3A_97 = arith.constant 9600 : i32
      %dma_wait3A_98 = tpu.memref_slice %arg2[%dma_wait3A_97] : memref<10000xi32, #tpu.memory_space<hbm>> -> memref<400xi32, #tpu.memory_space<hbm>>
      %dma_wait3A_99 = arith.constant 0 : i32
      %dma_wait3A_100 = tpu.memref_slice %arg18[%dma_wait3A_99] : memref<640xi32, #tpu.memory_space<vmem>> -> memref<400xi32, #tpu.memory_space<vmem>>
      %dma_wait3A_101 = arith.constant 9600 : i32
      %dma_wait3A_102 = tpu.memref_slice %arg2[%dma_wait3A_101] : memref<10000xi32, #tpu.memory_space<hbm>> -> memref<400xi32, #tpu.memory_space<hbm>>
      tpu.wait_dma2 semaphore(%arg27 : memref<!tpu.dma_semaphore, #tpu.memory_space<semaphore_mem>>) src(%dma_wait3A_102 : memref<400xi32, #tpu.memory_space<hbm>>) dst(%dma_wait3A_100 : memref<400xi32, #tpu.memory_space<vmem>>)
    } else {
    }
    "tpu.region"() ({
      %run_scoped3A = tpu.sem_alloc : memref<!tpu.dma_semaphore, #tpu.memory_space<semaphore_mem>>
      %dma_start3A_95 = arith.constant 0 : i32
      %dma_start3A_96 = tpu.memref_slice %arg29[%arg1, %dma_start3A_95] : memref<16x10240xf32, #tpu.memory_space<vmem_shared>> -> memref<1x10240xf32, #tpu.memory_space<vmem_shared>>
      %dma_start3A_97 = tpu.memref_squeeze %dma_start3A_96 : memref<1x10240xf32, #tpu.memory_space<vmem_shared>> -> memref<10240xf32, #tpu.memory_space<vmem_shared>>
      %dma_start3A_98 = arith.constant 0 : i32
      %dma_start3A_99 = tpu.memref_slice %arg29[%arg1, %dma_start3A_98] : memref<16x10240xf32, #tpu.memory_space<vmem_shared>> -> memref<1x10240xf32, #tpu.memory_space<vmem_shared>>
      %dma_start3A_100 = tpu.memref_squeeze %dma_start3A_99 : memref<1x10240xf32, #tpu.memory_space<vmem_shared>> -> memref<10240xf32, #tpu.memory_space<vmem_shared>>
      tpu.enqueue_dma source(%arg14 : memref<10240xf32, #tpu.memory_space<vmem>>) target(%dma_start3A_100 : memref<10240xf32, #tpu.memory_space<vmem_shared>>) target_semaphore(%run_scoped3A : memref<!tpu.dma_semaphore, #tpu.memory_space<semaphore_mem>>)
      %dma_wait3A_101 = arith.constant 0 : i32
      %dma_wait3A_102 = tpu.memref_slice %arg29[%arg1, %dma_wait3A_101] : memref<16x10240xf32, #tpu.memory_space<vmem_shared>> -> memref<1x10240xf32, #tpu.memory_space<vmem_shared>>
      %dma_wait3A_103 = tpu.memref_squeeze %dma_wait3A_102 : memref<1x10240xf32, #tpu.memory_space<vmem_shared>> -> memref<10240xf32, #tpu.memory_space<vmem_shared>>
      %dma_wait3A_104 = arith.constant 0 : i32
      %dma_wait3A_105 = tpu.memref_slice %arg29[%arg1, %dma_wait3A_104] : memref<16x10240xf32, #tpu.memory_space<vmem_shared>> -> memref<1x10240xf32, #tpu.memory_space<vmem_shared>>
      %dma_wait3A_106 = tpu.memref_squeeze %dma_wait3A_105 : memref<1x10240xf32, #tpu.memory_space<vmem_shared>> -> memref<10240xf32, #tpu.memory_space<vmem_shared>>
      tpu.wait_dma2 semaphore(%run_scoped3A : memref<!tpu.dma_semaphore, #tpu.memory_space<semaphore_mem>>) src(%arg14 : memref<10240xf32, #tpu.memory_space<vmem>>) dst(%dma_wait3A_106 : memref<10240xf32, #tpu.memory_space<vmem_shared>>)
      tpu.yield
    }) : () -> ()
    %barrier3A = arith.constant 0 : index
    tpu.barrier barrier_id(%barrier3A)
    "tpu.region"() ({
      %run_scoped3A = tpu.sem_alloc : memref<!tpu.dma_semaphore, #tpu.memory_space<semaphore_mem>>
      %dma_start3A_95 = arith.constant 0 : i32
      %dma_start3A_96 = tpu.memref_slice %arg29[%dma_start3A_95, %mul3A_3] : memref<16x10240xf32, #tpu.memory_space<vmem_shared>> -> memref<16x640xf32, #tpu.memory_space<vmem_shared>>
      %dma_start3A_97 = arith.constant 0 : i32
      %dma_start3A_98 = tpu.memref_slice %arg29[%dma_start3A_97, %mul3A_3] : memref<16x10240xf32, #tpu.memory_space<vmem_shared>> -> memref<16x640xf32, #tpu.memory_space<vmem_shared>>
      tpu.enqueue_dma source(%dma_start3A_98 : memref<16x640xf32, #tpu.memory_space<vmem_shared>>) target(%arg20 : memref<16x640xf32, #tpu.memory_space<vmem>>) target_semaphore(%run_scoped3A : memref<!tpu.dma_semaphore, #tpu.memory_space<semaphore_mem>>)
      %dma_wait3A_99 = arith.constant 0 : i32
      %dma_wait3A_100 = tpu.memref_slice %arg29[%dma_wait3A_99, %mul3A_3] : memref<16x10240xf32, #tpu.memory_space<vmem_shared>> -> memref<16x640xf32, #tpu.memory_space<vmem_shared>>
      %dma_wait3A_101 = arith.constant 0 : i32
      %dma_wait3A_102 = tpu.memref_slice %arg29[%dma_wait3A_101, %mul3A_3] : memref<16x10240xf32, #tpu.memory_space<vmem_shared>> -> memref<16x640xf32, #tpu.memory_space<vmem_shared>>
      tpu.wait_dma2 semaphore(%run_scoped3A : memref<!tpu.dma_semaphore, #tpu.memory_space<semaphore_mem>>) src(%dma_wait3A_102 : memref<16x640xf32, #tpu.memory_space<vmem_shared>>) dst(%arg20 : memref<16x640xf32, #tpu.memory_space<vmem>>)
      tpu.yield
    }) : () -> ()
    %parallel_loop3A_53 = arith.constant 0 : i32
    %parallel_loop3A_54 = arith.constant 40 : i32
    %parallel_loop3A_55 = arith.constant 1 : i32
    scf.for %parallel_loop3A_95 = %parallel_loop3A_53 to %parallel_loop3A_54 step %parallel_loop3A_55  : i32 {
      %parallel_loop3A_96 = arith.constant 16 : i32
      %parallel_loop3A_97 = arith.muli %parallel_loop3A_95, %parallel_loop3A_96 : i32
      %parallel_loop3A_98 = arith.constant 0 : i32
      %parallel_loop3A_99 = arith.index_cast %parallel_loop3A_98 : i32 to index
      %parallel_loop3A_100 = arith.index_cast %parallel_loop3A_97 : i32 to index
      %parallel_loop3A_101 = tpu.vector_load %arg20[%parallel_loop3A_99, %parallel_loop3A_100] {strides = array<i32>} : memref<16x640xf32, #tpu.memory_space<vmem>>, vector<16xf32>,
      %parallel_loop3A_102 = arith.constant 1 : i32
      %parallel_loop3A_103 = arith.index_cast %parallel_loop3A_102 : i32 to index
      %parallel_loop3A_104 = arith.index_cast %parallel_loop3A_97 : i32 to index
      %parallel_loop3A_105 = tpu.vector_load %arg20[%parallel_loop3A_103, %parallel_loop3A_104] {strides = array<i32>} : memref<16x640xf32, #tpu.memory_space<vmem>>, vector<16xf32>,
      %parallel_loop3A_106 = arith.addf %parallel_loop3A_101, %parallel_loop3A_105 : vector<16xf32>
      %parallel_loop3A_107 = arith.constant 2 : i32
      %parallel_loop3A_108 = arith.index_cast %parallel_loop3A_107 : i32 to index
      %parallel_loop3A_109 = arith.index_cast %parallel_loop3A_97 : i32 to index
      %parallel_loop3A_110 = tpu.vector_load %arg20[%parallel_loop3A_108, %parallel_loop3A_109] {strides = array<i32>} : memref<16x640xf32, #tpu.memory_space<vmem>>, vector<16xf32>,
      %parallel_loop3A_111 = arith.addf %parallel_loop3A_106, %parallel_loop3A_110 : vector<16xf32>
      %parallel_loop3A_112 = arith.constant 3 : i32
      %parallel_loop3A_113 = arith.index_cast %parallel_loop3A_112 : i32 to index
      %parallel_loop3A_114 = arith.index_cast %parallel_loop3A_97 : i32 to index
      %parallel_loop3A_115 = tpu.vector_load %arg20[%parallel_loop3A_113, %parallel_loop3A_114] {strides = array<i32>} : memref<16x640xf32, #tpu.memory_space<vmem>>, vector<16xf32>,
      %parallel_loop3A_116 = arith.addf %parallel_loop3A_111, %parallel_loop3A_115 : vector<16xf32>
      %parallel_loop3A_117 = arith.constant 4 : i32
      %parallel_loop3A_118 = arith.index_cast %parallel_loop3A_117 : i32 to index
      %parallel_loop3A_119 = arith.index_cast %parallel_loop3A_97 : i32 to index
      %parallel_loop3A_120 = tpu.vector_load %arg20[%parallel_loop3A_118, %parallel_loop3A_119] {strides = array<i32>} : memref<16x640xf32, #tpu.memory_space<vmem>>, vector<16xf32>,
      %parallel_loop3A_121 = arith.addf %parallel_loop3A_116, %parallel_loop3A_120 : vector<16xf32>
      %parallel_loop3A_122 = arith.constant 5 : i32
      %parallel_loop3A_123 = arith.index_cast %parallel_loop3A_122 : i32 to index
      %parallel_loop3A_124 = arith.index_cast %parallel_loop3A_97 : i32 to index
      %parallel_loop3A_125 = tpu.vector_load %arg20[%parallel_loop3A_123, %parallel_loop3A_124] {strides = array<i32>} : memref<16x640xf32, #tpu.memory_space<vmem>>, vector<16xf32>,
      %parallel_loop3A_126 = arith.addf %parallel_loop3A_121, %parallel_loop3A_125 : vector<16xf32>
      %parallel_loop3A_127 = arith.constant 6 : i32
      %parallel_loop3A_128 = arith.index_cast %parallel_loop3A_127 : i32 to index
      %parallel_loop3A_129 = arith.index_cast %parallel_loop3A_97 : i32 to index
      %parallel_loop3A_130 = tpu.vector_load %arg20[%parallel_loop3A_128, %parallel_loop3A_129] {strides = array<i32>} : memref<16x640xf32, #tpu.memory_space<vmem>>, vector<16xf32>,
      %parallel_loop3A_131 = arith.addf %parallel_loop3A_126, %parallel_loop3A_130 : vector<16xf32>
      %parallel_loop3A_132 = arith.constant 7 : i32
      %parallel_loop3A_133 = arith.index_cast %parallel_loop3A_132 : i32 to index
      %parallel_loop3A_134 = arith.index_cast %parallel_loop3A_97 : i32 to index
      %parallel_loop3A_135 = tpu.vector_load %arg20[%parallel_loop3A_133, %parallel_loop3A_134] {strides = array<i32>} : memref<16x640xf32, #tpu.memory_space<vmem>>, vector<16xf32>,
      %parallel_loop3A_136 = arith.addf %parallel_loop3A_131, %parallel_loop3A_135 : vector<16xf32>
      %parallel_loop3A_137 = arith.constant 8 : i32
      %parallel_loop3A_138 = arith.index_cast %parallel_loop3A_137 : i32 to index
      %parallel_loop3A_139 = arith.index_cast %parallel_loop3A_97 : i32 to index
      %parallel_loop3A_140 = tpu.vector_load %arg20[%parallel_loop3A_138, %parallel_loop3A_139] {strides = array<i32>} : memref<16x640xf32, #tpu.memory_space<vmem>>, vector<16xf32>,
      %parallel_loop3A_141 = arith.addf %parallel_loop3A_136, %parallel_loop3A_140 : vector<16xf32>
      %parallel_loop3A_142 = arith.constant 9 : i32
      %parallel_loop3A_143 = arith.index_cast %parallel_loop3A_142 : i32 to index
      %parallel_loop3A_144 = arith.index_cast %parallel_loop3A_97 : i32 to index
      %parallel_loop3A_145 = tpu.vector_load %arg20[%parallel_loop3A_143, %parallel_loop3A_144] {strides = array<i32>} : memref<16x640xf32, #tpu.memory_space<vmem>>, vector<16xf32>,
      %parallel_loop3A_146 = arith.addf %parallel_loop3A_141, %parallel_loop3A_145 : vector<16xf32>
      %parallel_loop3A_147 = arith.constant 10 : i32
      %parallel_loop3A_148 = arith.index_cast %parallel_loop3A_147 : i32 to index
      %parallel_loop3A_149 = arith.index_cast %parallel_loop3A_97 : i32 to index
      %parallel_loop3A_150 = tpu.vector_load %arg20[%parallel_loop3A_148, %parallel_loop3A_149] {strides = array<i32>} : memref<16x640xf32, #tpu.memory_space<vmem>>, vector<16xf32>,
      %parallel_loop3A_151 = arith.addf %parallel_loop3A_146, %parallel_loop3A_150 : vector<16xf32>
      %parallel_loop3A_152 = arith.constant 11 : i32
      %parallel_loop3A_153 = arith.index_cast %parallel_loop3A_152 : i32 to index
      %parallel_loop3A_154 = arith.index_cast %parallel_loop3A_97 : i32 to index
      %parallel_loop3A_155 = tpu.vector_load %arg20[%parallel_loop3A_153, %parallel_loop3A_154] {strides = array<i32>} : memref<16x640xf32, #tpu.memory_space<vmem>>, vector<16xf32>,
      %parallel_loop3A_156 = arith.addf %parallel_loop3A_151, %parallel_loop3A_155 : vector<16xf32>
      %parallel_loop3A_157 = arith.constant 12 : i32
      %parallel_loop3A_158 = arith.index_cast %parallel_loop3A_157 : i32 to index
      %parallel_loop3A_159 = arith.index_cast %parallel_loop3A_97 : i32 to index
      %parallel_loop3A_160 = tpu.vector_load %arg20[%parallel_loop3A_158, %parallel_loop3A_159] {strides = array<i32>} : memref<16x640xf32, #tpu.memory_space<vmem>>, vector<16xf32>,
      %parallel_loop3A_161 = arith.addf %parallel_loop3A_156, %parallel_loop3A_160 : vector<16xf32>
      %parallel_loop3A_162 = arith.constant 13 : i32
      %parallel_loop3A_163 = arith.index_cast %parallel_loop3A_162 : i32 to index
      %parallel_loop3A_164 = arith.index_cast %parallel_loop3A_97 : i32 to index
      %parallel_loop3A_165 = tpu.vector_load %arg20[%parallel_loop3A_163, %parallel_loop3A_164] {strides = array<i32>} : memref<16x640xf32, #tpu.memory_space<vmem>>, vector<16xf32>,
      %parallel_loop3A_166 = arith.addf %parallel_loop3A_161, %parallel_loop3A_165 : vector<16xf32>
      %parallel_loop3A_167 = arith.constant 14 : i32
      %parallel_loop3A_168 = arith.index_cast %parallel_loop3A_167 : i32 to index
      %parallel_loop3A_169 = arith.index_cast %parallel_loop3A_97 : i32 to index
      %parallel_loop3A_170 = tpu.vector_load %arg20[%parallel_loop3A_168, %parallel_loop3A_169] {strides = array<i32>} : memref<16x640xf32, #tpu.memory_space<vmem>>, vector<16xf32>,
      %parallel_loop3A_171 = arith.addf %parallel_loop3A_166, %parallel_loop3A_170 : vector<16xf32>
      %parallel_loop3A_172 = arith.constant 15 : i32
      %parallel_loop3A_173 = arith.index_cast %parallel_loop3A_172 : i32 to index
      %parallel_loop3A_174 = arith.index_cast %parallel_loop3A_97 : i32 to index
      %parallel_loop3A_175 = tpu.vector_load %arg20[%parallel_loop3A_173, %parallel_loop3A_174] {strides = array<i32>} : memref<16x640xf32, #tpu.memory_space<vmem>>, vector<16xf32>,
      %parallel_loop3A_176 = arith.addf %parallel_loop3A_171, %parallel_loop3A_175 : vector<16xf32>
      %parallel_loop3A_177 = arith.constant 1.000000e+00 : f32
      %parallel_loop3A_178 = vector.broadcast %parallel_loop3A_177 : f32 to vector<16xf32>
      %parallel_loop3A_179 = arith.addf %parallel_loop3A_176, %parallel_loop3A_178 : vector<16xf32>
      %parallel_loop3A_180 = tpu.bitcast %parallel_loop3A_179 : vector<16xf32> -> vector<16xi32>
      %parallel_loop3A_181 = arith.constant 1 : i32
      %parallel_loop3A_182 = vector.broadcast %parallel_loop3A_181 : i32 to vector<16xi32>
      %parallel_loop3A_183 = arith.shrsi %parallel_loop3A_180, %parallel_loop3A_182 : vector<16xi32>
      %parallel_loop3A_184 = arith.constant 1597463007 : i32
      %parallel_loop3A_185 = vector.broadcast %parallel_loop3A_184 : i32 to vector<16xi32>
      %parallel_loop3A_186 = arith.subi %parallel_loop3A_185, %parallel_loop3A_183 : vector<16xi32>
      %parallel_loop3A_187 = tpu.bitcast %parallel_loop3A_186 : vector<16xi32> -> vector<16xf32>
      %parallel_loop3A_188 = arith.constant 5.000000e-01 : f32
      %parallel_loop3A_189 = vector.broadcast %parallel_loop3A_188 : f32 to vector<16xf32>
      %parallel_loop3A_190 = arith.mulf %parallel_loop3A_189, %parallel_loop3A_179 : vector<16xf32>
      %parallel_loop3A_191 = arith.mulf %parallel_loop3A_190, %parallel_loop3A_187 : vector<16xf32>
      %parallel_loop3A_192 = arith.mulf %parallel_loop3A_191, %parallel_loop3A_187 : vector<16xf32>
      %parallel_loop3A_193 = arith.constant 1.500000e+00 : f32
      %parallel_loop3A_194 = vector.broadcast %parallel_loop3A_193 : f32 to vector<16xf32>
      %parallel_loop3A_195 = arith.subf %parallel_loop3A_194, %parallel_loop3A_192 : vector<16xf32>
      %parallel_loop3A_196 = arith.mulf %parallel_loop3A_187, %parallel_loop3A_195 : vector<16xf32>
      %parallel_loop3A_197 = arith.constant 5.000000e-01 : f32
      %parallel_loop3A_198 = vector.broadcast %parallel_loop3A_197 : f32 to vector<16xf32>
      %parallel_loop3A_199 = arith.mulf %parallel_loop3A_198, %parallel_loop3A_179 : vector<16xf32>
      %parallel_loop3A_200 = arith.mulf %parallel_loop3A_199, %parallel_loop3A_196 : vector<16xf32>
      %parallel_loop3A_201 = arith.mulf %parallel_loop3A_200, %parallel_loop3A_196 : vector<16xf32>
      %parallel_loop3A_202 = arith.constant 1.500000e+00 : f32
      %parallel_loop3A_203 = vector.broadcast %parallel_loop3A_202 : f32 to vector<16xf32>
      %parallel_loop3A_204 = arith.subf %parallel_loop3A_203, %parallel_loop3A_201 : vector<16xf32>
      %parallel_loop3A_205 = arith.mulf %parallel_loop3A_196, %parallel_loop3A_204 : vector<16xf32>
      %parallel_loop3A_206 = arith.constant 5.000000e-01 : f32
      %parallel_loop3A_207 = vector.broadcast %parallel_loop3A_206 : f32 to vector<16xf32>
      %parallel_loop3A_208 = arith.mulf %parallel_loop3A_207, %parallel_loop3A_179 : vector<16xf32>
      %parallel_loop3A_209 = arith.mulf %parallel_loop3A_208, %parallel_loop3A_205 : vector<16xf32>
      %parallel_loop3A_210 = arith.mulf %parallel_loop3A_209, %parallel_loop3A_205 : vector<16xf32>
      %parallel_loop3A_211 = arith.constant 1.500000e+00 : f32
      %parallel_loop3A_212 = vector.broadcast %parallel_loop3A_211 : f32 to vector<16xf32>
      %parallel_loop3A_213 = arith.subf %parallel_loop3A_212, %parallel_loop3A_210 : vector<16xf32>
      %parallel_loop3A_214 = arith.mulf %parallel_loop3A_205, %parallel_loop3A_213 : vector<16xf32>
      %parallel_loop3A_215 = arith.index_cast %parallel_loop3A_97 : i32 to index
      %parallel_loop3A_216 = tpu.vector_load %arg21[%parallel_loop3A_215] {strides = array<i32>} : memref<640xf32, #tpu.memory_space<vmem>>, vector<16xf32>,
      tpu.vector_store %arg21[%parallel_loop3A_215], %parallel_loop3A_214 {strides = array<i32>} : memref<640xf32, #tpu.memory_space<vmem>>, vector<16xf32>,
      %parallel_loop3A_217 = arith.index_cast %parallel_loop3A_97 : i32 to index
      %parallel_loop3A_218 = tpu.vector_load %arg18[%parallel_loop3A_217] {strides = array<i32>} : memref<640xi32, #tpu.memory_space<vmem>>, vector<16xi32>,
      %parallel_loop3A_219 = tpu.vector_load_idx %arg12[%parallel_loop3A_218] : memref<32xf32, #tpu.memory_space<vmem>>[vector<16xi32>], vector<16xf32>,
      %parallel_loop3A_220 = arith.index_cast %parallel_loop3A_97 : i32 to index
      %parallel_loop3A_221 = tpu.vector_load %arg22[%parallel_loop3A_220] {strides = array<i32>} : memref<640xf32, #tpu.memory_space<vmem>>, vector<16xf32>,
      tpu.vector_store %arg22[%parallel_loop3A_220], %parallel_loop3A_219 {strides = array<i32>} : memref<640xf32, #tpu.memory_space<vmem>>, vector<16xf32>,
      %parallel_loop3A_222 = arith.mulf %parallel_loop3A_214, %parallel_loop3A_219 : vector<16xf32>
      %parallel_loop3A_223 = arith.constant 16 : i32
      %parallel_loop3A_224 = arith.muli %parallel_loop3A_95, %parallel_loop3A_223 : i32
      %parallel_loop3A_225 = arith.addi %mul3A_3, %parallel_loop3A_224 : i32
      %parallel_loop3A_226 = arith.index_cast %parallel_loop3A_225 : i32 to index
      %parallel_loop3A_227 = tpu.vector_load %arg13[%parallel_loop3A_226] {strides = array<i32>} : memref<10240xf32, #tpu.memory_space<vmem>>, vector<16xf32>,
      tpu.vector_store %arg13[%parallel_loop3A_226], %parallel_loop3A_222 {strides = array<i32>} : memref<10240xf32, #tpu.memory_space<vmem>>, vector<16xf32>,
    } {sc.loop_unroll_factor = 2 : i64, sc.parallel_access}
    "tpu.region"() ({
      %run_scoped3A = tpu.sem_alloc : memref<!tpu.dma_semaphore, #tpu.memory_space<semaphore_mem>>
      %dma_start3A_95 = tpu.memref_slice %arg13[%mul3A_3] : memref<10240xf32, #tpu.memory_space<vmem>> -> memref<640xf32, #tpu.memory_space<vmem>>
      %dma_start3A_96 = tpu.memref_slice %arg30[%mul3A_3] : memref<10240xf32, #tpu.memory_space<vmem_shared>> -> memref<640xf32, #tpu.memory_space<vmem_shared>>
      %dma_start3A_97 = tpu.memref_slice %arg30[%mul3A_3] : memref<10240xf32, #tpu.memory_space<vmem_shared>> -> memref<640xf32, #tpu.memory_space<vmem_shared>>
      %dma_start3A_98 = tpu.memref_slice %arg13[%mul3A_3] : memref<10240xf32, #tpu.memory_space<vmem>> -> memref<640xf32, #tpu.memory_space<vmem>>
      tpu.enqueue_dma source(%dma_start3A_98 : memref<640xf32, #tpu.memory_space<vmem>>) target(%dma_start3A_97 : memref<640xf32, #tpu.memory_space<vmem_shared>>) target_semaphore(%run_scoped3A : memref<!tpu.dma_semaphore, #tpu.memory_space<semaphore_mem>>)
      %dma_wait3A_99 = tpu.memref_slice %arg13[%mul3A_3] : memref<10240xf32, #tpu.memory_space<vmem>> -> memref<640xf32, #tpu.memory_space<vmem>>
      %dma_wait3A_100 = tpu.memref_slice %arg30[%mul3A_3] : memref<10240xf32, #tpu.memory_space<vmem_shared>> -> memref<640xf32, #tpu.memory_space<vmem_shared>>
      %dma_wait3A_101 = tpu.memref_slice %arg30[%mul3A_3] : memref<10240xf32, #tpu.memory_space<vmem_shared>> -> memref<640xf32, #tpu.memory_space<vmem_shared>>
      %dma_wait3A_102 = tpu.memref_slice %arg13[%mul3A_3] : memref<10240xf32, #tpu.memory_space<vmem>> -> memref<640xf32, #tpu.memory_space<vmem>>
      tpu.wait_dma2 semaphore(%run_scoped3A : memref<!tpu.dma_semaphore, #tpu.memory_space<semaphore_mem>>) src(%dma_wait3A_102 : memref<640xf32, #tpu.memory_space<vmem>>) dst(%dma_wait3A_101 : memref<640xf32, #tpu.memory_space<vmem_shared>>)
      tpu.yield
    }) : () -> ()
    %barrier3A_56 = arith.constant 0 : index
    tpu.barrier barrier_id(%barrier3A_56)
    "tpu.region"() ({
      %run_scoped3A = tpu.sem_alloc : memref<!tpu.dma_semaphore, #tpu.memory_space<semaphore_mem>>
      tpu.enqueue_dma source(%arg30 : memref<10240xf32, #tpu.memory_space<vmem_shared>>) target(%arg13 : memref<10240xf32, #tpu.memory_space<vmem>>) target_semaphore(%run_scoped3A : memref<!tpu.dma_semaphore, #tpu.memory_space<semaphore_mem>>)
      tpu.wait_dma2 semaphore(%run_scoped3A : memref<!tpu.dma_semaphore, #tpu.memory_space<semaphore_mem>>) src(%arg30 : memref<10240xf32, #tpu.memory_space<vmem_shared>>) dst(%arg13 : memref<10240xf32, #tpu.memory_space<vmem>>)
      tpu.yield
    }) : () -> ()
    %parallel_loop3A_57 = arith.constant 0 : i32
    %parallel_loop3A_58 = arith.constant 1248 : i32
    %parallel_loop3A_59 = arith.constant 1 : i32
    "tpu.trace_stop"() : () -> ()
    "tpu.trace_start"() <{level = 10 : i32, message = "ph_edge"}> : () -> ()
    scf.for %parallel_loop3A_95 = %parallel_loop3A_57 to %parallel_loop3A_58 step %parallel_loop3A_59  : i32 {
      %parallel_loop3A_96 = arith.constant 16 : i32
      %parallel_loop3A_97 = arith.muli %parallel_loop3A_95, %parallel_loop3A_96 : i32
      %parallel_loop3A_98 = arith.constant 0 : i32
      %parallel_loop3A_99 = arith.index_cast %parallel_loop3A_98 : i32 to index
      %parallel_loop3A_100 = arith.index_cast %parallel_loop3A_97 : i32 to index
      %parallel_loop3A_101 = tpu.vector_load %arg16[%parallel_loop3A_99, %parallel_loop3A_100] {strides = array<i32>} : memref<2x19968xi32, #tpu.memory_space<vmem>>, vector<16xi32>,
      %parallel_loop3A_102 = tpu.vector_load_idx %arg13[%parallel_loop3A_101] : memref<10240xf32, #tpu.memory_space<vmem>>[vector<16xi32>], vector<16xf32>,
      %parallel_loop3A_103 = arith.constant 1 : i32
      %parallel_loop3A_104 = arith.index_cast %parallel_loop3A_103 : i32 to index
      %parallel_loop3A_105 = arith.index_cast %parallel_loop3A_97 : i32 to index
      %parallel_loop3A_106 = tpu.vector_load %arg16[%parallel_loop3A_104, %parallel_loop3A_105] {strides = array<i32>} : memref<2x19968xi32, #tpu.memory_space<vmem>>, vector<16xi32>,
      tpu.vector_store_idx %arg15[%parallel_loop3A_106], %parallel_loop3A_102 {add = true} : memref<10240xf32, #tpu.memory_space<vmem>>[vector<16xi32>], vector<16xf32>,
    } {sc.loop_unroll_factor = 8 : i64, sc.parallel_access}
    %eq3A_60 = arith.constant 0 : i32
    %eq3A_61 = arith.cmpi eq, %arg1, %eq3A_60 : i32
    %convert_element_type3A_62 = arith.extui %eq3A_61 : i1 to i32
    %cond3A_63 = arith.constant 0 : i32
    %cond3A_64 = arith.cmpi ne, %convert_element_type3A_62, %cond3A_63 : i32
    scf.if %cond3A_64 {
      %parallel_loop3A_95 = arith.constant 0 : i32
      %parallel_loop3A_96 = arith.constant 32 : i32
      %parallel_loop3A_97 = arith.constant 1 : i32
      scf.for %parallel_loop3A_98 = %parallel_loop3A_95 to %parallel_loop3A_96 step %parallel_loop3A_97  : i32 {
        %parallel_loop3A_99 = arith.constant 16 : i32
        %parallel_loop3A_100 = arith.muli %parallel_loop3A_98, %parallel_loop3A_99 : i32
        %parallel_loop3A_101 = arith.constant 0 : i32
        %parallel_loop3A_102 = arith.index_cast %parallel_loop3A_101 : i32 to index
        %parallel_loop3A_103 = arith.index_cast %parallel_loop3A_100 : i32 to index
        %parallel_loop3A_104 = tpu.vector_load %arg17[%parallel_loop3A_102, %parallel_loop3A_103] {strides = array<i32>} : memref<2x512xi32, #tpu.memory_space<vmem>>, vector<16xi32>,
        %parallel_loop3A_105 = tpu.vector_load_idx %arg13[%parallel_loop3A_104] : memref<10240xf32, #tpu.memory_space<vmem>>[vector<16xi32>], vector<16xf32>,
        %parallel_loop3A_106 = arith.constant 1 : i32
        %parallel_loop3A_107 = arith.index_cast %parallel_loop3A_106 : i32 to index
        %parallel_loop3A_108 = arith.index_cast %parallel_loop3A_100 : i32 to index
        %parallel_loop3A_109 = tpu.vector_load %arg17[%parallel_loop3A_107, %parallel_loop3A_108] {strides = array<i32>} : memref<2x512xi32, #tpu.memory_space<vmem>>, vector<16xi32>,
        tpu.vector_store_idx %arg15[%parallel_loop3A_109], %parallel_loop3A_105 {add = true} : memref<10240xf32, #tpu.memory_space<vmem>>[vector<16xi32>], vector<16xf32>,
      } {sc.loop_unroll_factor = 8 : i64, sc.parallel_access}
    } else {
    }
    %lt3A_65 = arith.constant 15 : i32
    "tpu.trace_stop"() : () -> ()
    "tpu.trace_start"() <{level = 10 : i32, message = "ph_final"}> : () -> ()
    %lt3A_66 = arith.cmpi slt, %arg1, %lt3A_65 : i32
    %convert_element_type3A_67 = arith.extui %lt3A_66 : i1 to i32
    %cond3A_68 = arith.constant 0 : i32
    %cond3A_69 = arith.cmpi ne, %convert_element_type3A_67, %cond3A_68 : i32
    scf.if %cond3A_69 {
      %dma_wait3A_95 = tpu.memref_slice %arg4[%mul3A_3] : memref<10000xi32, #tpu.memory_space<hbm>> -> memref<640xi32, #tpu.memory_space<hbm>>
      %dma_wait3A_96 = tpu.memref_slice %arg4[%mul3A_3] : memref<10000xi32, #tpu.memory_space<hbm>> -> memref<640xi32, #tpu.memory_space<hbm>>
      tpu.wait_dma2 semaphore(%arg28 : memref<!tpu.dma_semaphore, #tpu.memory_space<semaphore_mem>>) src(%dma_wait3A_96 : memref<640xi32, #tpu.memory_space<hbm>>) dst(%arg19 : memref<640xi32, #tpu.memory_space<vmem>>)
    } else {
    }
    %eq3A_70 = arith.constant 15 : i32
    %eq3A_71 = arith.cmpi eq, %arg1, %eq3A_70 : i32
    %convert_element_type3A_72 = arith.extui %eq3A_71 : i1 to i32
    %cond3A_73 = arith.constant 0 : i32
    %cond3A_74 = arith.cmpi ne, %convert_element_type3A_72, %cond3A_73 : i32
    scf.if %cond3A_74 {
      %dma_wait3A_95 = arith.constant 0 : i32
      %dma_wait3A_96 = tpu.memref_slice %arg19[%dma_wait3A_95] : memref<640xi32, #tpu.memory_space<vmem>> -> memref<400xi32, #tpu.memory_space<vmem>>
      %dma_wait3A_97 = arith.constant 9600 : i32
      %dma_wait3A_98 = tpu.memref_slice %arg4[%dma_wait3A_97] : memref<10000xi32, #tpu.memory_space<hbm>> -> memref<400xi32, #tpu.memory_space<hbm>>
      %dma_wait3A_99 = arith.constant 0 : i32
      %dma_wait3A_100 = tpu.memref_slice %arg19[%dma_wait3A_99] : memref<640xi32, #tpu.memory_space<vmem>> -> memref<400xi32, #tpu.memory_space<vmem>>
      %dma_wait3A_101 = arith.constant 9600 : i32
      %dma_wait3A_102 = tpu.memref_slice %arg4[%dma_wait3A_101] : memref<10000xi32, #tpu.memory_space<hbm>> -> memref<400xi32, #tpu.memory_space<hbm>>
      tpu.wait_dma2 semaphore(%arg28 : memref<!tpu.dma_semaphore, #tpu.memory_space<semaphore_mem>>) src(%dma_wait3A_102 : memref<400xi32, #tpu.memory_space<hbm>>) dst(%dma_wait3A_100 : memref<400xi32, #tpu.memory_space<vmem>>)
    } else {
    }
    "tpu.region"() ({
      %run_scoped3A = tpu.sem_alloc : memref<!tpu.dma_semaphore, #tpu.memory_space<semaphore_mem>>
      %dma_start3A_95 = arith.constant 0 : i32
      %dma_start3A_96 = tpu.memref_slice %arg29[%arg1, %dma_start3A_95] : memref<16x10240xf32, #tpu.memory_space<vmem_shared>> -> memref<1x10240xf32, #tpu.memory_space<vmem_shared>>
      %dma_start3A_97 = tpu.memref_squeeze %dma_start3A_96 : memref<1x10240xf32, #tpu.memory_space<vmem_shared>> -> memref<10240xf32, #tpu.memory_space<vmem_shared>>
      %dma_start3A_98 = arith.constant 0 : i32
      %dma_start3A_99 = tpu.memref_slice %arg29[%arg1, %dma_start3A_98] : memref<16x10240xf32, #tpu.memory_space<vmem_shared>> -> memref<1x10240xf32, #tpu.memory_space<vmem_shared>>
      %dma_start3A_100 = tpu.memref_squeeze %dma_start3A_99 : memref<1x10240xf32, #tpu.memory_space<vmem_shared>> -> memref<10240xf32, #tpu.memory_space<vmem_shared>>
      tpu.enqueue_dma source(%arg15 : memref<10240xf32, #tpu.memory_space<vmem>>) target(%dma_start3A_100 : memref<10240xf32, #tpu.memory_space<vmem_shared>>) target_semaphore(%run_scoped3A : memref<!tpu.dma_semaphore, #tpu.memory_space<semaphore_mem>>)
      %dma_wait3A_101 = arith.constant 0 : i32
      %dma_wait3A_102 = tpu.memref_slice %arg29[%arg1, %dma_wait3A_101] : memref<16x10240xf32, #tpu.memory_space<vmem_shared>> -> memref<1x10240xf32, #tpu.memory_space<vmem_shared>>
      %dma_wait3A_103 = tpu.memref_squeeze %dma_wait3A_102 : memref<1x10240xf32, #tpu.memory_space<vmem_shared>> -> memref<10240xf32, #tpu.memory_space<vmem_shared>>
      %dma_wait3A_104 = arith.constant 0 : i32
      %dma_wait3A_105 = tpu.memref_slice %arg29[%arg1, %dma_wait3A_104] : memref<16x10240xf32, #tpu.memory_space<vmem_shared>> -> memref<1x10240xf32, #tpu.memory_space<vmem_shared>>
      %dma_wait3A_106 = tpu.memref_squeeze %dma_wait3A_105 : memref<1x10240xf32, #tpu.memory_space<vmem_shared>> -> memref<10240xf32, #tpu.memory_space<vmem_shared>>
      tpu.wait_dma2 semaphore(%run_scoped3A : memref<!tpu.dma_semaphore, #tpu.memory_space<semaphore_mem>>) src(%arg15 : memref<10240xf32, #tpu.memory_space<vmem>>) dst(%dma_wait3A_106 : memref<10240xf32, #tpu.memory_space<vmem_shared>>)
      tpu.yield
    }) : () -> ()
    %barrier3A_75 = arith.constant 0 : index
    tpu.barrier barrier_id(%barrier3A_75)
    "tpu.region"() ({
      %run_scoped3A = tpu.sem_alloc : memref<!tpu.dma_semaphore, #tpu.memory_space<semaphore_mem>>
      %dma_start3A_95 = arith.constant 0 : i32
      %dma_start3A_96 = tpu.memref_slice %arg29[%dma_start3A_95, %mul3A_3] : memref<16x10240xf32, #tpu.memory_space<vmem_shared>> -> memref<16x640xf32, #tpu.memory_space<vmem_shared>>
      %dma_start3A_97 = arith.constant 0 : i32
      %dma_start3A_98 = tpu.memref_slice %arg29[%dma_start3A_97, %mul3A_3] : memref<16x10240xf32, #tpu.memory_space<vmem_shared>> -> memref<16x640xf32, #tpu.memory_space<vmem_shared>>
      tpu.enqueue_dma source(%dma_start3A_98 : memref<16x640xf32, #tpu.memory_space<vmem_shared>>) target(%arg20 : memref<16x640xf32, #tpu.memory_space<vmem>>) target_semaphore(%run_scoped3A : memref<!tpu.dma_semaphore, #tpu.memory_space<semaphore_mem>>)
      %dma_wait3A_99 = arith.constant 0 : i32
      %dma_wait3A_100 = tpu.memref_slice %arg29[%dma_wait3A_99, %mul3A_3] : memref<16x10240xf32, #tpu.memory_space<vmem_shared>> -> memref<16x640xf32, #tpu.memory_space<vmem_shared>>
      %dma_wait3A_101 = arith.constant 0 : i32
      %dma_wait3A_102 = tpu.memref_slice %arg29[%dma_wait3A_101, %mul3A_3] : memref<16x10240xf32, #tpu.memory_space<vmem_shared>> -> memref<16x640xf32, #tpu.memory_space<vmem_shared>>
      tpu.wait_dma2 semaphore(%run_scoped3A : memref<!tpu.dma_semaphore, #tpu.memory_space<semaphore_mem>>) src(%dma_wait3A_102 : memref<16x640xf32, #tpu.memory_space<vmem_shared>>) dst(%arg20 : memref<16x640xf32, #tpu.memory_space<vmem>>)
      tpu.yield
    }) : () -> ()
    %swap3A_76 = arith.constant 0 : index
    %swap3A_77 = tpu.vector_load %arg23[%swap3A_76] {strides = array<i32>} : memref<64xf32, #tpu.memory_space<vmem>>, vector<16xf32>,
    tpu.vector_store %arg23[%swap3A_76], %broadcast_in_dim3A_0 {strides = array<i32>} : memref<64xf32, #tpu.memory_space<vmem>>, vector<16xf32>,
    %swap3A_78 = arith.constant 16 : index
    %swap3A_79 = tpu.vector_load %arg23[%swap3A_78] {strides = array<i32>} : memref<64xf32, #tpu.memory_space<vmem>>, vector<16xf32>,
    tpu.vector_store %arg23[%swap3A_78], %broadcast_in_dim3A_0 {strides = array<i32>} : memref<64xf32, #tpu.memory_space<vmem>>, vector<16xf32>,
    %swap3A_80 = arith.constant 32 : index
    %swap3A_81 = tpu.vector_load %arg23[%swap3A_80] {strides = array<i32>} : memref<64xf32, #tpu.memory_space<vmem>>, vector<16xf32>,
    tpu.vector_store %arg23[%swap3A_80], %broadcast_in_dim3A_0 {strides = array<i32>} : memref<64xf32, #tpu.memory_space<vmem>>, vector<16xf32>,
    %swap3A_82 = arith.constant 48 : index
    %swap3A_83 = tpu.vector_load %arg23[%swap3A_82] {strides = array<i32>} : memref<64xf32, #tpu.memory_space<vmem>>, vector<16xf32>,
    tpu.vector_store %arg23[%swap3A_82], %broadcast_in_dim3A_0 {strides = array<i32>} : memref<64xf32, #tpu.memory_space<vmem>>, vector<16xf32>,
    %broadcast_in_dim3A_84 = arith.constant 0 : i32
    %broadcast_in_dim3A_85 = vector.broadcast %broadcast_in_dim3A_84 : i32 to vector<16xi32>
    %gather3A = tpu.vector_load_idx %arg11[%broadcast_in_dim3A_85] : memref<16xf32, #tpu.memory_space<vmem>>[vector<16xi32>], vector<16xf32>,
    %parallel_loop3A_86 = arith.constant 0 : i32
    %parallel_loop3A_87 = arith.constant 40 : i32
    %parallel_loop3A_88 = arith.constant 1 : i32
    scf.for %parallel_loop3A_95 = %parallel_loop3A_86 to %parallel_loop3A_87 step %parallel_loop3A_88  : i32 {
      %parallel_loop3A_96 = arith.constant 16 : i32
      %parallel_loop3A_97 = arith.muli %parallel_loop3A_95, %parallel_loop3A_96 : i32
      %parallel_loop3A_98 = arith.constant 0 : i32
      %parallel_loop3A_99 = arith.index_cast %parallel_loop3A_98 : i32 to index
      %parallel_loop3A_100 = arith.index_cast %parallel_loop3A_97 : i32 to index
      %parallel_loop3A_101 = tpu.vector_load %arg20[%parallel_loop3A_99, %parallel_loop3A_100] {strides = array<i32>} : memref<16x640xf32, #tpu.memory_space<vmem>>, vector<16xf32>,
      %parallel_loop3A_102 = arith.constant 1 : i32
      %parallel_loop3A_103 = arith.index_cast %parallel_loop3A_102 : i32 to index
      %parallel_loop3A_104 = arith.index_cast %parallel_loop3A_97 : i32 to index
      %parallel_loop3A_105 = tpu.vector_load %arg20[%parallel_loop3A_103, %parallel_loop3A_104] {strides = array<i32>} : memref<16x640xf32, #tpu.memory_space<vmem>>, vector<16xf32>,
      %parallel_loop3A_106 = arith.addf %parallel_loop3A_101, %parallel_loop3A_105 : vector<16xf32>
      %parallel_loop3A_107 = arith.constant 2 : i32
      %parallel_loop3A_108 = arith.index_cast %parallel_loop3A_107 : i32 to index
      %parallel_loop3A_109 = arith.index_cast %parallel_loop3A_97 : i32 to index
      %parallel_loop3A_110 = tpu.vector_load %arg20[%parallel_loop3A_108, %parallel_loop3A_109] {strides = array<i32>} : memref<16x640xf32, #tpu.memory_space<vmem>>, vector<16xf32>,
      %parallel_loop3A_111 = arith.addf %parallel_loop3A_106, %parallel_loop3A_110 : vector<16xf32>
      %parallel_loop3A_112 = arith.constant 3 : i32
      %parallel_loop3A_113 = arith.index_cast %parallel_loop3A_112 : i32 to index
      %parallel_loop3A_114 = arith.index_cast %parallel_loop3A_97 : i32 to index
      %parallel_loop3A_115 = tpu.vector_load %arg20[%parallel_loop3A_113, %parallel_loop3A_114] {strides = array<i32>} : memref<16x640xf32, #tpu.memory_space<vmem>>, vector<16xf32>,
      %parallel_loop3A_116 = arith.addf %parallel_loop3A_111, %parallel_loop3A_115 : vector<16xf32>
      %parallel_loop3A_117 = arith.constant 4 : i32
      %parallel_loop3A_118 = arith.index_cast %parallel_loop3A_117 : i32 to index
      %parallel_loop3A_119 = arith.index_cast %parallel_loop3A_97 : i32 to index
      %parallel_loop3A_120 = tpu.vector_load %arg20[%parallel_loop3A_118, %parallel_loop3A_119] {strides = array<i32>} : memref<16x640xf32, #tpu.memory_space<vmem>>, vector<16xf32>,
      %parallel_loop3A_121 = arith.addf %parallel_loop3A_116, %parallel_loop3A_120 : vector<16xf32>
      %parallel_loop3A_122 = arith.constant 5 : i32
      %parallel_loop3A_123 = arith.index_cast %parallel_loop3A_122 : i32 to index
      %parallel_loop3A_124 = arith.index_cast %parallel_loop3A_97 : i32 to index
      %parallel_loop3A_125 = tpu.vector_load %arg20[%parallel_loop3A_123, %parallel_loop3A_124] {strides = array<i32>} : memref<16x640xf32, #tpu.memory_space<vmem>>, vector<16xf32>,
      %parallel_loop3A_126 = arith.addf %parallel_loop3A_121, %parallel_loop3A_125 : vector<16xf32>
      %parallel_loop3A_127 = arith.constant 6 : i32
      %parallel_loop3A_128 = arith.index_cast %parallel_loop3A_127 : i32 to index
      %parallel_loop3A_129 = arith.index_cast %parallel_loop3A_97 : i32 to index
      %parallel_loop3A_130 = tpu.vector_load %arg20[%parallel_loop3A_128, %parallel_loop3A_129] {strides = array<i32>} : memref<16x640xf32, #tpu.memory_space<vmem>>, vector<16xf32>,
      %parallel_loop3A_131 = arith.addf %parallel_loop3A_126, %parallel_loop3A_130 : vector<16xf32>
      %parallel_loop3A_132 = arith.constant 7 : i32
      %parallel_loop3A_133 = arith.index_cast %parallel_loop3A_132 : i32 to index
      %parallel_loop3A_134 = arith.index_cast %parallel_loop3A_97 : i32 to index
      %parallel_loop3A_135 = tpu.vector_load %arg20[%parallel_loop3A_133, %parallel_loop3A_134] {strides = array<i32>} : memref<16x640xf32, #tpu.memory_space<vmem>>, vector<16xf32>,
      %parallel_loop3A_136 = arith.addf %parallel_loop3A_131, %parallel_loop3A_135 : vector<16xf32>
      %parallel_loop3A_137 = arith.constant 8 : i32
      %parallel_loop3A_138 = arith.index_cast %parallel_loop3A_137 : i32 to index
      %parallel_loop3A_139 = arith.index_cast %parallel_loop3A_97 : i32 to index
      %parallel_loop3A_140 = tpu.vector_load %arg20[%parallel_loop3A_138, %parallel_loop3A_139] {strides = array<i32>} : memref<16x640xf32, #tpu.memory_space<vmem>>, vector<16xf32>,
      %parallel_loop3A_141 = arith.addf %parallel_loop3A_136, %parallel_loop3A_140 : vector<16xf32>
      %parallel_loop3A_142 = arith.constant 9 : i32
      %parallel_loop3A_143 = arith.index_cast %parallel_loop3A_142 : i32 to index
      %parallel_loop3A_144 = arith.index_cast %parallel_loop3A_97 : i32 to index
      %parallel_loop3A_145 = tpu.vector_load %arg20[%parallel_loop3A_143, %parallel_loop3A_144] {strides = array<i32>} : memref<16x640xf32, #tpu.memory_space<vmem>>, vector<16xf32>,
      %parallel_loop3A_146 = arith.addf %parallel_loop3A_141, %parallel_loop3A_145 : vector<16xf32>
      %parallel_loop3A_147 = arith.constant 10 : i32
      %parallel_loop3A_148 = arith.index_cast %parallel_loop3A_147 : i32 to index
      %parallel_loop3A_149 = arith.index_cast %parallel_loop3A_97 : i32 to index
      %parallel_loop3A_150 = tpu.vector_load %arg20[%parallel_loop3A_148, %parallel_loop3A_149] {strides = array<i32>} : memref<16x640xf32, #tpu.memory_space<vmem>>, vector<16xf32>,
      %parallel_loop3A_151 = arith.addf %parallel_loop3A_146, %parallel_loop3A_150 : vector<16xf32>
      %parallel_loop3A_152 = arith.constant 11 : i32
      %parallel_loop3A_153 = arith.index_cast %parallel_loop3A_152 : i32 to index
      %parallel_loop3A_154 = arith.index_cast %parallel_loop3A_97 : i32 to index
      %parallel_loop3A_155 = tpu.vector_load %arg20[%parallel_loop3A_153, %parallel_loop3A_154] {strides = array<i32>} : memref<16x640xf32, #tpu.memory_space<vmem>>, vector<16xf32>,
      %parallel_loop3A_156 = arith.addf %parallel_loop3A_151, %parallel_loop3A_155 : vector<16xf32>
      %parallel_loop3A_157 = arith.constant 12 : i32
      %parallel_loop3A_158 = arith.index_cast %parallel_loop3A_157 : i32 to index
      %parallel_loop3A_159 = arith.index_cast %parallel_loop3A_97 : i32 to index
      %parallel_loop3A_160 = tpu.vector_load %arg20[%parallel_loop3A_158, %parallel_loop3A_159] {strides = array<i32>} : memref<16x640xf32, #tpu.memory_space<vmem>>, vector<16xf32>,
      %parallel_loop3A_161 = arith.addf %parallel_loop3A_156, %parallel_loop3A_160 : vector<16xf32>
      %parallel_loop3A_162 = arith.constant 13 : i32
      %parallel_loop3A_163 = arith.index_cast %parallel_loop3A_162 : i32 to index
      %parallel_loop3A_164 = arith.index_cast %parallel_loop3A_97 : i32 to index
      %parallel_loop3A_165 = tpu.vector_load %arg20[%parallel_loop3A_163, %parallel_loop3A_164] {strides = array<i32>} : memref<16x640xf32, #tpu.memory_space<vmem>>, vector<16xf32>,
      %parallel_loop3A_166 = arith.addf %parallel_loop3A_161, %parallel_loop3A_165 : vector<16xf32>
      %parallel_loop3A_167 = arith.constant 14 : i32
      %parallel_loop3A_168 = arith.index_cast %parallel_loop3A_167 : i32 to index
      %parallel_loop3A_169 = arith.index_cast %parallel_loop3A_97 : i32 to index
      %parallel_loop3A_170 = tpu.vector_load %arg20[%parallel_loop3A_168, %parallel_loop3A_169] {strides = array<i32>} : memref<16x640xf32, #tpu.memory_space<vmem>>, vector<16xf32>,
      %parallel_loop3A_171 = arith.addf %parallel_loop3A_166, %parallel_loop3A_170 : vector<16xf32>
      %parallel_loop3A_172 = arith.constant 15 : i32
      %parallel_loop3A_173 = arith.index_cast %parallel_loop3A_172 : i32 to index
      %parallel_loop3A_174 = arith.index_cast %parallel_loop3A_97 : i32 to index
      %parallel_loop3A_175 = tpu.vector_load %arg20[%parallel_loop3A_173, %parallel_loop3A_174] {strides = array<i32>} : memref<16x640xf32, #tpu.memory_space<vmem>>, vector<16xf32>,
      %parallel_loop3A_176 = arith.addf %parallel_loop3A_171, %parallel_loop3A_175 : vector<16xf32>
      %parallel_loop3A_177 = arith.index_cast %parallel_loop3A_97 : i32 to index
      %parallel_loop3A_178 = tpu.vector_load %arg21[%parallel_loop3A_177] {strides = array<i32>} : memref<640xf32, #tpu.memory_space<vmem>>, vector<16xf32>,
      %parallel_loop3A_179 = arith.mulf %parallel_loop3A_178, %parallel_loop3A_176 : vector<16xf32>
      %parallel_loop3A_180 = arith.mulf %parallel_loop3A_178, %parallel_loop3A_178 : vector<16xf32>
      %parallel_loop3A_181 = arith.index_cast %parallel_loop3A_97 : i32 to index
      %parallel_loop3A_182 = tpu.vector_load %arg22[%parallel_loop3A_181] {strides = array<i32>} : memref<640xf32, #tpu.memory_space<vmem>>, vector<16xf32>,
      %parallel_loop3A_183 = arith.mulf %parallel_loop3A_180, %parallel_loop3A_182 : vector<16xf32>
      %parallel_loop3A_184 = arith.addf %parallel_loop3A_179, %parallel_loop3A_183 : vector<16xf32>
      %parallel_loop3A_185 = arith.addf %parallel_loop3A_184, %gather3A : vector<16xf32>
      %parallel_loop3A_186 = arith.constant 16 : i32
      %parallel_loop3A_187 = arith.muli %parallel_loop3A_95, %parallel_loop3A_186 : i32
      %parallel_loop3A_188 = arith.addi %mul3A_3, %parallel_loop3A_187 : i32
      %parallel_loop3A_189 = vector.broadcast %parallel_loop3A_188 : i32 to vector<16xi32>
      %parallel_loop3A_190 = arith.addi %parallel_loop3A_189, %iota3A : vector<16xi32>
      %parallel_loop3A_191 = arith.index_cast %parallel_loop3A_97 : i32 to index
      %parallel_loop3A_192 = tpu.vector_load %arg19[%parallel_loop3A_191] {strides = array<i32>} : memref<640xi32, #tpu.memory_space<vmem>>, vector<16xi32>,
      %parallel_loop3A_193 = arith.constant 10000 : i32
      %parallel_loop3A_194 = vector.broadcast %parallel_loop3A_193 : i32 to vector<16xi32>
      %parallel_loop3A_195 = arith.cmpi slt, %parallel_loop3A_190, %parallel_loop3A_194 : vector<16xi32>
      tpu.vector_store_idx %arg23[%parallel_loop3A_192], %parallel_loop3A_185 masked %parallel_loop3A_195 {add = true} : memref<64xf32, #tpu.memory_space<vmem>>[vector<16xi32>], vector<16xf32>, vector<16xi1>
    } {sc.loop_unroll_factor = 2 : i64, sc.parallel_access}
    "tpu.trace_stop"() : () -> ()
    "tpu.trace_start"() <{level = 10 : i32, message = "ph_out"}> : () -> ()
    "tpu.region"() ({
      %run_scoped3A = tpu.sem_alloc : memref<!tpu.dma_semaphore, #tpu.memory_space<semaphore_mem>>
      %dma_start3A_95 = arith.constant 0 : i32
      %dma_start3A_96 = tpu.memref_slice %arg31[%arg1, %dma_start3A_95] : memref<16x128xf32, #tpu.memory_space<vmem_shared>> -> memref<1x64xf32, #tpu.memory_space<vmem_shared>>
      %dma_start3A_97 = tpu.memref_squeeze %dma_start3A_96 : memref<1x64xf32, #tpu.memory_space<vmem_shared>> -> memref<64xf32, #tpu.memory_space<vmem_shared>>
      %dma_start3A_98 = arith.constant 0 : i32
      %dma_start3A_99 = tpu.memref_slice %arg31[%arg1, %dma_start3A_98] : memref<16x128xf32, #tpu.memory_space<vmem_shared>> -> memref<1x64xf32, #tpu.memory_space<vmem_shared>>
      %dma_start3A_100 = tpu.memref_squeeze %dma_start3A_99 : memref<1x64xf32, #tpu.memory_space<vmem_shared>> -> memref<64xf32, #tpu.memory_space<vmem_shared>>
      tpu.enqueue_dma source(%arg23 : memref<64xf32, #tpu.memory_space<vmem>>) target(%dma_start3A_100 : memref<64xf32, #tpu.memory_space<vmem_shared>>) target_semaphore(%run_scoped3A : memref<!tpu.dma_semaphore, #tpu.memory_space<semaphore_mem>>)
      %dma_wait3A_101 = arith.constant 0 : i32
      %dma_wait3A_102 = tpu.memref_slice %arg31[%arg1, %dma_wait3A_101] : memref<16x128xf32, #tpu.memory_space<vmem_shared>> -> memref<1x64xf32, #tpu.memory_space<vmem_shared>>
      %dma_wait3A_103 = tpu.memref_squeeze %dma_wait3A_102 : memref<1x64xf32, #tpu.memory_space<vmem_shared>> -> memref<64xf32, #tpu.memory_space<vmem_shared>>
      %dma_wait3A_104 = arith.constant 0 : i32
      %dma_wait3A_105 = tpu.memref_slice %arg31[%arg1, %dma_wait3A_104] : memref<16x128xf32, #tpu.memory_space<vmem_shared>> -> memref<1x64xf32, #tpu.memory_space<vmem_shared>>
      %dma_wait3A_106 = tpu.memref_squeeze %dma_wait3A_105 : memref<1x64xf32, #tpu.memory_space<vmem_shared>> -> memref<64xf32, #tpu.memory_space<vmem_shared>>
      tpu.wait_dma2 semaphore(%run_scoped3A : memref<!tpu.dma_semaphore, #tpu.memory_space<semaphore_mem>>) src(%arg23 : memref<64xf32, #tpu.memory_space<vmem>>) dst(%dma_wait3A_106 : memref<64xf32, #tpu.memory_space<vmem_shared>>)
      tpu.yield
    }) : () -> ()
    %barrier3A_89 = arith.constant 0 : index
    tpu.barrier barrier_id(%barrier3A_89)
    %eq3A_90 = arith.constant 0 : i32
    %eq3A_91 = arith.cmpi eq, %arg1, %eq3A_90 : i32
    %convert_element_type3A_92 = arith.extui %eq3A_91 : i1 to i32
    %cond3A_93 = arith.constant 0 : i32
    %cond3A_94 = arith.cmpi ne, %convert_element_type3A_92, %cond3A_93 : i32
    scf.if %cond3A_94 {
      %run_scoped3A = arith.constant 0 : i32
      %run_scoped3A_95 = arith.constant 0 : i32
      "tpu.region"() ({
        %run_scoped3A_449 = tpu.sem_alloc : memref<!tpu.dma_semaphore, #tpu.memory_space<semaphore_mem>>
        %dma_start3A_450 = arith.constant 0 : i32
        %dma_start3A_451 = tpu.memref_slice %arg24[%run_scoped3A_95, %dma_start3A_450] : memref<16x64xf32, #tpu.memory_space<vmem>> -> memref<1x64xf32, #tpu.memory_space<vmem>>
        %dma_start3A_452 = tpu.memref_squeeze %dma_start3A_451 : memref<1x64xf32, #tpu.memory_space<vmem>> -> memref<64xf32, #tpu.memory_space<vmem>>
        %dma_start3A_453 = arith.constant 0 : i32
        %dma_start3A_454 = tpu.memref_slice %arg31[%run_scoped3A, %dma_start3A_453] : memref<16x128xf32, #tpu.memory_space<vmem_shared>> -> memref<1x64xf32, #tpu.memory_space<vmem_shared>>
        %dma_start3A_455 = tpu.memref_squeeze %dma_start3A_454 : memref<1x64xf32, #tpu.memory_space<vmem_shared>> -> memref<64xf32, #tpu.memory_space<vmem_shared>>
        %dma_start3A_456 = arith.constant 0 : i32
        %dma_start3A_457 = tpu.memref_slice %arg24[%run_scoped3A_95, %dma_start3A_456] : memref<16x64xf32, #tpu.memory_space<vmem>> -> memref<1x64xf32, #tpu.memory_space<vmem>>
        %dma_start3A_458 = tpu.memref_squeeze %dma_start3A_457 : memref<1x64xf32, #tpu.memory_space<vmem>> -> memref<64xf32, #tpu.memory_space<vmem>>
        %dma_start3A_459 = arith.constant 0 : i32
        %dma_start3A_460 = tpu.memref_slice %arg31[%run_scoped3A, %dma_start3A_459] : memref<16x128xf32, #tpu.memory_space<vmem_shared>> -> memref<1x64xf32, #tpu.memory_space<vmem_shared>>
        %dma_start3A_461 = tpu.memref_squeeze %dma_start3A_460 : memref<1x64xf32, #tpu.memory_space<vmem_shared>> -> memref<64xf32, #tpu.memory_space<vmem_shared>>
        tpu.enqueue_dma source(%dma_start3A_461 : memref<64xf32, #tpu.memory_space<vmem_shared>>) target(%dma_start3A_458 : memref<64xf32, #tpu.memory_space<vmem>>) target_semaphore(%run_scoped3A_449 : memref<!tpu.dma_semaphore, #tpu.memory_space<semaphore_mem>>)
        %dma_wait3A_462 = arith.constant 0 : i32
        %dma_wait3A_463 = tpu.memref_slice %arg24[%run_scoped3A_95, %dma_wait3A_462] : memref<16x64xf32, #tpu.memory_space<vmem>> -> memref<1x64xf32, #tpu.memory_space<vmem>>
        %dma_wait3A_464 = tpu.memref_squeeze %dma_wait3A_463 : memref<1x64xf32, #tpu.memory_space<vmem>> -> memref<64xf32, #tpu.memory_space<vmem>>
        %dma_wait3A_465 = arith.constant 0 : i32
        %dma_wait3A_466 = tpu.memref_slice %arg31[%run_scoped3A, %dma_wait3A_465] : memref<16x128xf32, #tpu.memory_space<vmem_shared>> -> memref<1x64xf32, #tpu.memory_space<vmem_shared>>
        %dma_wait3A_467 = tpu.memref_squeeze %dma_wait3A_466 : memref<1x64xf32, #tpu.memory_space<vmem_shared>> -> memref<64xf32, #tpu.memory_space<vmem_shared>>
        %dma_wait3A_468 = arith.constant 0 : i32
        %dma_wait3A_469 = tpu.memref_slice %arg24[%run_scoped3A_95, %dma_wait3A_468] : memref<16x64xf32, #tpu.memory_space<vmem>> -> memref<1x64xf32, #tpu.memory_space<vmem>>
        %dma_wait3A_470 = tpu.memref_squeeze %dma_wait3A_469 : memref<1x64xf32, #tpu.memory_space<vmem>> -> memref<64xf32, #tpu.memory_space<vmem>>
        %dma_wait3A_471 = arith.constant 0 : i32
        %dma_wait3A_472 = tpu.memref_slice %arg31[%run_scoped3A, %dma_wait3A_471] : memref<16x128xf32, #tpu.memory_space<vmem_shared>> -> memref<1x64xf32, #tpu.memory_space<vmem_shared>>
        %dma_wait3A_473 = tpu.memref_squeeze %dma_wait3A_472 : memref<1x64xf32, #tpu.memory_space<vmem_shared>> -> memref<64xf32, #tpu.memory_space<vmem_shared>>
        tpu.wait_dma2 semaphore(%run_scoped3A_449 : memref<!tpu.dma_semaphore, #tpu.memory_space<semaphore_mem>>) src(%dma_wait3A_473 : memref<64xf32, #tpu.memory_space<vmem_shared>>) dst(%dma_wait3A_470 : memref<64xf32, #tpu.memory_space<vmem>>)
        tpu.yield
      }) : () -> ()
      %run_scoped3A_96 = arith.constant 1 : i32
      %run_scoped3A_97 = arith.constant 1 : i32
      "tpu.region"() ({
        %run_scoped3A_449 = tpu.sem_alloc : memref<!tpu.dma_semaphore, #tpu.memory_space<semaphore_mem>>
        %dma_start3A_450 = arith.constant 0 : i32
        %dma_start3A_451 = tpu.memref_slice %arg24[%run_scoped3A_97, %dma_start3A_450] : memref<16x64xf32, #tpu.memory_space<vmem>> -> memref<1x64xf32, #tpu.memory_space<vmem>>
        %dma_start3A_452 = tpu.memref_squeeze %dma_start3A_451 : memref<1x64xf32, #tpu.memory_space<vmem>> -> memref<64xf32, #tpu.memory_space<vmem>>
        %dma_start3A_453 = arith.constant 0 : i32
        %dma_start3A_454 = tpu.memref_slice %arg31[%run_scoped3A_96, %dma_start3A_453] : memref<16x128xf32, #tpu.memory_space<vmem_shared>> -> memref<1x64xf32, #tpu.memory_space<vmem_shared>>
        %dma_start3A_455 = tpu.memref_squeeze %dma_start3A_454 : memref<1x64xf32, #tpu.memory_space<vmem_shared>> -> memref<64xf32, #tpu.memory_space<vmem_shared>>
        %dma_start3A_456 = arith.constant 0 : i32
        %dma_start3A_457 = tpu.memref_slice %arg24[%run_scoped3A_97, %dma_start3A_456] : memref<16x64xf32, #tpu.memory_space<vmem>> -> memref<1x64xf32, #tpu.memory_space<vmem>>
        %dma_start3A_458 = tpu.memref_squeeze %dma_start3A_457 : memref<1x64xf32, #tpu.memory_space<vmem>> -> memref<64xf32, #tpu.memory_space<vmem>>
        %dma_start3A_459 = arith.constant 0 : i32
        %dma_start3A_460 = tpu.memref_slice %arg31[%run_scoped3A_96, %dma_start3A_459] : memref<16x128xf32, #tpu.memory_space<vmem_shared>> -> memref<1x64xf32, #tpu.memory_space<vmem_shared>>
        %dma_start3A_461 = tpu.memref_squeeze %dma_start3A_460 : memref<1x64xf32, #tpu.memory_space<vmem_shared>> -> memref<64xf32, #tpu.memory_space<vmem_shared>>
        tpu.enqueue_dma source(%dma_start3A_461 : memref<64xf32, #tpu.memory_space<vmem_shared>>) target(%dma_start3A_458 : memref<64xf32, #tpu.memory_space<vmem>>) target_semaphore(%run_scoped3A_449 : memref<!tpu.dma_semaphore, #tpu.memory_space<semaphore_mem>>)
        %dma_wait3A_462 = arith.constant 0 : i32
        %dma_wait3A_463 = tpu.memref_slice %arg24[%run_scoped3A_97, %dma_wait3A_462] : memref<16x64xf32, #tpu.memory_space<vmem>> -> memref<1x64xf32, #tpu.memory_space<vmem>>
        %dma_wait3A_464 = tpu.memref_squeeze %dma_wait3A_463 : memref<1x64xf32, #tpu.memory_space<vmem>> -> memref<64xf32, #tpu.memory_space<vmem>>
        %dma_wait3A_465 = arith.constant 0 : i32
        %dma_wait3A_466 = tpu.memref_slice %arg31[%run_scoped3A_96, %dma_wait3A_465] : memref<16x128xf32, #tpu.memory_space<vmem_shared>> -> memref<1x64xf32, #tpu.memory_space<vmem_shared>>
        %dma_wait3A_467 = tpu.memref_squeeze %dma_wait3A_466 : memref<1x64xf32, #tpu.memory_space<vmem_shared>> -> memref<64xf32, #tpu.memory_space<vmem_shared>>
        %dma_wait3A_468 = arith.constant 0 : i32
        %dma_wait3A_469 = tpu.memref_slice %arg24[%run_scoped3A_97, %dma_wait3A_468] : memref<16x64xf32, #tpu.memory_space<vmem>> -> memref<1x64xf32, #tpu.memory_space<vmem>>
        %dma_wait3A_470 = tpu.memref_squeeze %dma_wait3A_469 : memref<1x64xf32, #tpu.memory_space<vmem>> -> memref<64xf32, #tpu.memory_space<vmem>>
        %dma_wait3A_471 = arith.constant 0 : i32
        %dma_wait3A_472 = tpu.memref_slice %arg31[%run_scoped3A_96, %dma_wait3A_471] : memref<16x128xf32, #tpu.memory_space<vmem_shared>> -> memref<1x64xf32, #tpu.memory_space<vmem_shared>>
        %dma_wait3A_473 = tpu.memref_squeeze %dma_wait3A_472 : memref<1x64xf32, #tpu.memory_space<vmem_shared>> -> memref<64xf32, #tpu.memory_space<vmem_shared>>
        tpu.wait_dma2 semaphore(%run_scoped3A_449 : memref<!tpu.dma_semaphore, #tpu.memory_space<semaphore_mem>>) src(%dma_wait3A_473 : memref<64xf32, #tpu.memory_space<vmem_shared>>) dst(%dma_wait3A_470 : memref<64xf32, #tpu.memory_space<vmem>>)
        tpu.yield
      }) : () -> ()
      %run_scoped3A_98 = arith.constant 2 : i32
      %run_scoped3A_99 = arith.constant 2 : i32
      "tpu.region"() ({
        %run_scoped3A_449 = tpu.sem_alloc : memref<!tpu.dma_semaphore, #tpu.memory_space<semaphore_mem>>
        %dma_start3A_450 = arith.constant 0 : i32
        %dma_start3A_451 = tpu.memref_slice %arg24[%run_scoped3A_99, %dma_start3A_450] : memref<16x64xf32, #tpu.memory_space<vmem>> -> memref<1x64xf32, #tpu.memory_space<vmem>>
        %dma_start3A_452 = tpu.memref_squeeze %dma_start3A_451 : memref<1x64xf32, #tpu.memory_space<vmem>> -> memref<64xf32, #tpu.memory_space<vmem>>
        %dma_start3A_453 = arith.constant 0 : i32
        %dma_start3A_454 = tpu.memref_slice %arg31[%run_scoped3A_98, %dma_start3A_453] : memref<16x128xf32, #tpu.memory_space<vmem_shared>> -> memref<1x64xf32, #tpu.memory_space<vmem_shared>>
        %dma_start3A_455 = tpu.memref_squeeze %dma_start3A_454 : memref<1x64xf32, #tpu.memory_space<vmem_shared>> -> memref<64xf32, #tpu.memory_space<vmem_shared>>
        %dma_start3A_456 = arith.constant 0 : i32
        %dma_start3A_457 = tpu.memref_slice %arg24[%run_scoped3A_99, %dma_start3A_456] : memref<16x64xf32, #tpu.memory_space<vmem>> -> memref<1x64xf32, #tpu.memory_space<vmem>>
        %dma_start3A_458 = tpu.memref_squeeze %dma_start3A_457 : memref<1x64xf32, #tpu.memory_space<vmem>> -> memref<64xf32, #tpu.memory_space<vmem>>
        %dma_start3A_459 = arith.constant 0 : i32
        %dma_start3A_460 = tpu.memref_slice %arg31[%run_scoped3A_98, %dma_start3A_459] : memref<16x128xf32, #tpu.memory_space<vmem_shared>> -> memref<1x64xf32, #tpu.memory_space<vmem_shared>>
        %dma_start3A_461 = tpu.memref_squeeze %dma_start3A_460 : memref<1x64xf32, #tpu.memory_space<vmem_shared>> -> memref<64xf32, #tpu.memory_space<vmem_shared>>
        tpu.enqueue_dma source(%dma_start3A_461 : memref<64xf32, #tpu.memory_space<vmem_shared>>) target(%dma_start3A_458 : memref<64xf32, #tpu.memory_space<vmem>>) target_semaphore(%run_scoped3A_449 : memref<!tpu.dma_semaphore, #tpu.memory_space<semaphore_mem>>)
        %dma_wait3A_462 = arith.constant 0 : i32
        %dma_wait3A_463 = tpu.memref_slice %arg24[%run_scoped3A_99, %dma_wait3A_462] : memref<16x64xf32, #tpu.memory_space<vmem>> -> memref<1x64xf32, #tpu.memory_space<vmem>>
        %dma_wait3A_464 = tpu.memref_squeeze %dma_wait3A_463 : memref<1x64xf32, #tpu.memory_space<vmem>> -> memref<64xf32, #tpu.memory_space<vmem>>
        %dma_wait3A_465 = arith.constant 0 : i32
        %dma_wait3A_466 = tpu.memref_slice %arg31[%run_scoped3A_98, %dma_wait3A_465] : memref<16x128xf32, #tpu.memory_space<vmem_shared>> -> memref<1x64xf32, #tpu.memory_space<vmem_shared>>
        %dma_wait3A_467 = tpu.memref_squeeze %dma_wait3A_466 : memref<1x64xf32, #tpu.memory_space<vmem_shared>> -> memref<64xf32, #tpu.memory_space<vmem_shared>>
        %dma_wait3A_468 = arith.constant 0 : i32
        %dma_wait3A_469 = tpu.memref_slice %arg24[%run_scoped3A_99, %dma_wait3A_468] : memref<16x64xf32, #tpu.memory_space<vmem>> -> memref<1x64xf32, #tpu.memory_space<vmem>>
        %dma_wait3A_470 = tpu.memref_squeeze %dma_wait3A_469 : memref<1x64xf32, #tpu.memory_space<vmem>> -> memref<64xf32, #tpu.memory_space<vmem>>
        %dma_wait3A_471 = arith.constant 0 : i32
        %dma_wait3A_472 = tpu.memref_slice %arg31[%run_scoped3A_98, %dma_wait3A_471] : memref<16x128xf32, #tpu.memory_space<vmem_shared>> -> memref<1x64xf32, #tpu.memory_space<vmem_shared>>
        %dma_wait3A_473 = tpu.memref_squeeze %dma_wait3A_472 : memref<1x64xf32, #tpu.memory_space<vmem_shared>> -> memref<64xf32, #tpu.memory_space<vmem_shared>>
        tpu.wait_dma2 semaphore(%run_scoped3A_449 : memref<!tpu.dma_semaphore, #tpu.memory_space<semaphore_mem>>) src(%dma_wait3A_473 : memref<64xf32, #tpu.memory_space<vmem_shared>>) dst(%dma_wait3A_470 : memref<64xf32, #tpu.memory_space<vmem>>)
        tpu.yield
      }) : () -> ()
      %run_scoped3A_100 = arith.constant 3 : i32
      %run_scoped3A_101 = arith.constant 3 : i32
      "tpu.region"() ({
        %run_scoped3A_449 = tpu.sem_alloc : memref<!tpu.dma_semaphore, #tpu.memory_space<semaphore_mem>>
        %dma_start3A_450 = arith.constant 0 : i32
        %dma_start3A_451 = tpu.memref_slice %arg24[%run_scoped3A_101, %dma_start3A_450] : memref<16x64xf32, #tpu.memory_space<vmem>> -> memref<1x64xf32, #tpu.memory_space<vmem>>
        %dma_start3A_452 = tpu.memref_squeeze %dma_start3A_451 : memref<1x64xf32, #tpu.memory_space<vmem>> -> memref<64xf32, #tpu.memory_space<vmem>>
        %dma_start3A_453 = arith.constant 0 : i32
        %dma_start3A_454 = tpu.memref_slice %arg31[%run_scoped3A_100, %dma_start3A_453] : memref<16x128xf32, #tpu.memory_space<vmem_shared>> -> memref<1x64xf32, #tpu.memory_space<vmem_shared>>
        %dma_start3A_455 = tpu.memref_squeeze %dma_start3A_454 : memref<1x64xf32, #tpu.memory_space<vmem_shared>> -> memref<64xf32, #tpu.memory_space<vmem_shared>>
        %dma_start3A_456 = arith.constant 0 : i32
        %dma_start3A_457 = tpu.memref_slice %arg24[%run_scoped3A_101, %dma_start3A_456] : memref<16x64xf32, #tpu.memory_space<vmem>> -> memref<1x64xf32, #tpu.memory_space<vmem>>
        %dma_start3A_458 = tpu.memref_squeeze %dma_start3A_457 : memref<1x64xf32, #tpu.memory_space<vmem>> -> memref<64xf32, #tpu.memory_space<vmem>>
        %dma_start3A_459 = arith.constant 0 : i32
        %dma_start3A_460 = tpu.memref_slice %arg31[%run_scoped3A_100, %dma_start3A_459] : memref<16x128xf32, #tpu.memory_space<vmem_shared>> -> memref<1x64xf32, #tpu.memory_space<vmem_shared>>
        %dma_start3A_461 = tpu.memref_squeeze %dma_start3A_460 : memref<1x64xf32, #tpu.memory_space<vmem_shared>> -> memref<64xf32, #tpu.memory_space<vmem_shared>>
        tpu.enqueue_dma source(%dma_start3A_461 : memref<64xf32, #tpu.memory_space<vmem_shared>>) target(%dma_start3A_458 : memref<64xf32, #tpu.memory_space<vmem>>) target_semaphore(%run_scoped3A_449 : memref<!tpu.dma_semaphore, #tpu.memory_space<semaphore_mem>>)
        %dma_wait3A_462 = arith.constant 0 : i32
        %dma_wait3A_463 = tpu.memref_slice %arg24[%run_scoped3A_101, %dma_wait3A_462] : memref<16x64xf32, #tpu.memory_space<vmem>> -> memref<1x64xf32, #tpu.memory_space<vmem>>
        %dma_wait3A_464 = tpu.memref_squeeze %dma_wait3A_463 : memref<1x64xf32, #tpu.memory_space<vmem>> -> memref<64xf32, #tpu.memory_space<vmem>>
        %dma_wait3A_465 = arith.constant 0 : i32
        %dma_wait3A_466 = tpu.memref_slice %arg31[%run_scoped3A_100, %dma_wait3A_465] : memref<16x128xf32, #tpu.memory_space<vmem_shared>> -> memref<1x64xf32, #tpu.memory_space<vmem_shared>>
        %dma_wait3A_467 = tpu.memref_squeeze %dma_wait3A_466 : memref<1x64xf32, #tpu.memory_space<vmem_shared>> -> memref<64xf32, #tpu.memory_space<vmem_shared>>
        %dma_wait3A_468 = arith.constant 0 : i32
        %dma_wait3A_469 = tpu.memref_slice %arg24[%run_scoped3A_101, %dma_wait3A_468] : memref<16x64xf32, #tpu.memory_space<vmem>> -> memref<1x64xf32, #tpu.memory_space<vmem>>
        %dma_wait3A_470 = tpu.memref_squeeze %dma_wait3A_469 : memref<1x64xf32, #tpu.memory_space<vmem>> -> memref<64xf32, #tpu.memory_space<vmem>>
        %dma_wait3A_471 = arith.constant 0 : i32
        %dma_wait3A_472 = tpu.memref_slice %arg31[%run_scoped3A_100, %dma_wait3A_471] : memref<16x128xf32, #tpu.memory_space<vmem_shared>> -> memref<1x64xf32, #tpu.memory_space<vmem_shared>>
        %dma_wait3A_473 = tpu.memref_squeeze %dma_wait3A_472 : memref<1x64xf32, #tpu.memory_space<vmem_shared>> -> memref<64xf32, #tpu.memory_space<vmem_shared>>
        tpu.wait_dma2 semaphore(%run_scoped3A_449 : memref<!tpu.dma_semaphore, #tpu.memory_space<semaphore_mem>>) src(%dma_wait3A_473 : memref<64xf32, #tpu.memory_space<vmem_shared>>) dst(%dma_wait3A_470 : memref<64xf32, #tpu.memory_space<vmem>>)
        tpu.yield
      }) : () -> ()
      %run_scoped3A_102 = arith.constant 4 : i32
      %run_scoped3A_103 = arith.constant 4 : i32
      "tpu.region"() ({
        %run_scoped3A_449 = tpu.sem_alloc : memref<!tpu.dma_semaphore, #tpu.memory_space<semaphore_mem>>
        %dma_start3A_450 = arith.constant 0 : i32
        %dma_start3A_451 = tpu.memref_slice %arg24[%run_scoped3A_103, %dma_start3A_450] : memref<16x64xf32, #tpu.memory_space<vmem>> -> memref<1x64xf32, #tpu.memory_space<vmem>>
        %dma_start3A_452 = tpu.memref_squeeze %dma_start3A_451 : memref<1x64xf32, #tpu.memory_space<vmem>> -> memref<64xf32, #tpu.memory_space<vmem>>
        %dma_start3A_453 = arith.constant 0 : i32
        %dma_start3A_454 = tpu.memref_slice %arg31[%run_scoped3A_102, %dma_start3A_453] : memref<16x128xf32, #tpu.memory_space<vmem_shared>> -> memref<1x64xf32, #tpu.memory_space<vmem_shared>>
        %dma_start3A_455 = tpu.memref_squeeze %dma_start3A_454 : memref<1x64xf32, #tpu.memory_space<vmem_shared>> -> memref<64xf32, #tpu.memory_space<vmem_shared>>
        %dma_start3A_456 = arith.constant 0 : i32
        %dma_start3A_457 = tpu.memref_slice %arg24[%run_scoped3A_103, %dma_start3A_456] : memref<16x64xf32, #tpu.memory_space<vmem>> -> memref<1x64xf32, #tpu.memory_space<vmem>>
        %dma_start3A_458 = tpu.memref_squeeze %dma_start3A_457 : memref<1x64xf32, #tpu.memory_space<vmem>> -> memref<64xf32, #tpu.memory_space<vmem>>
        %dma_start3A_459 = arith.constant 0 : i32
        %dma_start3A_460 = tpu.memref_slice %arg31[%run_scoped3A_102, %dma_start3A_459] : memref<16x128xf32, #tpu.memory_space<vmem_shared>> -> memref<1x64xf32, #tpu.memory_space<vmem_shared>>
        %dma_start3A_461 = tpu.memref_squeeze %dma_start3A_460 : memref<1x64xf32, #tpu.memory_space<vmem_shared>> -> memref<64xf32, #tpu.memory_space<vmem_shared>>
        tpu.enqueue_dma source(%dma_start3A_461 : memref<64xf32, #tpu.memory_space<vmem_shared>>) target(%dma_start3A_458 : memref<64xf32, #tpu.memory_space<vmem>>) target_semaphore(%run_scoped3A_449 : memref<!tpu.dma_semaphore, #tpu.memory_space<semaphore_mem>>)
        %dma_wait3A_462 = arith.constant 0 : i32
        %dma_wait3A_463 = tpu.memref_slice %arg24[%run_scoped3A_103, %dma_wait3A_462] : memref<16x64xf32, #tpu.memory_space<vmem>> -> memref<1x64xf32, #tpu.memory_space<vmem>>
        %dma_wait3A_464 = tpu.memref_squeeze %dma_wait3A_463 : memref<1x64xf32, #tpu.memory_space<vmem>> -> memref<64xf32, #tpu.memory_space<vmem>>
        %dma_wait3A_465 = arith.constant 0 : i32
        %dma_wait3A_466 = tpu.memref_slice %arg31[%run_scoped3A_102, %dma_wait3A_465] : memref<16x128xf32, #tpu.memory_space<vmem_shared>> -> memref<1x64xf32, #tpu.memory_space<vmem_shared>>
        %dma_wait3A_467 = tpu.memref_squeeze %dma_wait3A_466 : memref<1x64xf32, #tpu.memory_space<vmem_shared>> -> memref<64xf32, #tpu.memory_space<vmem_shared>>
        %dma_wait3A_468 = arith.constant 0 : i32
        %dma_wait3A_469 = tpu.memref_slice %arg24[%run_scoped3A_103, %dma_wait3A_468] : memref<16x64xf32, #tpu.memory_space<vmem>> -> memref<1x64xf32, #tpu.memory_space<vmem>>
        %dma_wait3A_470 = tpu.memref_squeeze %dma_wait3A_469 : memref<1x64xf32, #tpu.memory_space<vmem>> -> memref<64xf32, #tpu.memory_space<vmem>>
        %dma_wait3A_471 = arith.constant 0 : i32
        %dma_wait3A_472 = tpu.memref_slice %arg31[%run_scoped3A_102, %dma_wait3A_471] : memref<16x128xf32, #tpu.memory_space<vmem_shared>> -> memref<1x64xf32, #tpu.memory_space<vmem_shared>>
        %dma_wait3A_473 = tpu.memref_squeeze %dma_wait3A_472 : memref<1x64xf32, #tpu.memory_space<vmem_shared>> -> memref<64xf32, #tpu.memory_space<vmem_shared>>
        tpu.wait_dma2 semaphore(%run_scoped3A_449 : memref<!tpu.dma_semaphore, #tpu.memory_space<semaphore_mem>>) src(%dma_wait3A_473 : memref<64xf32, #tpu.memory_space<vmem_shared>>) dst(%dma_wait3A_470 : memref<64xf32, #tpu.memory_space<vmem>>)
        tpu.yield
      }) : () -> ()
      %run_scoped3A_104 = arith.constant 5 : i32
      %run_scoped3A_105 = arith.constant 5 : i32
      "tpu.region"() ({
        %run_scoped3A_449 = tpu.sem_alloc : memref<!tpu.dma_semaphore, #tpu.memory_space<semaphore_mem>>
        %dma_start3A_450 = arith.constant 0 : i32
        %dma_start3A_451 = tpu.memref_slice %arg24[%run_scoped3A_105, %dma_start3A_450] : memref<16x64xf32, #tpu.memory_space<vmem>> -> memref<1x64xf32, #tpu.memory_space<vmem>>
        %dma_start3A_452 = tpu.memref_squeeze %dma_start3A_451 : memref<1x64xf32, #tpu.memory_space<vmem>> -> memref<64xf32, #tpu.memory_space<vmem>>
        %dma_start3A_453 = arith.constant 0 : i32
        %dma_start3A_454 = tpu.memref_slice %arg31[%run_scoped3A_104, %dma_start3A_453] : memref<16x128xf32, #tpu.memory_space<vmem_shared>> -> memref<1x64xf32, #tpu.memory_space<vmem_shared>>
        %dma_start3A_455 = tpu.memref_squeeze %dma_start3A_454 : memref<1x64xf32, #tpu.memory_space<vmem_shared>> -> memref<64xf32, #tpu.memory_space<vmem_shared>>
        %dma_start3A_456 = arith.constant 0 : i32
        %dma_start3A_457 = tpu.memref_slice %arg24[%run_scoped3A_105, %dma_start3A_456] : memref<16x64xf32, #tpu.memory_space<vmem>> -> memref<1x64xf32, #tpu.memory_space<vmem>>
        %dma_start3A_458 = tpu.memref_squeeze %dma_start3A_457 : memref<1x64xf32, #tpu.memory_space<vmem>> -> memref<64xf32, #tpu.memory_space<vmem>>
        %dma_start3A_459 = arith.constant 0 : i32
        %dma_start3A_460 = tpu.memref_slice %arg31[%run_scoped3A_104, %dma_start3A_459] : memref<16x128xf32, #tpu.memory_space<vmem_shared>> -> memref<1x64xf32, #tpu.memory_space<vmem_shared>>
        %dma_start3A_461 = tpu.memref_squeeze %dma_start3A_460 : memref<1x64xf32, #tpu.memory_space<vmem_shared>> -> memref<64xf32, #tpu.memory_space<vmem_shared>>
        tpu.enqueue_dma source(%dma_start3A_461 : memref<64xf32, #tpu.memory_space<vmem_shared>>) target(%dma_start3A_458 : memref<64xf32, #tpu.memory_space<vmem>>) target_semaphore(%run_scoped3A_449 : memref<!tpu.dma_semaphore, #tpu.memory_space<semaphore_mem>>)
        %dma_wait3A_462 = arith.constant 0 : i32
        %dma_wait3A_463 = tpu.memref_slice %arg24[%run_scoped3A_105, %dma_wait3A_462] : memref<16x64xf32, #tpu.memory_space<vmem>> -> memref<1x64xf32, #tpu.memory_space<vmem>>
        %dma_wait3A_464 = tpu.memref_squeeze %dma_wait3A_463 : memref<1x64xf32, #tpu.memory_space<vmem>> -> memref<64xf32, #tpu.memory_space<vmem>>
        %dma_wait3A_465 = arith.constant 0 : i32
        %dma_wait3A_466 = tpu.memref_slice %arg31[%run_scoped3A_104, %dma_wait3A_465] : memref<16x128xf32, #tpu.memory_space<vmem_shared>> -> memref<1x64xf32, #tpu.memory_space<vmem_shared>>
        %dma_wait3A_467 = tpu.memref_squeeze %dma_wait3A_466 : memref<1x64xf32, #tpu.memory_space<vmem_shared>> -> memref<64xf32, #tpu.memory_space<vmem_shared>>
        %dma_wait3A_468 = arith.constant 0 : i32
        %dma_wait3A_469 = tpu.memref_slice %arg24[%run_scoped3A_105, %dma_wait3A_468] : memref<16x64xf32, #tpu.memory_space<vmem>> -> memref<1x64xf32, #tpu.memory_space<vmem>>
        %dma_wait3A_470 = tpu.memref_squeeze %dma_wait3A_469 : memref<1x64xf32, #tpu.memory_space<vmem>> -> memref<64xf32, #tpu.memory_space<vmem>>
        %dma_wait3A_471 = arith.constant 0 : i32
        %dma_wait3A_472 = tpu.memref_slice %arg31[%run_scoped3A_104, %dma_wait3A_471] : memref<16x128xf32, #tpu.memory_space<vmem_shared>> -> memref<1x64xf32, #tpu.memory_space<vmem_shared>>
        %dma_wait3A_473 = tpu.memref_squeeze %dma_wait3A_472 : memref<1x64xf32, #tpu.memory_space<vmem_shared>> -> memref<64xf32, #tpu.memory_space<vmem_shared>>
        tpu.wait_dma2 semaphore(%run_scoped3A_449 : memref<!tpu.dma_semaphore, #tpu.memory_space<semaphore_mem>>) src(%dma_wait3A_473 : memref<64xf32, #tpu.memory_space<vmem_shared>>) dst(%dma_wait3A_470 : memref<64xf32, #tpu.memory_space<vmem>>)
        tpu.yield
      }) : () -> ()
      %run_scoped3A_106 = arith.constant 6 : i32
      %run_scoped3A_107 = arith.constant 6 : i32
      "tpu.region"() ({
        %run_scoped3A_449 = tpu.sem_alloc : memref<!tpu.dma_semaphore, #tpu.memory_space<semaphore_mem>>
        %dma_start3A_450 = arith.constant 0 : i32
        %dma_start3A_451 = tpu.memref_slice %arg24[%run_scoped3A_107, %dma_start3A_450] : memref<16x64xf32, #tpu.memory_space<vmem>> -> memref<1x64xf32, #tpu.memory_space<vmem>>
        %dma_start3A_452 = tpu.memref_squeeze %dma_start3A_451 : memref<1x64xf32, #tpu.memory_space<vmem>> -> memref<64xf32, #tpu.memory_space<vmem>>
        %dma_start3A_453 = arith.constant 0 : i32
        %dma_start3A_454 = tpu.memref_slice %arg31[%run_scoped3A_106, %dma_start3A_453] : memref<16x128xf32, #tpu.memory_space<vmem_shared>> -> memref<1x64xf32, #tpu.memory_space<vmem_shared>>
        %dma_start3A_455 = tpu.memref_squeeze %dma_start3A_454 : memref<1x64xf32, #tpu.memory_space<vmem_shared>> -> memref<64xf32, #tpu.memory_space<vmem_shared>>
        %dma_start3A_456 = arith.constant 0 : i32
        %dma_start3A_457 = tpu.memref_slice %arg24[%run_scoped3A_107, %dma_start3A_456] : memref<16x64xf32, #tpu.memory_space<vmem>> -> memref<1x64xf32, #tpu.memory_space<vmem>>
        %dma_start3A_458 = tpu.memref_squeeze %dma_start3A_457 : memref<1x64xf32, #tpu.memory_space<vmem>> -> memref<64xf32, #tpu.memory_space<vmem>>
        %dma_start3A_459 = arith.constant 0 : i32
        %dma_start3A_460 = tpu.memref_slice %arg31[%run_scoped3A_106, %dma_start3A_459] : memref<16x128xf32, #tpu.memory_space<vmem_shared>> -> memref<1x64xf32, #tpu.memory_space<vmem_shared>>
        %dma_start3A_461 = tpu.memref_squeeze %dma_start3A_460 : memref<1x64xf32, #tpu.memory_space<vmem_shared>> -> memref<64xf32, #tpu.memory_space<vmem_shared>>
        tpu.enqueue_dma source(%dma_start3A_461 : memref<64xf32, #tpu.memory_space<vmem_shared>>) target(%dma_start3A_458 : memref<64xf32, #tpu.memory_space<vmem>>) target_semaphore(%run_scoped3A_449 : memref<!tpu.dma_semaphore, #tpu.memory_space<semaphore_mem>>)
        %dma_wait3A_462 = arith.constant 0 : i32
        %dma_wait3A_463 = tpu.memref_slice %arg24[%run_scoped3A_107, %dma_wait3A_462] : memref<16x64xf32, #tpu.memory_space<vmem>> -> memref<1x64xf32, #tpu.memory_space<vmem>>
        %dma_wait3A_464 = tpu.memref_squeeze %dma_wait3A_463 : memref<1x64xf32, #tpu.memory_space<vmem>> -> memref<64xf32, #tpu.memory_space<vmem>>
        %dma_wait3A_465 = arith.constant 0 : i32
        %dma_wait3A_466 = tpu.memref_slice %arg31[%run_scoped3A_106, %dma_wait3A_465] : memref<16x128xf32, #tpu.memory_space<vmem_shared>> -> memref<1x64xf32, #tpu.memory_space<vmem_shared>>
        %dma_wait3A_467 = tpu.memref_squeeze %dma_wait3A_466 : memref<1x64xf32, #tpu.memory_space<vmem_shared>> -> memref<64xf32, #tpu.memory_space<vmem_shared>>
        %dma_wait3A_468 = arith.constant 0 : i32
        %dma_wait3A_469 = tpu.memref_slice %arg24[%run_scoped3A_107, %dma_wait3A_468] : memref<16x64xf32, #tpu.memory_space<vmem>> -> memref<1x64xf32, #tpu.memory_space<vmem>>
        %dma_wait3A_470 = tpu.memref_squeeze %dma_wait3A_469 : memref<1x64xf32, #tpu.memory_space<vmem>> -> memref<64xf32, #tpu.memory_space<vmem>>
        %dma_wait3A_471 = arith.constant 0 : i32
        %dma_wait3A_472 = tpu.memref_slice %arg31[%run_scoped3A_106, %dma_wait3A_471] : memref<16x128xf32, #tpu.memory_space<vmem_shared>> -> memref<1x64xf32, #tpu.memory_space<vmem_shared>>
        %dma_wait3A_473 = tpu.memref_squeeze %dma_wait3A_472 : memref<1x64xf32, #tpu.memory_space<vmem_shared>> -> memref<64xf32, #tpu.memory_space<vmem_shared>>
        tpu.wait_dma2 semaphore(%run_scoped3A_449 : memref<!tpu.dma_semaphore, #tpu.memory_space<semaphore_mem>>) src(%dma_wait3A_473 : memref<64xf32, #tpu.memory_space<vmem_shared>>) dst(%dma_wait3A_470 : memref<64xf32, #tpu.memory_space<vmem>>)
        tpu.yield
      }) : () -> ()
      %run_scoped3A_108 = arith.constant 7 : i32
      %run_scoped3A_109 = arith.constant 7 : i32
      "tpu.region"() ({
        %run_scoped3A_449 = tpu.sem_alloc : memref<!tpu.dma_semaphore, #tpu.memory_space<semaphore_mem>>
        %dma_start3A_450 = arith.constant 0 : i32
        %dma_start3A_451 = tpu.memref_slice %arg24[%run_scoped3A_109, %dma_start3A_450] : memref<16x64xf32, #tpu.memory_space<vmem>> -> memref<1x64xf32, #tpu.memory_space<vmem>>
        %dma_start3A_452 = tpu.memref_squeeze %dma_start3A_451 : memref<1x64xf32, #tpu.memory_space<vmem>> -> memref<64xf32, #tpu.memory_space<vmem>>
        %dma_start3A_453 = arith.constant 0 : i32
        %dma_start3A_454 = tpu.memref_slice %arg31[%run_scoped3A_108, %dma_start3A_453] : memref<16x128xf32, #tpu.memory_space<vmem_shared>> -> memref<1x64xf32, #tpu.memory_space<vmem_shared>>
        %dma_start3A_455 = tpu.memref_squeeze %dma_start3A_454 : memref<1x64xf32, #tpu.memory_space<vmem_shared>> -> memref<64xf32, #tpu.memory_space<vmem_shared>>
        %dma_start3A_456 = arith.constant 0 : i32
        %dma_start3A_457 = tpu.memref_slice %arg24[%run_scoped3A_109, %dma_start3A_456] : memref<16x64xf32, #tpu.memory_space<vmem>> -> memref<1x64xf32, #tpu.memory_space<vmem>>
        %dma_start3A_458 = tpu.memref_squeeze %dma_start3A_457 : memref<1x64xf32, #tpu.memory_space<vmem>> -> memref<64xf32, #tpu.memory_space<vmem>>
        %dma_start3A_459 = arith.constant 0 : i32
        %dma_start3A_460 = tpu.memref_slice %arg31[%run_scoped3A_108, %dma_start3A_459] : memref<16x128xf32, #tpu.memory_space<vmem_shared>> -> memref<1x64xf32, #tpu.memory_space<vmem_shared>>
        %dma_start3A_461 = tpu.memref_squeeze %dma_start3A_460 : memref<1x64xf32, #tpu.memory_space<vmem_shared>> -> memref<64xf32, #tpu.memory_space<vmem_shared>>
        tpu.enqueue_dma source(%dma_start3A_461 : memref<64xf32, #tpu.memory_space<vmem_shared>>) target(%dma_start3A_458 : memref<64xf32, #tpu.memory_space<vmem>>) target_semaphore(%run_scoped3A_449 : memref<!tpu.dma_semaphore, #tpu.memory_space<semaphore_mem>>)
        %dma_wait3A_462 = arith.constant 0 : i32
        %dma_wait3A_463 = tpu.memref_slice %arg24[%run_scoped3A_109, %dma_wait3A_462] : memref<16x64xf32, #tpu.memory_space<vmem>> -> memref<1x64xf32, #tpu.memory_space<vmem>>
        %dma_wait3A_464 = tpu.memref_squeeze %dma_wait3A_463 : memref<1x64xf32, #tpu.memory_space<vmem>> -> memref<64xf32, #tpu.memory_space<vmem>>
        %dma_wait3A_465 = arith.constant 0 : i32
        %dma_wait3A_466 = tpu.memref_slice %arg31[%run_scoped3A_108, %dma_wait3A_465] : memref<16x128xf32, #tpu.memory_space<vmem_shared>> -> memref<1x64xf32, #tpu.memory_space<vmem_shared>>
        %dma_wait3A_467 = tpu.memref_squeeze %dma_wait3A_466 : memref<1x64xf32, #tpu.memory_space<vmem_shared>> -> memref<64xf32, #tpu.memory_space<vmem_shared>>
        %dma_wait3A_468 = arith.constant 0 : i32
        %dma_wait3A_469 = tpu.memref_slice %arg24[%run_scoped3A_109, %dma_wait3A_468] : memref<16x64xf32, #tpu.memory_space<vmem>> -> memref<1x64xf32, #tpu.memory_space<vmem>>
        %dma_wait3A_470 = tpu.memref_squeeze %dma_wait3A_469 : memref<1x64xf32, #tpu.memory_space<vmem>> -> memref<64xf32, #tpu.memory_space<vmem>>
        %dma_wait3A_471 = arith.constant 0 : i32
        %dma_wait3A_472 = tpu.memref_slice %arg31[%run_scoped3A_108, %dma_wait3A_471] : memref<16x128xf32, #tpu.memory_space<vmem_shared>> -> memref<1x64xf32, #tpu.memory_space<vmem_shared>>
        %dma_wait3A_473 = tpu.memref_squeeze %dma_wait3A_472 : memref<1x64xf32, #tpu.memory_space<vmem_shared>> -> memref<64xf32, #tpu.memory_space<vmem_shared>>
        tpu.wait_dma2 semaphore(%run_scoped3A_449 : memref<!tpu.dma_semaphore, #tpu.memory_space<semaphore_mem>>) src(%dma_wait3A_473 : memref<64xf32, #tpu.memory_space<vmem_shared>>) dst(%dma_wait3A_470 : memref<64xf32, #tpu.memory_space<vmem>>)
        tpu.yield
      }) : () -> ()
      %run_scoped3A_110 = arith.constant 8 : i32
      %run_scoped3A_111 = arith.constant 8 : i32
      "tpu.region"() ({
        %run_scoped3A_449 = tpu.sem_alloc : memref<!tpu.dma_semaphore, #tpu.memory_space<semaphore_mem>>
        %dma_start3A_450 = arith.constant 0 : i32
        %dma_start3A_451 = tpu.memref_slice %arg24[%run_scoped3A_111, %dma_start3A_450] : memref<16x64xf32, #tpu.memory_space<vmem>> -> memref<1x64xf32, #tpu.memory_space<vmem>>
        %dma_start3A_452 = tpu.memref_squeeze %dma_start3A_451 : memref<1x64xf32, #tpu.memory_space<vmem>> -> memref<64xf32, #tpu.memory_space<vmem>>
        %dma_start3A_453 = arith.constant 0 : i32
        %dma_start3A_454 = tpu.memref_slice %arg31[%run_scoped3A_110, %dma_start3A_453] : memref<16x128xf32, #tpu.memory_space<vmem_shared>> -> memref<1x64xf32, #tpu.memory_space<vmem_shared>>
        %dma_start3A_455 = tpu.memref_squeeze %dma_start3A_454 : memref<1x64xf32, #tpu.memory_space<vmem_shared>> -> memref<64xf32, #tpu.memory_space<vmem_shared>>
        %dma_start3A_456 = arith.constant 0 : i32
        %dma_start3A_457 = tpu.memref_slice %arg24[%run_scoped3A_111, %dma_start3A_456] : memref<16x64xf32, #tpu.memory_space<vmem>> -> memref<1x64xf32, #tpu.memory_space<vmem>>
        %dma_start3A_458 = tpu.memref_squeeze %dma_start3A_457 : memref<1x64xf32, #tpu.memory_space<vmem>> -> memref<64xf32, #tpu.memory_space<vmem>>
        %dma_start3A_459 = arith.constant 0 : i32
        %dma_start3A_460 = tpu.memref_slice %arg31[%run_scoped3A_110, %dma_start3A_459] : memref<16x128xf32, #tpu.memory_space<vmem_shared>> -> memref<1x64xf32, #tpu.memory_space<vmem_shared>>
        %dma_start3A_461 = tpu.memref_squeeze %dma_start3A_460 : memref<1x64xf32, #tpu.memory_space<vmem_shared>> -> memref<64xf32, #tpu.memory_space<vmem_shared>>
        tpu.enqueue_dma source(%dma_start3A_461 : memref<64xf32, #tpu.memory_space<vmem_shared>>) target(%dma_start3A_458 : memref<64xf32, #tpu.memory_space<vmem>>) target_semaphore(%run_scoped3A_449 : memref<!tpu.dma_semaphore, #tpu.memory_space<semaphore_mem>>)
        %dma_wait3A_462 = arith.constant 0 : i32
        %dma_wait3A_463 = tpu.memref_slice %arg24[%run_scoped3A_111, %dma_wait3A_462] : memref<16x64xf32, #tpu.memory_space<vmem>> -> memref<1x64xf32, #tpu.memory_space<vmem>>
        %dma_wait3A_464 = tpu.memref_squeeze %dma_wait3A_463 : memref<1x64xf32, #tpu.memory_space<vmem>> -> memref<64xf32, #tpu.memory_space<vmem>>
        %dma_wait3A_465 = arith.constant 0 : i32
        %dma_wait3A_466 = tpu.memref_slice %arg31[%run_scoped3A_110, %dma_wait3A_465] : memref<16x128xf32, #tpu.memory_space<vmem_shared>> -> memref<1x64xf32, #tpu.memory_space<vmem_shared>>
        %dma_wait3A_467 = tpu.memref_squeeze %dma_wait3A_466 : memref<1x64xf32, #tpu.memory_space<vmem_shared>> -> memref<64xf32, #tpu.memory_space<vmem_shared>>
        %dma_wait3A_468 = arith.constant 0 : i32
        %dma_wait3A_469 = tpu.memref_slice %arg24[%run_scoped3A_111, %dma_wait3A_468] : memref<16x64xf32, #tpu.memory_space<vmem>> -> memref<1x64xf32, #tpu.memory_space<vmem>>
        %dma_wait3A_470 = tpu.memref_squeeze %dma_wait3A_469 : memref<1x64xf32, #tpu.memory_space<vmem>> -> memref<64xf32, #tpu.memory_space<vmem>>
        %dma_wait3A_471 = arith.constant 0 : i32
        %dma_wait3A_472 = tpu.memref_slice %arg31[%run_scoped3A_110, %dma_wait3A_471] : memref<16x128xf32, #tpu.memory_space<vmem_shared>> -> memref<1x64xf32, #tpu.memory_space<vmem_shared>>
        %dma_wait3A_473 = tpu.memref_squeeze %dma_wait3A_472 : memref<1x64xf32, #tpu.memory_space<vmem_shared>> -> memref<64xf32, #tpu.memory_space<vmem_shared>>
        tpu.wait_dma2 semaphore(%run_scoped3A_449 : memref<!tpu.dma_semaphore, #tpu.memory_space<semaphore_mem>>) src(%dma_wait3A_473 : memref<64xf32, #tpu.memory_space<vmem_shared>>) dst(%dma_wait3A_470 : memref<64xf32, #tpu.memory_space<vmem>>)
        tpu.yield
      }) : () -> ()
      %run_scoped3A_112 = arith.constant 9 : i32
      %run_scoped3A_113 = arith.constant 9 : i32
      "tpu.region"() ({
        %run_scoped3A_449 = tpu.sem_alloc : memref<!tpu.dma_semaphore, #tpu.memory_space<semaphore_mem>>
        %dma_start3A_450 = arith.constant 0 : i32
        %dma_start3A_451 = tpu.memref_slice %arg24[%run_scoped3A_113, %dma_start3A_450] : memref<16x64xf32, #tpu.memory_space<vmem>> -> memref<1x64xf32, #tpu.memory_space<vmem>>
        %dma_start3A_452 = tpu.memref_squeeze %dma_start3A_451 : memref<1x64xf32, #tpu.memory_space<vmem>> -> memref<64xf32, #tpu.memory_space<vmem>>
        %dma_start3A_453 = arith.constant 0 : i32
        %dma_start3A_454 = tpu.memref_slice %arg31[%run_scoped3A_112, %dma_start3A_453] : memref<16x128xf32, #tpu.memory_space<vmem_shared>> -> memref<1x64xf32, #tpu.memory_space<vmem_shared>>
        %dma_start3A_455 = tpu.memref_squeeze %dma_start3A_454 : memref<1x64xf32, #tpu.memory_space<vmem_shared>> -> memref<64xf32, #tpu.memory_space<vmem_shared>>
        %dma_start3A_456 = arith.constant 0 : i32
        %dma_start3A_457 = tpu.memref_slice %arg24[%run_scoped3A_113, %dma_start3A_456] : memref<16x64xf32, #tpu.memory_space<vmem>> -> memref<1x64xf32, #tpu.memory_space<vmem>>
        %dma_start3A_458 = tpu.memref_squeeze %dma_start3A_457 : memref<1x64xf32, #tpu.memory_space<vmem>> -> memref<64xf32, #tpu.memory_space<vmem>>
        %dma_start3A_459 = arith.constant 0 : i32
        %dma_start3A_460 = tpu.memref_slice %arg31[%run_scoped3A_112, %dma_start3A_459] : memref<16x128xf32, #tpu.memory_space<vmem_shared>> -> memref<1x64xf32, #tpu.memory_space<vmem_shared>>
        %dma_start3A_461 = tpu.memref_squeeze %dma_start3A_460 : memref<1x64xf32, #tpu.memory_space<vmem_shared>> -> memref<64xf32, #tpu.memory_space<vmem_shared>>
        tpu.enqueue_dma source(%dma_start3A_461 : memref<64xf32, #tpu.memory_space<vmem_shared>>) target(%dma_start3A_458 : memref<64xf32, #tpu.memory_space<vmem>>) target_semaphore(%run_scoped3A_449 : memref<!tpu.dma_semaphore, #tpu.memory_space<semaphore_mem>>)
        %dma_wait3A_462 = arith.constant 0 : i32
        %dma_wait3A_463 = tpu.memref_slice %arg24[%run_scoped3A_113, %dma_wait3A_462] : memref<16x64xf32, #tpu.memory_space<vmem>> -> memref<1x64xf32, #tpu.memory_space<vmem>>
        %dma_wait3A_464 = tpu.memref_squeeze %dma_wait3A_463 : memref<1x64xf32, #tpu.memory_space<vmem>> -> memref<64xf32, #tpu.memory_space<vmem>>
        %dma_wait3A_465 = arith.constant 0 : i32
        %dma_wait3A_466 = tpu.memref_slice %arg31[%run_scoped3A_112, %dma_wait3A_465] : memref<16x128xf32, #tpu.memory_space<vmem_shared>> -> memref<1x64xf32, #tpu.memory_space<vmem_shared>>
        %dma_wait3A_467 = tpu.memref_squeeze %dma_wait3A_466 : memref<1x64xf32, #tpu.memory_space<vmem_shared>> -> memref<64xf32, #tpu.memory_space<vmem_shared>>
        %dma_wait3A_468 = arith.constant 0 : i32
        %dma_wait3A_469 = tpu.memref_slice %arg24[%run_scoped3A_113, %dma_wait3A_468] : memref<16x64xf32, #tpu.memory_space<vmem>> -> memref<1x64xf32, #tpu.memory_space<vmem>>
        %dma_wait3A_470 = tpu.memref_squeeze %dma_wait3A_469 : memref<1x64xf32, #tpu.memory_space<vmem>> -> memref<64xf32, #tpu.memory_space<vmem>>
        %dma_wait3A_471 = arith.constant 0 : i32
        %dma_wait3A_472 = tpu.memref_slice %arg31[%run_scoped3A_112, %dma_wait3A_471] : memref<16x128xf32, #tpu.memory_space<vmem_shared>> -> memref<1x64xf32, #tpu.memory_space<vmem_shared>>
        %dma_wait3A_473 = tpu.memref_squeeze %dma_wait3A_472 : memref<1x64xf32, #tpu.memory_space<vmem_shared>> -> memref<64xf32, #tpu.memory_space<vmem_shared>>
        tpu.wait_dma2 semaphore(%run_scoped3A_449 : memref<!tpu.dma_semaphore, #tpu.memory_space<semaphore_mem>>) src(%dma_wait3A_473 : memref<64xf32, #tpu.memory_space<vmem_shared>>) dst(%dma_wait3A_470 : memref<64xf32, #tpu.memory_space<vmem>>)
        tpu.yield
      }) : () -> ()
      %run_scoped3A_114 = arith.constant 10 : i32
      %run_scoped3A_115 = arith.constant 10 : i32
      "tpu.region"() ({
        %run_scoped3A_449 = tpu.sem_alloc : memref<!tpu.dma_semaphore, #tpu.memory_space<semaphore_mem>>
        %dma_start3A_450 = arith.constant 0 : i32
        %dma_start3A_451 = tpu.memref_slice %arg24[%run_scoped3A_115, %dma_start3A_450] : memref<16x64xf32, #tpu.memory_space<vmem>> -> memref<1x64xf32, #tpu.memory_space<vmem>>
        %dma_start3A_452 = tpu.memref_squeeze %dma_start3A_451 : memref<1x64xf32, #tpu.memory_space<vmem>> -> memref<64xf32, #tpu.memory_space<vmem>>
        %dma_start3A_453 = arith.constant 0 : i32
        %dma_start3A_454 = tpu.memref_slice %arg31[%run_scoped3A_114, %dma_start3A_453] : memref<16x128xf32, #tpu.memory_space<vmem_shared>> -> memref<1x64xf32, #tpu.memory_space<vmem_shared>>
        %dma_start3A_455 = tpu.memref_squeeze %dma_start3A_454 : memref<1x64xf32, #tpu.memory_space<vmem_shared>> -> memref<64xf32, #tpu.memory_space<vmem_shared>>
        %dma_start3A_456 = arith.constant 0 : i32
        %dma_start3A_457 = tpu.memref_slice %arg24[%run_scoped3A_115, %dma_start3A_456] : memref<16x64xf32, #tpu.memory_space<vmem>> -> memref<1x64xf32, #tpu.memory_space<vmem>>
        %dma_start3A_458 = tpu.memref_squeeze %dma_start3A_457 : memref<1x64xf32, #tpu.memory_space<vmem>> -> memref<64xf32, #tpu.memory_space<vmem>>
        %dma_start3A_459 = arith.constant 0 : i32
        %dma_start3A_460 = tpu.memref_slice %arg31[%run_scoped3A_114, %dma_start3A_459] : memref<16x128xf32, #tpu.memory_space<vmem_shared>> -> memref<1x64xf32, #tpu.memory_space<vmem_shared>>
        %dma_start3A_461 = tpu.memref_squeeze %dma_start3A_460 : memref<1x64xf32, #tpu.memory_space<vmem_shared>> -> memref<64xf32, #tpu.memory_space<vmem_shared>>
        tpu.enqueue_dma source(%dma_start3A_461 : memref<64xf32, #tpu.memory_space<vmem_shared>>) target(%dma_start3A_458 : memref<64xf32, #tpu.memory_space<vmem>>) target_semaphore(%run_scoped3A_449 : memref<!tpu.dma_semaphore, #tpu.memory_space<semaphore_mem>>)
        %dma_wait3A_462 = arith.constant 0 : i32
        %dma_wait3A_463 = tpu.memref_slice %arg24[%run_scoped3A_115, %dma_wait3A_462] : memref<16x64xf32, #tpu.memory_space<vmem>> -> memref<1x64xf32, #tpu.memory_space<vmem>>
        %dma_wait3A_464 = tpu.memref_squeeze %dma_wait3A_463 : memref<1x64xf32, #tpu.memory_space<vmem>> -> memref<64xf32, #tpu.memory_space<vmem>>
        %dma_wait3A_465 = arith.constant 0 : i32
        %dma_wait3A_466 = tpu.memref_slice %arg31[%run_scoped3A_114, %dma_wait3A_465] : memref<16x128xf32, #tpu.memory_space<vmem_shared>> -> memref<1x64xf32, #tpu.memory_space<vmem_shared>>
        %dma_wait3A_467 = tpu.memref_squeeze %dma_wait3A_466 : memref<1x64xf32, #tpu.memory_space<vmem_shared>> -> memref<64xf32, #tpu.memory_space<vmem_shared>>
        %dma_wait3A_468 = arith.constant 0 : i32
        %dma_wait3A_469 = tpu.memref_slice %arg24[%run_scoped3A_115, %dma_wait3A_468] : memref<16x64xf32, #tpu.memory_space<vmem>> -> memref<1x64xf32, #tpu.memory_space<vmem>>
        %dma_wait3A_470 = tpu.memref_squeeze %dma_wait3A_469 : memref<1x64xf32, #tpu.memory_space<vmem>> -> memref<64xf32, #tpu.memory_space<vmem>>
        %dma_wait3A_471 = arith.constant 0 : i32
        %dma_wait3A_472 = tpu.memref_slice %arg31[%run_scoped3A_114, %dma_wait3A_471] : memref<16x128xf32, #tpu.memory_space<vmem_shared>> -> memref<1x64xf32, #tpu.memory_space<vmem_shared>>
        %dma_wait3A_473 = tpu.memref_squeeze %dma_wait3A_472 : memref<1x64xf32, #tpu.memory_space<vmem_shared>> -> memref<64xf32, #tpu.memory_space<vmem_shared>>
        tpu.wait_dma2 semaphore(%run_scoped3A_449 : memref<!tpu.dma_semaphore, #tpu.memory_space<semaphore_mem>>) src(%dma_wait3A_473 : memref<64xf32, #tpu.memory_space<vmem_shared>>) dst(%dma_wait3A_470 : memref<64xf32, #tpu.memory_space<vmem>>)
        tpu.yield
      }) : () -> ()
      %run_scoped3A_116 = arith.constant 11 : i32
      %run_scoped3A_117 = arith.constant 11 : i32
      "tpu.region"() ({
        %run_scoped3A_449 = tpu.sem_alloc : memref<!tpu.dma_semaphore, #tpu.memory_space<semaphore_mem>>
        %dma_start3A_450 = arith.constant 0 : i32
        %dma_start3A_451 = tpu.memref_slice %arg24[%run_scoped3A_117, %dma_start3A_450] : memref<16x64xf32, #tpu.memory_space<vmem>> -> memref<1x64xf32, #tpu.memory_space<vmem>>
        %dma_start3A_452 = tpu.memref_squeeze %dma_start3A_451 : memref<1x64xf32, #tpu.memory_space<vmem>> -> memref<64xf32, #tpu.memory_space<vmem>>
        %dma_start3A_453 = arith.constant 0 : i32
        %dma_start3A_454 = tpu.memref_slice %arg31[%run_scoped3A_116, %dma_start3A_453] : memref<16x128xf32, #tpu.memory_space<vmem_shared>> -> memref<1x64xf32, #tpu.memory_space<vmem_shared>>
        %dma_start3A_455 = tpu.memref_squeeze %dma_start3A_454 : memref<1x64xf32, #tpu.memory_space<vmem_shared>> -> memref<64xf32, #tpu.memory_space<vmem_shared>>
        %dma_start3A_456 = arith.constant 0 : i32
        %dma_start3A_457 = tpu.memref_slice %arg24[%run_scoped3A_117, %dma_start3A_456] : memref<16x64xf32, #tpu.memory_space<vmem>> -> memref<1x64xf32, #tpu.memory_space<vmem>>
        %dma_start3A_458 = tpu.memref_squeeze %dma_start3A_457 : memref<1x64xf32, #tpu.memory_space<vmem>> -> memref<64xf32, #tpu.memory_space<vmem>>
        %dma_start3A_459 = arith.constant 0 : i32
        %dma_start3A_460 = tpu.memref_slice %arg31[%run_scoped3A_116, %dma_start3A_459] : memref<16x128xf32, #tpu.memory_space<vmem_shared>> -> memref<1x64xf32, #tpu.memory_space<vmem_shared>>
        %dma_start3A_461 = tpu.memref_squeeze %dma_start3A_460 : memref<1x64xf32, #tpu.memory_space<vmem_shared>> -> memref<64xf32, #tpu.memory_space<vmem_shared>>
        tpu.enqueue_dma source(%dma_start3A_461 : memref<64xf32, #tpu.memory_space<vmem_shared>>) target(%dma_start3A_458 : memref<64xf32, #tpu.memory_space<vmem>>) target_semaphore(%run_scoped3A_449 : memref<!tpu.dma_semaphore, #tpu.memory_space<semaphore_mem>>)
        %dma_wait3A_462 = arith.constant 0 : i32
        %dma_wait3A_463 = tpu.memref_slice %arg24[%run_scoped3A_117, %dma_wait3A_462] : memref<16x64xf32, #tpu.memory_space<vmem>> -> memref<1x64xf32, #tpu.memory_space<vmem>>
        %dma_wait3A_464 = tpu.memref_squeeze %dma_wait3A_463 : memref<1x64xf32, #tpu.memory_space<vmem>> -> memref<64xf32, #tpu.memory_space<vmem>>
        %dma_wait3A_465 = arith.constant 0 : i32
        %dma_wait3A_466 = tpu.memref_slice %arg31[%run_scoped3A_116, %dma_wait3A_465] : memref<16x128xf32, #tpu.memory_space<vmem_shared>> -> memref<1x64xf32, #tpu.memory_space<vmem_shared>>
        %dma_wait3A_467 = tpu.memref_squeeze %dma_wait3A_466 : memref<1x64xf32, #tpu.memory_space<vmem_shared>> -> memref<64xf32, #tpu.memory_space<vmem_shared>>
        %dma_wait3A_468 = arith.constant 0 : i32
        %dma_wait3A_469 = tpu.memref_slice %arg24[%run_scoped3A_117, %dma_wait3A_468] : memref<16x64xf32, #tpu.memory_space<vmem>> -> memref<1x64xf32, #tpu.memory_space<vmem>>
        %dma_wait3A_470 = tpu.memref_squeeze %dma_wait3A_469 : memref<1x64xf32, #tpu.memory_space<vmem>> -> memref<64xf32, #tpu.memory_space<vmem>>
        %dma_wait3A_471 = arith.constant 0 : i32
        %dma_wait3A_472 = tpu.memref_slice %arg31[%run_scoped3A_116, %dma_wait3A_471] : memref<16x128xf32, #tpu.memory_space<vmem_shared>> -> memref<1x64xf32, #tpu.memory_space<vmem_shared>>
        %dma_wait3A_473 = tpu.memref_squeeze %dma_wait3A_472 : memref<1x64xf32, #tpu.memory_space<vmem_shared>> -> memref<64xf32, #tpu.memory_space<vmem_shared>>
        tpu.wait_dma2 semaphore(%run_scoped3A_449 : memref<!tpu.dma_semaphore, #tpu.memory_space<semaphore_mem>>) src(%dma_wait3A_473 : memref<64xf32, #tpu.memory_space<vmem_shared>>) dst(%dma_wait3A_470 : memref<64xf32, #tpu.memory_space<vmem>>)
        tpu.yield
      }) : () -> ()
      %run_scoped3A_118 = arith.constant 12 : i32
      %run_scoped3A_119 = arith.constant 12 : i32
      "tpu.region"() ({
        %run_scoped3A_449 = tpu.sem_alloc : memref<!tpu.dma_semaphore, #tpu.memory_space<semaphore_mem>>
        %dma_start3A_450 = arith.constant 0 : i32
        %dma_start3A_451 = tpu.memref_slice %arg24[%run_scoped3A_119, %dma_start3A_450] : memref<16x64xf32, #tpu.memory_space<vmem>> -> memref<1x64xf32, #tpu.memory_space<vmem>>
        %dma_start3A_452 = tpu.memref_squeeze %dma_start3A_451 : memref<1x64xf32, #tpu.memory_space<vmem>> -> memref<64xf32, #tpu.memory_space<vmem>>
        %dma_start3A_453 = arith.constant 0 : i32
        %dma_start3A_454 = tpu.memref_slice %arg31[%run_scoped3A_118, %dma_start3A_453] : memref<16x128xf32, #tpu.memory_space<vmem_shared>> -> memref<1x64xf32, #tpu.memory_space<vmem_shared>>
        %dma_start3A_455 = tpu.memref_squeeze %dma_start3A_454 : memref<1x64xf32, #tpu.memory_space<vmem_shared>> -> memref<64xf32, #tpu.memory_space<vmem_shared>>
        %dma_start3A_456 = arith.constant 0 : i32
        %dma_start3A_457 = tpu.memref_slice %arg24[%run_scoped3A_119, %dma_start3A_456] : memref<16x64xf32, #tpu.memory_space<vmem>> -> memref<1x64xf32, #tpu.memory_space<vmem>>
        %dma_start3A_458 = tpu.memref_squeeze %dma_start3A_457 : memref<1x64xf32, #tpu.memory_space<vmem>> -> memref<64xf32, #tpu.memory_space<vmem>>
        %dma_start3A_459 = arith.constant 0 : i32
        %dma_start3A_460 = tpu.memref_slice %arg31[%run_scoped3A_118, %dma_start3A_459] : memref<16x128xf32, #tpu.memory_space<vmem_shared>> -> memref<1x64xf32, #tpu.memory_space<vmem_shared>>
        %dma_start3A_461 = tpu.memref_squeeze %dma_start3A_460 : memref<1x64xf32, #tpu.memory_space<vmem_shared>> -> memref<64xf32, #tpu.memory_space<vmem_shared>>
        tpu.enqueue_dma source(%dma_start3A_461 : memref<64xf32, #tpu.memory_space<vmem_shared>>) target(%dma_start3A_458 : memref<64xf32, #tpu.memory_space<vmem>>) target_semaphore(%run_scoped3A_449 : memref<!tpu.dma_semaphore, #tpu.memory_space<semaphore_mem>>)
        %dma_wait3A_462 = arith.constant 0 : i32
        %dma_wait3A_463 = tpu.memref_slice %arg24[%run_scoped3A_119, %dma_wait3A_462] : memref<16x64xf32, #tpu.memory_space<vmem>> -> memref<1x64xf32, #tpu.memory_space<vmem>>
        %dma_wait3A_464 = tpu.memref_squeeze %dma_wait3A_463 : memref<1x64xf32, #tpu.memory_space<vmem>> -> memref<64xf32, #tpu.memory_space<vmem>>
        %dma_wait3A_465 = arith.constant 0 : i32
        %dma_wait3A_466 = tpu.memref_slice %arg31[%run_scoped3A_118, %dma_wait3A_465] : memref<16x128xf32, #tpu.memory_space<vmem_shared>> -> memref<1x64xf32, #tpu.memory_space<vmem_shared>>
        %dma_wait3A_467 = tpu.memref_squeeze %dma_wait3A_466 : memref<1x64xf32, #tpu.memory_space<vmem_shared>> -> memref<64xf32, #tpu.memory_space<vmem_shared>>
        %dma_wait3A_468 = arith.constant 0 : i32
        %dma_wait3A_469 = tpu.memref_slice %arg24[%run_scoped3A_119, %dma_wait3A_468] : memref<16x64xf32, #tpu.memory_space<vmem>> -> memref<1x64xf32, #tpu.memory_space<vmem>>
        %dma_wait3A_470 = tpu.memref_squeeze %dma_wait3A_469 : memref<1x64xf32, #tpu.memory_space<vmem>> -> memref<64xf32, #tpu.memory_space<vmem>>
        %dma_wait3A_471 = arith.constant 0 : i32
        %dma_wait3A_472 = tpu.memref_slice %arg31[%run_scoped3A_118, %dma_wait3A_471] : memref<16x128xf32, #tpu.memory_space<vmem_shared>> -> memref<1x64xf32, #tpu.memory_space<vmem_shared>>
        %dma_wait3A_473 = tpu.memref_squeeze %dma_wait3A_472 : memref<1x64xf32, #tpu.memory_space<vmem_shared>> -> memref<64xf32, #tpu.memory_space<vmem_shared>>
        tpu.wait_dma2 semaphore(%run_scoped3A_449 : memref<!tpu.dma_semaphore, #tpu.memory_space<semaphore_mem>>) src(%dma_wait3A_473 : memref<64xf32, #tpu.memory_space<vmem_shared>>) dst(%dma_wait3A_470 : memref<64xf32, #tpu.memory_space<vmem>>)
        tpu.yield
      }) : () -> ()
      %run_scoped3A_120 = arith.constant 13 : i32
      %run_scoped3A_121 = arith.constant 13 : i32
      "tpu.region"() ({
        %run_scoped3A_449 = tpu.sem_alloc : memref<!tpu.dma_semaphore, #tpu.memory_space<semaphore_mem>>
        %dma_start3A_450 = arith.constant 0 : i32
        %dma_start3A_451 = tpu.memref_slice %arg24[%run_scoped3A_121, %dma_start3A_450] : memref<16x64xf32, #tpu.memory_space<vmem>> -> memref<1x64xf32, #tpu.memory_space<vmem>>
        %dma_start3A_452 = tpu.memref_squeeze %dma_start3A_451 : memref<1x64xf32, #tpu.memory_space<vmem>> -> memref<64xf32, #tpu.memory_space<vmem>>
        %dma_start3A_453 = arith.constant 0 : i32
        %dma_start3A_454 = tpu.memref_slice %arg31[%run_scoped3A_120, %dma_start3A_453] : memref<16x128xf32, #tpu.memory_space<vmem_shared>> -> memref<1x64xf32, #tpu.memory_space<vmem_shared>>
        %dma_start3A_455 = tpu.memref_squeeze %dma_start3A_454 : memref<1x64xf32, #tpu.memory_space<vmem_shared>> -> memref<64xf32, #tpu.memory_space<vmem_shared>>
        %dma_start3A_456 = arith.constant 0 : i32
        %dma_start3A_457 = tpu.memref_slice %arg24[%run_scoped3A_121, %dma_start3A_456] : memref<16x64xf32, #tpu.memory_space<vmem>> -> memref<1x64xf32, #tpu.memory_space<vmem>>
        %dma_start3A_458 = tpu.memref_squeeze %dma_start3A_457 : memref<1x64xf32, #tpu.memory_space<vmem>> -> memref<64xf32, #tpu.memory_space<vmem>>
        %dma_start3A_459 = arith.constant 0 : i32
        %dma_start3A_460 = tpu.memref_slice %arg31[%run_scoped3A_120, %dma_start3A_459] : memref<16x128xf32, #tpu.memory_space<vmem_shared>> -> memref<1x64xf32, #tpu.memory_space<vmem_shared>>
        %dma_start3A_461 = tpu.memref_squeeze %dma_start3A_460 : memref<1x64xf32, #tpu.memory_space<vmem_shared>> -> memref<64xf32, #tpu.memory_space<vmem_shared>>
        tpu.enqueue_dma source(%dma_start3A_461 : memref<64xf32, #tpu.memory_space<vmem_shared>>) target(%dma_start3A_458 : memref<64xf32, #tpu.memory_space<vmem>>) target_semaphore(%run_scoped3A_449 : memref<!tpu.dma_semaphore, #tpu.memory_space<semaphore_mem>>)
        %dma_wait3A_462 = arith.constant 0 : i32
        %dma_wait3A_463 = tpu.memref_slice %arg24[%run_scoped3A_121, %dma_wait3A_462] : memref<16x64xf32, #tpu.memory_space<vmem>> -> memref<1x64xf32, #tpu.memory_space<vmem>>
        %dma_wait3A_464 = tpu.memref_squeeze %dma_wait3A_463 : memref<1x64xf32, #tpu.memory_space<vmem>> -> memref<64xf32, #tpu.memory_space<vmem>>
        %dma_wait3A_465 = arith.constant 0 : i32
        %dma_wait3A_466 = tpu.memref_slice %arg31[%run_scoped3A_120, %dma_wait3A_465] : memref<16x128xf32, #tpu.memory_space<vmem_shared>> -> memref<1x64xf32, #tpu.memory_space<vmem_shared>>
        %dma_wait3A_467 = tpu.memref_squeeze %dma_wait3A_466 : memref<1x64xf32, #tpu.memory_space<vmem_shared>> -> memref<64xf32, #tpu.memory_space<vmem_shared>>
        %dma_wait3A_468 = arith.constant 0 : i32
        %dma_wait3A_469 = tpu.memref_slice %arg24[%run_scoped3A_121, %dma_wait3A_468] : memref<16x64xf32, #tpu.memory_space<vmem>> -> memref<1x64xf32, #tpu.memory_space<vmem>>
        %dma_wait3A_470 = tpu.memref_squeeze %dma_wait3A_469 : memref<1x64xf32, #tpu.memory_space<vmem>> -> memref<64xf32, #tpu.memory_space<vmem>>
        %dma_wait3A_471 = arith.constant 0 : i32
        %dma_wait3A_472 = tpu.memref_slice %arg31[%run_scoped3A_120, %dma_wait3A_471] : memref<16x128xf32, #tpu.memory_space<vmem_shared>> -> memref<1x64xf32, #tpu.memory_space<vmem_shared>>
        %dma_wait3A_473 = tpu.memref_squeeze %dma_wait3A_472 : memref<1x64xf32, #tpu.memory_space<vmem_shared>> -> memref<64xf32, #tpu.memory_space<vmem_shared>>
        tpu.wait_dma2 semaphore(%run_scoped3A_449 : memref<!tpu.dma_semaphore, #tpu.memory_space<semaphore_mem>>) src(%dma_wait3A_473 : memref<64xf32, #tpu.memory_space<vmem_shared>>) dst(%dma_wait3A_470 : memref<64xf32, #tpu.memory_space<vmem>>)
        tpu.yield
      }) : () -> ()
      %run_scoped3A_122 = arith.constant 14 : i32
      %run_scoped3A_123 = arith.constant 14 : i32
      "tpu.region"() ({
        %run_scoped3A_449 = tpu.sem_alloc : memref<!tpu.dma_semaphore, #tpu.memory_space<semaphore_mem>>
        %dma_start3A_450 = arith.constant 0 : i32
        %dma_start3A_451 = tpu.memref_slice %arg24[%run_scoped3A_123, %dma_start3A_450] : memref<16x64xf32, #tpu.memory_space<vmem>> -> memref<1x64xf32, #tpu.memory_space<vmem>>
        %dma_start3A_452 = tpu.memref_squeeze %dma_start3A_451 : memref<1x64xf32, #tpu.memory_space<vmem>> -> memref<64xf32, #tpu.memory_space<vmem>>
        %dma_start3A_453 = arith.constant 0 : i32
        %dma_start3A_454 = tpu.memref_slice %arg31[%run_scoped3A_122, %dma_start3A_453] : memref<16x128xf32, #tpu.memory_space<vmem_shared>> -> memref<1x64xf32, #tpu.memory_space<vmem_shared>>
        %dma_start3A_455 = tpu.memref_squeeze %dma_start3A_454 : memref<1x64xf32, #tpu.memory_space<vmem_shared>> -> memref<64xf32, #tpu.memory_space<vmem_shared>>
        %dma_start3A_456 = arith.constant 0 : i32
        %dma_start3A_457 = tpu.memref_slice %arg24[%run_scoped3A_123, %dma_start3A_456] : memref<16x64xf32, #tpu.memory_space<vmem>> -> memref<1x64xf32, #tpu.memory_space<vmem>>
        %dma_start3A_458 = tpu.memref_squeeze %dma_start3A_457 : memref<1x64xf32, #tpu.memory_space<vmem>> -> memref<64xf32, #tpu.memory_space<vmem>>
        %dma_start3A_459 = arith.constant 0 : i32
        %dma_start3A_460 = tpu.memref_slice %arg31[%run_scoped3A_122, %dma_start3A_459] : memref<16x128xf32, #tpu.memory_space<vmem_shared>> -> memref<1x64xf32, #tpu.memory_space<vmem_shared>>
        %dma_start3A_461 = tpu.memref_squeeze %dma_start3A_460 : memref<1x64xf32, #tpu.memory_space<vmem_shared>> -> memref<64xf32, #tpu.memory_space<vmem_shared>>
        tpu.enqueue_dma source(%dma_start3A_461 : memref<64xf32, #tpu.memory_space<vmem_shared>>) target(%dma_start3A_458 : memref<64xf32, #tpu.memory_space<vmem>>) target_semaphore(%run_scoped3A_449 : memref<!tpu.dma_semaphore, #tpu.memory_space<semaphore_mem>>)
        %dma_wait3A_462 = arith.constant 0 : i32
        %dma_wait3A_463 = tpu.memref_slice %arg24[%run_scoped3A_123, %dma_wait3A_462] : memref<16x64xf32, #tpu.memory_space<vmem>> -> memref<1x64xf32, #tpu.memory_space<vmem>>
        %dma_wait3A_464 = tpu.memref_squeeze %dma_wait3A_463 : memref<1x64xf32, #tpu.memory_space<vmem>> -> memref<64xf32, #tpu.memory_space<vmem>>
        %dma_wait3A_465 = arith.constant 0 : i32
        %dma_wait3A_466 = tpu.memref_slice %arg31[%run_scoped3A_122, %dma_wait3A_465] : memref<16x128xf32, #tpu.memory_space<vmem_shared>> -> memref<1x64xf32, #tpu.memory_space<vmem_shared>>
        %dma_wait3A_467 = tpu.memref_squeeze %dma_wait3A_466 : memref<1x64xf32, #tpu.memory_space<vmem_shared>> -> memref<64xf32, #tpu.memory_space<vmem_shared>>
        %dma_wait3A_468 = arith.constant 0 : i32
        %dma_wait3A_469 = tpu.memref_slice %arg24[%run_scoped3A_123, %dma_wait3A_468] : memref<16x64xf32, #tpu.memory_space<vmem>> -> memref<1x64xf32, #tpu.memory_space<vmem>>
        %dma_wait3A_470 = tpu.memref_squeeze %dma_wait3A_469 : memref<1x64xf32, #tpu.memory_space<vmem>> -> memref<64xf32, #tpu.memory_space<vmem>>
        %dma_wait3A_471 = arith.constant 0 : i32
        %dma_wait3A_472 = tpu.memref_slice %arg31[%run_scoped3A_122, %dma_wait3A_471] : memref<16x128xf32, #tpu.memory_space<vmem_shared>> -> memref<1x64xf32, #tpu.memory_space<vmem_shared>>
        %dma_wait3A_473 = tpu.memref_squeeze %dma_wait3A_472 : memref<1x64xf32, #tpu.memory_space<vmem_shared>> -> memref<64xf32, #tpu.memory_space<vmem_shared>>
        tpu.wait_dma2 semaphore(%run_scoped3A_449 : memref<!tpu.dma_semaphore, #tpu.memory_space<semaphore_mem>>) src(%dma_wait3A_473 : memref<64xf32, #tpu.memory_space<vmem_shared>>) dst(%dma_wait3A_470 : memref<64xf32, #tpu.memory_space<vmem>>)
        tpu.yield
      }) : () -> ()
      %run_scoped3A_124 = arith.constant 15 : i32
      %run_scoped3A_125 = arith.constant 15 : i32
      "tpu.region"() ({
        %run_scoped3A_449 = tpu.sem_alloc : memref<!tpu.dma_semaphore, #tpu.memory_space<semaphore_mem>>
        %dma_start3A_450 = arith.constant 0 : i32
        %dma_start3A_451 = tpu.memref_slice %arg24[%run_scoped3A_125, %dma_start3A_450] : memref<16x64xf32, #tpu.memory_space<vmem>> -> memref<1x64xf32, #tpu.memory_space<vmem>>
        %dma_start3A_452 = tpu.memref_squeeze %dma_start3A_451 : memref<1x64xf32, #tpu.memory_space<vmem>> -> memref<64xf32, #tpu.memory_space<vmem>>
        %dma_start3A_453 = arith.constant 0 : i32
        %dma_start3A_454 = tpu.memref_slice %arg31[%run_scoped3A_124, %dma_start3A_453] : memref<16x128xf32, #tpu.memory_space<vmem_shared>> -> memref<1x64xf32, #tpu.memory_space<vmem_shared>>
        %dma_start3A_455 = tpu.memref_squeeze %dma_start3A_454 : memref<1x64xf32, #tpu.memory_space<vmem_shared>> -> memref<64xf32, #tpu.memory_space<vmem_shared>>
        %dma_start3A_456 = arith.constant 0 : i32
        %dma_start3A_457 = tpu.memref_slice %arg24[%run_scoped3A_125, %dma_start3A_456] : memref<16x64xf32, #tpu.memory_space<vmem>> -> memref<1x64xf32, #tpu.memory_space<vmem>>
        %dma_start3A_458 = tpu.memref_squeeze %dma_start3A_457 : memref<1x64xf32, #tpu.memory_space<vmem>> -> memref<64xf32, #tpu.memory_space<vmem>>
        %dma_start3A_459 = arith.constant 0 : i32
        %dma_start3A_460 = tpu.memref_slice %arg31[%run_scoped3A_124, %dma_start3A_459] : memref<16x128xf32, #tpu.memory_space<vmem_shared>> -> memref<1x64xf32, #tpu.memory_space<vmem_shared>>
        %dma_start3A_461 = tpu.memref_squeeze %dma_start3A_460 : memref<1x64xf32, #tpu.memory_space<vmem_shared>> -> memref<64xf32, #tpu.memory_space<vmem_shared>>
        tpu.enqueue_dma source(%dma_start3A_461 : memref<64xf32, #tpu.memory_space<vmem_shared>>) target(%dma_start3A_458 : memref<64xf32, #tpu.memory_space<vmem>>) target_semaphore(%run_scoped3A_449 : memref<!tpu.dma_semaphore, #tpu.memory_space<semaphore_mem>>)
        %dma_wait3A_462 = arith.constant 0 : i32
        %dma_wait3A_463 = tpu.memref_slice %arg24[%run_scoped3A_125, %dma_wait3A_462] : memref<16x64xf32, #tpu.memory_space<vmem>> -> memref<1x64xf32, #tpu.memory_space<vmem>>
        %dma_wait3A_464 = tpu.memref_squeeze %dma_wait3A_463 : memref<1x64xf32, #tpu.memory_space<vmem>> -> memref<64xf32, #tpu.memory_space<vmem>>
        %dma_wait3A_465 = arith.constant 0 : i32
        %dma_wait3A_466 = tpu.memref_slice %arg31[%run_scoped3A_124, %dma_wait3A_465] : memref<16x128xf32, #tpu.memory_space<vmem_shared>> -> memref<1x64xf32, #tpu.memory_space<vmem_shared>>
        %dma_wait3A_467 = tpu.memref_squeeze %dma_wait3A_466 : memref<1x64xf32, #tpu.memory_space<vmem_shared>> -> memref<64xf32, #tpu.memory_space<vmem_shared>>
        %dma_wait3A_468 = arith.constant 0 : i32
        %dma_wait3A_469 = tpu.memref_slice %arg24[%run_scoped3A_125, %dma_wait3A_468] : memref<16x64xf32, #tpu.memory_space<vmem>> -> memref<1x64xf32, #tpu.memory_space<vmem>>
        %dma_wait3A_470 = tpu.memref_squeeze %dma_wait3A_469 : memref<1x64xf32, #tpu.memory_space<vmem>> -> memref<64xf32, #tpu.memory_space<vmem>>
        %dma_wait3A_471 = arith.constant 0 : i32
        %dma_wait3A_472 = tpu.memref_slice %arg31[%run_scoped3A_124, %dma_wait3A_471] : memref<16x128xf32, #tpu.memory_space<vmem_shared>> -> memref<1x64xf32, #tpu.memory_space<vmem_shared>>
        %dma_wait3A_473 = tpu.memref_squeeze %dma_wait3A_472 : memref<1x64xf32, #tpu.memory_space<vmem_shared>> -> memref<64xf32, #tpu.memory_space<vmem_shared>>
        tpu.wait_dma2 semaphore(%run_scoped3A_449 : memref<!tpu.dma_semaphore, #tpu.memory_space<semaphore_mem>>) src(%dma_wait3A_473 : memref<64xf32, #tpu.memory_space<vmem_shared>>) dst(%dma_wait3A_470 : memref<64xf32, #tpu.memory_space<vmem>>)
        tpu.yield
      }) : () -> ()
      %get3A = arith.constant 0 : i32
      %get3A_126 = arith.index_cast %get3A : i32 to index
      %get3A_127 = arith.constant 0 : index
      %get3A_128 = tpu.vector_load %arg24[%get3A_126, %get3A_127] {strides = array<i32>} : memref<16x64xf32, #tpu.memory_space<vmem>>, vector<16xf32>,
      %get3A_129 = arith.constant 1 : i32
      %get3A_130 = arith.index_cast %get3A_129 : i32 to index
      %get3A_131 = arith.constant 0 : index
      %get3A_132 = tpu.vector_load %arg24[%get3A_130, %get3A_131] {strides = array<i32>} : memref<16x64xf32, #tpu.memory_space<vmem>>, vector<16xf32>,
      %add3A_133 = arith.addf %get3A_128, %get3A_132 : vector<16xf32>
      %get3A_134 = arith.constant 2 : i32
      %get3A_135 = arith.index_cast %get3A_134 : i32 to index
      %get3A_136 = arith.constant 0 : index
      %get3A_137 = tpu.vector_load %arg24[%get3A_135, %get3A_136] {strides = array<i32>} : memref<16x64xf32, #tpu.memory_space<vmem>>, vector<16xf32>,
      %add3A_138 = arith.addf %add3A_133, %get3A_137 : vector<16xf32>
      %get3A_139 = arith.constant 3 : i32
      %get3A_140 = arith.index_cast %get3A_139 : i32 to index
      %get3A_141 = arith.constant 0 : index
      %get3A_142 = tpu.vector_load %arg24[%get3A_140, %get3A_141] {strides = array<i32>} : memref<16x64xf32, #tpu.memory_space<vmem>>, vector<16xf32>,
      %add3A_143 = arith.addf %add3A_138, %get3A_142 : vector<16xf32>
      %get3A_144 = arith.constant 4 : i32
      %get3A_145 = arith.index_cast %get3A_144 : i32 to index
      %get3A_146 = arith.constant 0 : index
      %get3A_147 = tpu.vector_load %arg24[%get3A_145, %get3A_146] {strides = array<i32>} : memref<16x64xf32, #tpu.memory_space<vmem>>, vector<16xf32>,
      %add3A_148 = arith.addf %add3A_143, %get3A_147 : vector<16xf32>
      %get3A_149 = arith.constant 5 : i32
      %get3A_150 = arith.index_cast %get3A_149 : i32 to index
      %get3A_151 = arith.constant 0 : index
      %get3A_152 = tpu.vector_load %arg24[%get3A_150, %get3A_151] {strides = array<i32>} : memref<16x64xf32, #tpu.memory_space<vmem>>, vector<16xf32>,
      %add3A_153 = arith.addf %add3A_148, %get3A_152 : vector<16xf32>
      %get3A_154 = arith.constant 6 : i32
      %get3A_155 = arith.index_cast %get3A_154 : i32 to index
      %get3A_156 = arith.constant 0 : index
      %get3A_157 = tpu.vector_load %arg24[%get3A_155, %get3A_156] {strides = array<i32>} : memref<16x64xf32, #tpu.memory_space<vmem>>, vector<16xf32>,
      %add3A_158 = arith.addf %add3A_153, %get3A_157 : vector<16xf32>
      %get3A_159 = arith.constant 7 : i32
      %get3A_160 = arith.index_cast %get3A_159 : i32 to index
      %get3A_161 = arith.constant 0 : index
      %get3A_162 = tpu.vector_load %arg24[%get3A_160, %get3A_161] {strides = array<i32>} : memref<16x64xf32, #tpu.memory_space<vmem>>, vector<16xf32>,
      %add3A_163 = arith.addf %add3A_158, %get3A_162 : vector<16xf32>
      %get3A_164 = arith.constant 8 : i32
      %get3A_165 = arith.index_cast %get3A_164 : i32 to index
      %get3A_166 = arith.constant 0 : index
      %get3A_167 = tpu.vector_load %arg24[%get3A_165, %get3A_166] {strides = array<i32>} : memref<16x64xf32, #tpu.memory_space<vmem>>, vector<16xf32>,
      %add3A_168 = arith.addf %add3A_163, %get3A_167 : vector<16xf32>
      %get3A_169 = arith.constant 9 : i32
      %get3A_170 = arith.index_cast %get3A_169 : i32 to index
      %get3A_171 = arith.constant 0 : index
      %get3A_172 = tpu.vector_load %arg24[%get3A_170, %get3A_171] {strides = array<i32>} : memref<16x64xf32, #tpu.memory_space<vmem>>, vector<16xf32>,
      %add3A_173 = arith.addf %add3A_168, %get3A_172 : vector<16xf32>
      %get3A_174 = arith.constant 10 : i32
      %get3A_175 = arith.index_cast %get3A_174 : i32 to index
      %get3A_176 = arith.constant 0 : index
      %get3A_177 = tpu.vector_load %arg24[%get3A_175, %get3A_176] {strides = array<i32>} : memref<16x64xf32, #tpu.memory_space<vmem>>, vector<16xf32>,
      %add3A_178 = arith.addf %add3A_173, %get3A_177 : vector<16xf32>
      %get3A_179 = arith.constant 11 : i32
      %get3A_180 = arith.index_cast %get3A_179 : i32 to index
      %get3A_181 = arith.constant 0 : index
      %get3A_182 = tpu.vector_load %arg24[%get3A_180, %get3A_181] {strides = array<i32>} : memref<16x64xf32, #tpu.memory_space<vmem>>, vector<16xf32>,
      %add3A_183 = arith.addf %add3A_178, %get3A_182 : vector<16xf32>
      %get3A_184 = arith.constant 12 : i32
      %get3A_185 = arith.index_cast %get3A_184 : i32 to index
      %get3A_186 = arith.constant 0 : index
      %get3A_187 = tpu.vector_load %arg24[%get3A_185, %get3A_186] {strides = array<i32>} : memref<16x64xf32, #tpu.memory_space<vmem>>, vector<16xf32>,
      %add3A_188 = arith.addf %add3A_183, %get3A_187 : vector<16xf32>
      %get3A_189 = arith.constant 13 : i32
      %get3A_190 = arith.index_cast %get3A_189 : i32 to index
      %get3A_191 = arith.constant 0 : index
      %get3A_192 = tpu.vector_load %arg24[%get3A_190, %get3A_191] {strides = array<i32>} : memref<16x64xf32, #tpu.memory_space<vmem>>, vector<16xf32>,
      %add3A_193 = arith.addf %add3A_188, %get3A_192 : vector<16xf32>
      %get3A_194 = arith.constant 14 : i32
      %get3A_195 = arith.index_cast %get3A_194 : i32 to index
      %get3A_196 = arith.constant 0 : index
      %get3A_197 = tpu.vector_load %arg24[%get3A_195, %get3A_196] {strides = array<i32>} : memref<16x64xf32, #tpu.memory_space<vmem>>, vector<16xf32>,
      %add3A_198 = arith.addf %add3A_193, %get3A_197 : vector<16xf32>
      %get3A_199 = arith.constant 15 : i32
      %get3A_200 = arith.index_cast %get3A_199 : i32 to index
      %get3A_201 = arith.constant 0 : index
      %get3A_202 = tpu.vector_load %arg24[%get3A_200, %get3A_201] {strides = array<i32>} : memref<16x64xf32, #tpu.memory_space<vmem>>, vector<16xf32>,
      %add3A_203 = arith.addf %add3A_198, %get3A_202 : vector<16xf32>
      %swap3A_204 = arith.constant 0 : index
      %swap3A_205 = tpu.vector_load %arg23[%swap3A_204] {strides = array<i32>} : memref<64xf32, #tpu.memory_space<vmem>>, vector<16xf32>,
      tpu.vector_store %arg23[%swap3A_204], %add3A_203 {strides = array<i32>} : memref<64xf32, #tpu.memory_space<vmem>>, vector<16xf32>,
      %get3A_206 = arith.constant 0 : i32
      %get3A_207 = arith.index_cast %get3A_206 : i32 to index
      %get3A_208 = arith.constant 16 : index
      %get3A_209 = tpu.vector_load %arg24[%get3A_207, %get3A_208] {strides = array<i32>} : memref<16x64xf32, #tpu.memory_space<vmem>>, vector<16xf32>,
      %get3A_210 = arith.constant 1 : i32
      %get3A_211 = arith.index_cast %get3A_210 : i32 to index
      %get3A_212 = arith.constant 16 : index
      %get3A_213 = tpu.vector_load %arg24[%get3A_211, %get3A_212] {strides = array<i32>} : memref<16x64xf32, #tpu.memory_space<vmem>>, vector<16xf32>,
      %add3A_214 = arith.addf %get3A_209, %get3A_213 : vector<16xf32>
      %get3A_215 = arith.constant 2 : i32
      %get3A_216 = arith.index_cast %get3A_215 : i32 to index
      %get3A_217 = arith.constant 16 : index
      %get3A_218 = tpu.vector_load %arg24[%get3A_216, %get3A_217] {strides = array<i32>} : memref<16x64xf32, #tpu.memory_space<vmem>>, vector<16xf32>,
      %add3A_219 = arith.addf %add3A_214, %get3A_218 : vector<16xf32>
      %get3A_220 = arith.constant 3 : i32
      %get3A_221 = arith.index_cast %get3A_220 : i32 to index
      %get3A_222 = arith.constant 16 : index
      %get3A_223 = tpu.vector_load %arg24[%get3A_221, %get3A_222] {strides = array<i32>} : memref<16x64xf32, #tpu.memory_space<vmem>>, vector<16xf32>,
      %add3A_224 = arith.addf %add3A_219, %get3A_223 : vector<16xf32>
      %get3A_225 = arith.constant 4 : i32
      %get3A_226 = arith.index_cast %get3A_225 : i32 to index
      %get3A_227 = arith.constant 16 : index
      %get3A_228 = tpu.vector_load %arg24[%get3A_226, %get3A_227] {strides = array<i32>} : memref<16x64xf32, #tpu.memory_space<vmem>>, vector<16xf32>,
      %add3A_229 = arith.addf %add3A_224, %get3A_228 : vector<16xf32>
      %get3A_230 = arith.constant 5 : i32
      %get3A_231 = arith.index_cast %get3A_230 : i32 to index
      %get3A_232 = arith.constant 16 : index
      %get3A_233 = tpu.vector_load %arg24[%get3A_231, %get3A_232] {strides = array<i32>} : memref<16x64xf32, #tpu.memory_space<vmem>>, vector<16xf32>,
      %add3A_234 = arith.addf %add3A_229, %get3A_233 : vector<16xf32>
      %get3A_235 = arith.constant 6 : i32
      %get3A_236 = arith.index_cast %get3A_235 : i32 to index
      %get3A_237 = arith.constant 16 : index
      %get3A_238 = tpu.vector_load %arg24[%get3A_236, %get3A_237] {strides = array<i32>} : memref<16x64xf32, #tpu.memory_space<vmem>>, vector<16xf32>,
      %add3A_239 = arith.addf %add3A_234, %get3A_238 : vector<16xf32>
      %get3A_240 = arith.constant 7 : i32
      %get3A_241 = arith.index_cast %get3A_240 : i32 to index
      %get3A_242 = arith.constant 16 : index
      %get3A_243 = tpu.vector_load %arg24[%get3A_241, %get3A_242] {strides = array<i32>} : memref<16x64xf32, #tpu.memory_space<vmem>>, vector<16xf32>,
      %add3A_244 = arith.addf %add3A_239, %get3A_243 : vector<16xf32>
      %get3A_245 = arith.constant 8 : i32
      %get3A_246 = arith.index_cast %get3A_245 : i32 to index
      %get3A_247 = arith.constant 16 : index
      %get3A_248 = tpu.vector_load %arg24[%get3A_246, %get3A_247] {strides = array<i32>} : memref<16x64xf32, #tpu.memory_space<vmem>>, vector<16xf32>,
      %add3A_249 = arith.addf %add3A_244, %get3A_248 : vector<16xf32>
      %get3A_250 = arith.constant 9 : i32
      %get3A_251 = arith.index_cast %get3A_250 : i32 to index
      %get3A_252 = arith.constant 16 : index
      %get3A_253 = tpu.vector_load %arg24[%get3A_251, %get3A_252] {strides = array<i32>} : memref<16x64xf32, #tpu.memory_space<vmem>>, vector<16xf32>,
      %add3A_254 = arith.addf %add3A_249, %get3A_253 : vector<16xf32>
      %get3A_255 = arith.constant 10 : i32
      %get3A_256 = arith.index_cast %get3A_255 : i32 to index
      %get3A_257 = arith.constant 16 : index
      %get3A_258 = tpu.vector_load %arg24[%get3A_256, %get3A_257] {strides = array<i32>} : memref<16x64xf32, #tpu.memory_space<vmem>>, vector<16xf32>,
      %add3A_259 = arith.addf %add3A_254, %get3A_258 : vector<16xf32>
      %get3A_260 = arith.constant 11 : i32
      %get3A_261 = arith.index_cast %get3A_260 : i32 to index
      %get3A_262 = arith.constant 16 : index
      %get3A_263 = tpu.vector_load %arg24[%get3A_261, %get3A_262] {strides = array<i32>} : memref<16x64xf32, #tpu.memory_space<vmem>>, vector<16xf32>,
      %add3A_264 = arith.addf %add3A_259, %get3A_263 : vector<16xf32>
      %get3A_265 = arith.constant 12 : i32
      %get3A_266 = arith.index_cast %get3A_265 : i32 to index
      %get3A_267 = arith.constant 16 : index
      %get3A_268 = tpu.vector_load %arg24[%get3A_266, %get3A_267] {strides = array<i32>} : memref<16x64xf32, #tpu.memory_space<vmem>>, vector<16xf32>,
      %add3A_269 = arith.addf %add3A_264, %get3A_268 : vector<16xf32>
      %get3A_270 = arith.constant 13 : i32
      %get3A_271 = arith.index_cast %get3A_270 : i32 to index
      %get3A_272 = arith.constant 16 : index
      %get3A_273 = tpu.vector_load %arg24[%get3A_271, %get3A_272] {strides = array<i32>} : memref<16x64xf32, #tpu.memory_space<vmem>>, vector<16xf32>,
      %add3A_274 = arith.addf %add3A_269, %get3A_273 : vector<16xf32>
      %get3A_275 = arith.constant 14 : i32
      %get3A_276 = arith.index_cast %get3A_275 : i32 to index
      %get3A_277 = arith.constant 16 : index
      %get3A_278 = tpu.vector_load %arg24[%get3A_276, %get3A_277] {strides = array<i32>} : memref<16x64xf32, #tpu.memory_space<vmem>>, vector<16xf32>,
      %add3A_279 = arith.addf %add3A_274, %get3A_278 : vector<16xf32>
      %get3A_280 = arith.constant 15 : i32
      %get3A_281 = arith.index_cast %get3A_280 : i32 to index
      %get3A_282 = arith.constant 16 : index
      %get3A_283 = tpu.vector_load %arg24[%get3A_281, %get3A_282] {strides = array<i32>} : memref<16x64xf32, #tpu.memory_space<vmem>>, vector<16xf32>,
      %add3A_284 = arith.addf %add3A_279, %get3A_283 : vector<16xf32>
      %swap3A_285 = arith.constant 16 : index
      %swap3A_286 = tpu.vector_load %arg23[%swap3A_285] {strides = array<i32>} : memref<64xf32, #tpu.memory_space<vmem>>, vector<16xf32>,
      tpu.vector_store %arg23[%swap3A_285], %add3A_284 {strides = array<i32>} : memref<64xf32, #tpu.memory_space<vmem>>, vector<16xf32>,
      %get3A_287 = arith.constant 0 : i32
      %get3A_288 = arith.index_cast %get3A_287 : i32 to index
      %get3A_289 = arith.constant 32 : index
      %get3A_290 = tpu.vector_load %arg24[%get3A_288, %get3A_289] {strides = array<i32>} : memref<16x64xf32, #tpu.memory_space<vmem>>, vector<16xf32>,
      %get3A_291 = arith.constant 1 : i32
      %get3A_292 = arith.index_cast %get3A_291 : i32 to index
      %get3A_293 = arith.constant 32 : index
      %get3A_294 = tpu.vector_load %arg24[%get3A_292, %get3A_293] {strides = array<i32>} : memref<16x64xf32, #tpu.memory_space<vmem>>, vector<16xf32>,
      %add3A_295 = arith.addf %get3A_290, %get3A_294 : vector<16xf32>
      %get3A_296 = arith.constant 2 : i32
      %get3A_297 = arith.index_cast %get3A_296 : i32 to index
      %get3A_298 = arith.constant 32 : index
      %get3A_299 = tpu.vector_load %arg24[%get3A_297, %get3A_298] {strides = array<i32>} : memref<16x64xf32, #tpu.memory_space<vmem>>, vector<16xf32>,
      %add3A_300 = arith.addf %add3A_295, %get3A_299 : vector<16xf32>
      %get3A_301 = arith.constant 3 : i32
      %get3A_302 = arith.index_cast %get3A_301 : i32 to index
      %get3A_303 = arith.constant 32 : index
      %get3A_304 = tpu.vector_load %arg24[%get3A_302, %get3A_303] {strides = array<i32>} : memref<16x64xf32, #tpu.memory_space<vmem>>, vector<16xf32>,
      %add3A_305 = arith.addf %add3A_300, %get3A_304 : vector<16xf32>
      %get3A_306 = arith.constant 4 : i32
      %get3A_307 = arith.index_cast %get3A_306 : i32 to index
      %get3A_308 = arith.constant 32 : index
      %get3A_309 = tpu.vector_load %arg24[%get3A_307, %get3A_308] {strides = array<i32>} : memref<16x64xf32, #tpu.memory_space<vmem>>, vector<16xf32>,
      %add3A_310 = arith.addf %add3A_305, %get3A_309 : vector<16xf32>
      %get3A_311 = arith.constant 5 : i32
      %get3A_312 = arith.index_cast %get3A_311 : i32 to index
      %get3A_313 = arith.constant 32 : index
      %get3A_314 = tpu.vector_load %arg24[%get3A_312, %get3A_313] {strides = array<i32>} : memref<16x64xf32, #tpu.memory_space<vmem>>, vector<16xf32>,
      %add3A_315 = arith.addf %add3A_310, %get3A_314 : vector<16xf32>
      %get3A_316 = arith.constant 6 : i32
      %get3A_317 = arith.index_cast %get3A_316 : i32 to index
      %get3A_318 = arith.constant 32 : index
      %get3A_319 = tpu.vector_load %arg24[%get3A_317, %get3A_318] {strides = array<i32>} : memref<16x64xf32, #tpu.memory_space<vmem>>, vector<16xf32>,
      %add3A_320 = arith.addf %add3A_315, %get3A_319 : vector<16xf32>
      %get3A_321 = arith.constant 7 : i32
      %get3A_322 = arith.index_cast %get3A_321 : i32 to index
      %get3A_323 = arith.constant 32 : index
      %get3A_324 = tpu.vector_load %arg24[%get3A_322, %get3A_323] {strides = array<i32>} : memref<16x64xf32, #tpu.memory_space<vmem>>, vector<16xf32>,
      %add3A_325 = arith.addf %add3A_320, %get3A_324 : vector<16xf32>
      %get3A_326 = arith.constant 8 : i32
      %get3A_327 = arith.index_cast %get3A_326 : i32 to index
      %get3A_328 = arith.constant 32 : index
      %get3A_329 = tpu.vector_load %arg24[%get3A_327, %get3A_328] {strides = array<i32>} : memref<16x64xf32, #tpu.memory_space<vmem>>, vector<16xf32>,
      %add3A_330 = arith.addf %add3A_325, %get3A_329 : vector<16xf32>
      %get3A_331 = arith.constant 9 : i32
      %get3A_332 = arith.index_cast %get3A_331 : i32 to index
      %get3A_333 = arith.constant 32 : index
      %get3A_334 = tpu.vector_load %arg24[%get3A_332, %get3A_333] {strides = array<i32>} : memref<16x64xf32, #tpu.memory_space<vmem>>, vector<16xf32>,
      %add3A_335 = arith.addf %add3A_330, %get3A_334 : vector<16xf32>
      %get3A_336 = arith.constant 10 : i32
      %get3A_337 = arith.index_cast %get3A_336 : i32 to index
      %get3A_338 = arith.constant 32 : index
      %get3A_339 = tpu.vector_load %arg24[%get3A_337, %get3A_338] {strides = array<i32>} : memref<16x64xf32, #tpu.memory_space<vmem>>, vector<16xf32>,
      %add3A_340 = arith.addf %add3A_335, %get3A_339 : vector<16xf32>
      %get3A_341 = arith.constant 11 : i32
      %get3A_342 = arith.index_cast %get3A_341 : i32 to index
      %get3A_343 = arith.constant 32 : index
      %get3A_344 = tpu.vector_load %arg24[%get3A_342, %get3A_343] {strides = array<i32>} : memref<16x64xf32, #tpu.memory_space<vmem>>, vector<16xf32>,
      %add3A_345 = arith.addf %add3A_340, %get3A_344 : vector<16xf32>
      %get3A_346 = arith.constant 12 : i32
      %get3A_347 = arith.index_cast %get3A_346 : i32 to index
      %get3A_348 = arith.constant 32 : index
      %get3A_349 = tpu.vector_load %arg24[%get3A_347, %get3A_348] {strides = array<i32>} : memref<16x64xf32, #tpu.memory_space<vmem>>, vector<16xf32>,
      %add3A_350 = arith.addf %add3A_345, %get3A_349 : vector<16xf32>
      %get3A_351 = arith.constant 13 : i32
      %get3A_352 = arith.index_cast %get3A_351 : i32 to index
      %get3A_353 = arith.constant 32 : index
      %get3A_354 = tpu.vector_load %arg24[%get3A_352, %get3A_353] {strides = array<i32>} : memref<16x64xf32, #tpu.memory_space<vmem>>, vector<16xf32>,
      %add3A_355 = arith.addf %add3A_350, %get3A_354 : vector<16xf32>
      %get3A_356 = arith.constant 14 : i32
      %get3A_357 = arith.index_cast %get3A_356 : i32 to index
      %get3A_358 = arith.constant 32 : index
      %get3A_359 = tpu.vector_load %arg24[%get3A_357, %get3A_358] {strides = array<i32>} : memref<16x64xf32, #tpu.memory_space<vmem>>, vector<16xf32>,
      %add3A_360 = arith.addf %add3A_355, %get3A_359 : vector<16xf32>
      %get3A_361 = arith.constant 15 : i32
      %get3A_362 = arith.index_cast %get3A_361 : i32 to index
      %get3A_363 = arith.constant 32 : index
      %get3A_364 = tpu.vector_load %arg24[%get3A_362, %get3A_363] {strides = array<i32>} : memref<16x64xf32, #tpu.memory_space<vmem>>, vector<16xf32>,
      %add3A_365 = arith.addf %add3A_360, %get3A_364 : vector<16xf32>
      %swap3A_366 = arith.constant 32 : index
      %swap3A_367 = tpu.vector_load %arg23[%swap3A_366] {strides = array<i32>} : memref<64xf32, #tpu.memory_space<vmem>>, vector<16xf32>,
      tpu.vector_store %arg23[%swap3A_366], %add3A_365 {strides = array<i32>} : memref<64xf32, #tpu.memory_space<vmem>>, vector<16xf32>,
      %get3A_368 = arith.constant 0 : i32
      %get3A_369 = arith.index_cast %get3A_368 : i32 to index
      %get3A_370 = arith.constant 48 : index
      %get3A_371 = tpu.vector_load %arg24[%get3A_369, %get3A_370] {strides = array<i32>} : memref<16x64xf32, #tpu.memory_space<vmem>>, vector<16xf32>,
      %get3A_372 = arith.constant 1 : i32
      %get3A_373 = arith.index_cast %get3A_372 : i32 to index
      %get3A_374 = arith.constant 48 : index
      %get3A_375 = tpu.vector_load %arg24[%get3A_373, %get3A_374] {strides = array<i32>} : memref<16x64xf32, #tpu.memory_space<vmem>>, vector<16xf32>,
      %add3A_376 = arith.addf %get3A_371, %get3A_375 : vector<16xf32>
      %get3A_377 = arith.constant 2 : i32
      %get3A_378 = arith.index_cast %get3A_377 : i32 to index
      %get3A_379 = arith.constant 48 : index
      %get3A_380 = tpu.vector_load %arg24[%get3A_378, %get3A_379] {strides = array<i32>} : memref<16x64xf32, #tpu.memory_space<vmem>>, vector<16xf32>,
      %add3A_381 = arith.addf %add3A_376, %get3A_380 : vector<16xf32>
      %get3A_382 = arith.constant 3 : i32
      %get3A_383 = arith.index_cast %get3A_382 : i32 to index
      %get3A_384 = arith.constant 48 : index
      %get3A_385 = tpu.vector_load %arg24[%get3A_383, %get3A_384] {strides = array<i32>} : memref<16x64xf32, #tpu.memory_space<vmem>>, vector<16xf32>,
      %add3A_386 = arith.addf %add3A_381, %get3A_385 : vector<16xf32>
      %get3A_387 = arith.constant 4 : i32
      %get3A_388 = arith.index_cast %get3A_387 : i32 to index
      %get3A_389 = arith.constant 48 : index
      %get3A_390 = tpu.vector_load %arg24[%get3A_388, %get3A_389] {strides = array<i32>} : memref<16x64xf32, #tpu.memory_space<vmem>>, vector<16xf32>,
      %add3A_391 = arith.addf %add3A_386, %get3A_390 : vector<16xf32>
      %get3A_392 = arith.constant 5 : i32
      %get3A_393 = arith.index_cast %get3A_392 : i32 to index
      %get3A_394 = arith.constant 48 : index
      %get3A_395 = tpu.vector_load %arg24[%get3A_393, %get3A_394] {strides = array<i32>} : memref<16x64xf32, #tpu.memory_space<vmem>>, vector<16xf32>,
      %add3A_396 = arith.addf %add3A_391, %get3A_395 : vector<16xf32>
      %get3A_397 = arith.constant 6 : i32
      %get3A_398 = arith.index_cast %get3A_397 : i32 to index
      %get3A_399 = arith.constant 48 : index
      %get3A_400 = tpu.vector_load %arg24[%get3A_398, %get3A_399] {strides = array<i32>} : memref<16x64xf32, #tpu.memory_space<vmem>>, vector<16xf32>,
      %add3A_401 = arith.addf %add3A_396, %get3A_400 : vector<16xf32>
      %get3A_402 = arith.constant 7 : i32
      %get3A_403 = arith.index_cast %get3A_402 : i32 to index
      %get3A_404 = arith.constant 48 : index
      %get3A_405 = tpu.vector_load %arg24[%get3A_403, %get3A_404] {strides = array<i32>} : memref<16x64xf32, #tpu.memory_space<vmem>>, vector<16xf32>,
      %add3A_406 = arith.addf %add3A_401, %get3A_405 : vector<16xf32>
      %get3A_407 = arith.constant 8 : i32
      %get3A_408 = arith.index_cast %get3A_407 : i32 to index
      %get3A_409 = arith.constant 48 : index
      %get3A_410 = tpu.vector_load %arg24[%get3A_408, %get3A_409] {strides = array<i32>} : memref<16x64xf32, #tpu.memory_space<vmem>>, vector<16xf32>,
      %add3A_411 = arith.addf %add3A_406, %get3A_410 : vector<16xf32>
      %get3A_412 = arith.constant 9 : i32
      %get3A_413 = arith.index_cast %get3A_412 : i32 to index
      %get3A_414 = arith.constant 48 : index
      %get3A_415 = tpu.vector_load %arg24[%get3A_413, %get3A_414] {strides = array<i32>} : memref<16x64xf32, #tpu.memory_space<vmem>>, vector<16xf32>,
      %add3A_416 = arith.addf %add3A_411, %get3A_415 : vector<16xf32>
      %get3A_417 = arith.constant 10 : i32
      %get3A_418 = arith.index_cast %get3A_417 : i32 to index
      %get3A_419 = arith.constant 48 : index
      %get3A_420 = tpu.vector_load %arg24[%get3A_418, %get3A_419] {strides = array<i32>} : memref<16x64xf32, #tpu.memory_space<vmem>>, vector<16xf32>,
      %add3A_421 = arith.addf %add3A_416, %get3A_420 : vector<16xf32>
      %get3A_422 = arith.constant 11 : i32
      %get3A_423 = arith.index_cast %get3A_422 : i32 to index
      %get3A_424 = arith.constant 48 : index
      %get3A_425 = tpu.vector_load %arg24[%get3A_423, %get3A_424] {strides = array<i32>} : memref<16x64xf32, #tpu.memory_space<vmem>>, vector<16xf32>,
      %add3A_426 = arith.addf %add3A_421, %get3A_425 : vector<16xf32>
      %get3A_427 = arith.constant 12 : i32
      %get3A_428 = arith.index_cast %get3A_427 : i32 to index
      %get3A_429 = arith.constant 48 : index
      %get3A_430 = tpu.vector_load %arg24[%get3A_428, %get3A_429] {strides = array<i32>} : memref<16x64xf32, #tpu.memory_space<vmem>>, vector<16xf32>,
      %add3A_431 = arith.addf %add3A_426, %get3A_430 : vector<16xf32>
      %get3A_432 = arith.constant 13 : i32
      %get3A_433 = arith.index_cast %get3A_432 : i32 to index
      %get3A_434 = arith.constant 48 : index
      %get3A_435 = tpu.vector_load %arg24[%get3A_433, %get3A_434] {strides = array<i32>} : memref<16x64xf32, #tpu.memory_space<vmem>>, vector<16xf32>,
      %add3A_436 = arith.addf %add3A_431, %get3A_435 : vector<16xf32>
      %get3A_437 = arith.constant 14 : i32
      %get3A_438 = arith.index_cast %get3A_437 : i32 to index
      %get3A_439 = arith.constant 48 : index
      %get3A_440 = tpu.vector_load %arg24[%get3A_438, %get3A_439] {strides = array<i32>} : memref<16x64xf32, #tpu.memory_space<vmem>>, vector<16xf32>,
      %add3A_441 = arith.addf %add3A_436, %get3A_440 : vector<16xf32>
      %get3A_442 = arith.constant 15 : i32
      %get3A_443 = arith.index_cast %get3A_442 : i32 to index
      %get3A_444 = arith.constant 48 : index
      %get3A_445 = tpu.vector_load %arg24[%get3A_443, %get3A_444] {strides = array<i32>} : memref<16x64xf32, #tpu.memory_space<vmem>>, vector<16xf32>,
      %add3A_446 = arith.addf %add3A_441, %get3A_445 : vector<16xf32>
      %swap3A_447 = arith.constant 48 : index
      %swap3A_448 = tpu.vector_load %arg23[%swap3A_447] {strides = array<i32>} : memref<64xf32, #tpu.memory_space<vmem>>, vector<16xf32>,
      tpu.vector_store %arg23[%swap3A_447], %add3A_446 {strides = array<i32>} : memref<64xf32, #tpu.memory_space<vmem>>, vector<16xf32>,
      "tpu.region"() ({
        %run_scoped3A_449 = tpu.sem_alloc : memref<!tpu.dma_semaphore, #tpu.memory_space<semaphore_mem>>
        tpu.enqueue_dma source(%arg23 : memref<64xf32, #tpu.memory_space<vmem>>) target(%arg8 : memref<64xf32, #tpu.memory_space<hbm>>) target_semaphore(%run_scoped3A_449 : memref<!tpu.dma_semaphore, #tpu.memory_space<semaphore_mem>>)
        tpu.wait_dma2 semaphore(%run_scoped3A_449 : memref<!tpu.dma_semaphore, #tpu.memory_space<semaphore_mem>>) src(%arg23 : memref<64xf32, #tpu.memory_space<vmem>>) dst(%arg8 : memref<64xf32, #tpu.memory_space<hbm>>)
        tpu.yield
      }) : () -> ()
    } else {
    }
    "tpu.trace_stop"() : () -> ()
    return
  }
}

</mosaic_0001>

<sc_bundles>
// kernel: kernel.3.cloned.1.call-start
scs
__scs_entry_jumppad:
0x0: {  	(pc) =	sbr.rel $0x88, $3  }
0x1: {  	(tag) =	ssettag $0x0;
	lr =	simm.s32 $0x1  }
0x2: {  	[smem:$0x3F9B] =	sst lr;
	_ =	strace $0xD0000000  }
0x3: {  	_ = 	snop  }
0x4: {  	_ = 	snop  }
0x5: {  	_ = 	snop  }
0x6: {  	_ = 	snop  }
0x7: {  	_ = 	snop  }
__scs_overlays_trampoline_lowered:
0x8: {  	[smem:$0x3FAA] =	sst s0  }
0x9: {  	[smem:$0x3FAB] =	sst s1  }
0xa: {  	[smem:$0x3FAC] =	sst s2  }
0xb: {  	[smem:$0x3FAD] =	sst s3  }
0xc: {  	[smem:$0x3FAE] =	sst s4  }
0xd: {  	[smem:$0x3FAF] =	sst s5  }
0xe: {  	[smem:$0x3FB0] =	sst s6  }
0xf: {  	[smem:$0x3FB1] =	sst s7  }
0x10: {  	[smem:$0x3FB2] =	sst s8  }
0x11: {  	[smem:$0x3FB3] =	sst s9;
	s0 =	simm.s32 @!p0 $0x0  }
0x12: {  	s1 =	sld [smem:$0x3F99];
	s0 =	simm.s32 @p0 $0x1  }
0x13: {  	[smem:$0x3FB4] =	sst s0;
	s0 =	simm.s32 @!p1 $0x0  }
0x14: {  	s2 =	sld [smem:$0x3F98];
	s0 =	simm.s32 @p1 $0x1  }
0x15: {  	[smem:$0x3FB5] =	sst s0;
	s0 =	simm.s32 @!p2 $0x0  }
0x16: {  	s3 =	sld [smem:$0x3FDB];
	s0 =	simm.s32 @p2 $0x1  }
0x17: {  	s4 =	simm.s32 $0x1BF5;
	[smem:$0x3FB7] =	sst s0  }
0x18: {  	s0 =	sld [smem:$0x3F9A];
	_ =	swait.ge [sflag:s4], $0x0  }
0x19: {  	s7 =	sld [smem:$0x3F9B]  }
0x1a: {  	s8 =	sadd.s32 $0xFFFFE003, lr  }
0x1b: {  	s9 =	sadd.s32 $0xFFFFFEF7, lr;
	s5 =	simm.s32 $0xFFFFFFFF;
	p2 =	slt.u32 s8, $0xFFFFF086  }
0x1c: {  	p1 =	slt.u32 s9, $0xF7A;
	s5 =	simm.s32 @!p2 $0x0  }
0x1d: {  	s5 =	simm.s32 @p1 $0x1;
	p0 =	seq.s32 s7, s2  }
0x1e: {  	s7 =	smul.u32 @!p0 $0xF7A, s2;
	p2 =	seq.s32 @!p0 s5, $0x0  }
0x1f: {  	s9 =	smul.u32 $0xF7A, s1;
	s8 =	simm.s32 @!p0 $0x1BF5;
	p2 =	por !p2, p0  }
0x20: {  	[sflag:s8] =	ssyncset.s32 @!p0 $0xFFFFF086;
	s6 =	sadd.s32 @!p0 s3, s7;
	s7 =	simm.s32 @!p0 $0x108  }
0x21: {  	s3 =	sadd.s32 s3, s9;
	s6 =	sadd.s32 @!p0 $0x88, s6;
	s7 =	simm.s32 @p2 $0x1082  }
0x22: {  	[simem:s7], [sflag:s8] =	dma.local @!p0 [hbm:s6], $0xF7A  }
0x23: {  	s9 =	sor.u32 $0xD0000000, s2;
	s6 =	simm.s32 $0x108;
	_ =	swait.ge @!p0 [sflag:s8], $0x0  }
0x24: {  	s3 =	sadd.s32 $0x88, s3;
	s6 =	simm.s32 @!p1 $0x1082;
	[sflag:s4] =	ssyncset.s32 $0xFFFFF086  }
0x25: {  	[simem:s6], [sflag:s4] =	dma.local [hbm:s3], $0xF7A  }
0x26: {  	[smem:$0x3F9B] =	sst s1;
	(tag) =	ssettag s2;
	_ =	strace s9  }
0x27: {  	s1 =	sld [smem:$0x3FAB]  }
0x28: {  	s2 =	sld [smem:$0x3FAC]  }
0x29: {  	s4 =	sld [smem:$0x3FAE]  }
0x2a: {  	p0 =	seq.s32 s5, $0x0;
	s5 =	sld [smem:$0x3FAF]  }
0x2b: {  	s6 =	sld [smem:$0x3FB0]  }
0x2c: {  	s7 =	sld [smem:$0x3FB1]  }
0x2d: {  	s3 =	simm.s32 $0x108;
	s8 =	sld [smem:$0x3FB2]  }
0x2e: {  	s3 =	simm.s32 @!p0 $0x1082;
	s9 =	sld [smem:$0x3FB3]  }
0x2f: {  	lr =	sadd.s32 s0, s3;
	s0 =	sld [smem:$0x3FAA]  }
0x30: {  	s3 =	sld [smem:$0x3FAD]  }
0x31: {  	[smem:$0x3FB6] =	sst s10  }
0x32: {  	s10 =	sld [smem:$0x3FB4];
	_ =	sdelay $0x3  }
0x33: {  	p0 =	seq.s32 s10, $0x1;
	s10 =	sld [smem:$0x3FB6];
	_ =	sdelay $0x3  }
0x34: {  	[smem:$0x3FB6] =	sst s10  }
0x35: {  	s10 =	sld [smem:$0x3FB5];
	_ =	sdelay $0x3  }
0x36: {  	p1 =	seq.s32 s10, $0x1;
	s10 =	sld [smem:$0x3FB6];
	_ =	sdelay $0x3  }
0x37: {  	[smem:$0x3FB6] =	sst s10  }
0x38: {  	s10 =	sld [smem:$0x3FB7]  }
0x39: {  	_ = 	snop;
	(pc) =	sbr.ind lr, $3  }
0x3a: {  	_ = 	snop  }
0x3b: {  	_ = 	snop  }
0x3c: {  	p2 =	seq.s32 s10, $0x1;
	s10 =	sld [smem:$0x3FB6]  }
0x3d: {  	_ =	shalt  }
0x3e: {  	_ =	shalt  }
0x3f: {  	_ =	shalt  }
0x40: {  	_ =	shalt  }
0x41: {  	_ =	shalt  }
0x42: {  	_ =	shalt  }
0x43: {  	_ =	shalt  }
0x44: {  	_ =	shalt  }
0x45: {  	_ =	shalt  }
0x46: {  	_ =	shalt  }
0x47: {  	_ =	shalt  }
0x48: {  	_ =	shalt  }
0x49: {  	_ =	shalt  }
0x4a: {  	_ =	shalt  }
0x4b: {  	_ =	shalt  }
0x4c: {  	_ =	shalt  }
0x4d: {  	_ =	shalt  }
0x4e: {  	_ =	shalt  }
0x4f: {  	_ =	shalt  }
0x50: {  	_ =	shalt  }
0x51: {  	_ =	shalt  }
0x52: {  	_ =	shalt  }
0x53: {  	_ =	shalt  }
0x54: {  	_ =	shalt  }
0x55: {  	_ =	shalt  }
0x56: {  	_ =	shalt  }
0x57: {  	_ =	shalt  }
0x58: {  	_ =	shalt  }
0x59: {  	_ =	shalt  }
0x5a: {  	_ =	shalt  }
0x5b: {  	_ =	shalt  }
0x5c: {  	_ =	shalt  }
0x5d: {  	_ =	shalt  }
0x5e: {  	_ =	shalt  }
0x5f: {  	_ =	shalt  }
0x60: {  	_ =	shalt  }
0x61: {  	_ =	shalt  }
0x62: {  	_ =	shalt  }
0x63: {  	_ =	shalt  }
0x64: {  	_ =	shalt  }
0x65: {  	_ =	shalt  }
0x66: {  	_ =	shalt  }
0x67: {  	_ =	shalt  }
0x68: {  	_ =	shalt  }
0x69: {  	_ =	shalt  }
0x6a: {  	_ =	shalt  }
0x6b: {  	_ =	shalt  }
0x6c: {  	_ =	shalt  }
0x6d: {  	_ =	shalt  }
0x6e: {  	_ =	shalt  }
0x6f: {  	_ =	shalt  }
0x70: {  	_ =	shalt  }
0x71: {  	_ =	shalt  }
0x72: {  	_ =	shalt  }
0x73: {  	_ =	shalt  }
0x74: {  	_ =	shalt  }
0x75: {  	_ =	shalt  }
0x76: {  	_ =	shalt  }
0x77: {  	_ =	shalt  }
0x78: {  	_ =	shalt  }
0x79: {  	_ =	shalt  }
0x7a: {  	_ =	shalt  }
0x7b: {  	_ =	shalt  }
0x7c: {  	_ =	shalt  }
0x7d: {  	_ =	shalt  }
0x7e: {  	_ =	shalt  }
0x7f: {  	_ =	shalt  }
0x80: {  	_ =	shalt  }
0x81: {  	_ =	shalt  }
0x82: {  	_ =	shalt  }
0x83: {  	_ =	shalt  }
0x84: {  	_ =	shalt  }
0x85: {  	_ =	shalt  }
0x86: {  	_ =	shalt  }
0x87: {  	_ =	shalt  }
.Lfunc_end0:
.L_simem_size_0:
called_computation_lowered:
.L_overlay_start_0:
0x88: {  	s0 =	sld [smem:$0x3FD9]  }
0x89: {  	s1 =	sld [smem:$0x3FFE];
	_ =	sdelay $0x3  }
0x8a: {  	s0 =	sadd.s32 s1, s0  }
0x8b: {  	[smem:$0x3FC2] =	sst s0  }
0x8c: {  	_ = 	snop  }
0x8d: {  	s0 =	sld [smem:$0x3FC8]  }
0x8e: {  	s16 =	sld [smem:$0x3FC7]  }
0x8f: {  	s2 =	sld [smem:$0x3FC6]  }
0x90: {  	s3 =	sld [smem:$0x3FC4]  }
0x91: {  	s4 =	sld [smem:$0x3FD0];
	(tm) =	ssettm $0x1  }
0x92: {  	s5 =	sld [smem:$0x3FFB];
	_ =	sdelay $0x3  }
0x93: {  	_ =	strace s5  }
0x94: {  	s5 =	sld [smem:$0x3FFC];
	_ =	sdelay $0x3  }
0x95: {  	_ =	strace s5  }
0x96: {  	s5 =	sld [smem:$0x3FFD];
	_ =	sdelay $0x3  }
0x97: {  	_ =	strace s5  }
0x98: {  	_ =	strace $0x8FFFFFFF  }
0x99: {  	s17 =	sld [smem:$0x3FDB];
	_ =	sdelay $0x1  }
0x9a: {  	s6 =	simm.s32 $_scs_section_size  }
0x9b: {  	s7 =	simm.s32 $_size__tile_overlayer_lowered;
	s8 =	simm.s32 $_tile_overlayer_lowered  }
0x9c: {  	s20 =	simm.s32 $0x1BFF;
	s19 =	sshll.u32 s8, $0x1;
	s5 =	sadd.s32 s6, s17  }
0x9d: {  	s9 =	simm.s32 $0x0;
	s18 =	sshll.u32 s7, $0x1;
	s7 =	sadd.s32 s19, s5  }
0x9e: {  	[timem:s9], [sflag:s20] =	dma.local [hbm:s7], s18  }
0x9f: {  	_ =	swait.ge [sflag:s20], s18  }
0xa0: {  	s6 =	ssub.s32 $0x0, s18;
	[sflag:s20] =	ssyncset.done $0x0  }
0xa1: {  	[sflag:s20] =	ssyncadd.s32 s6;
	_ =	sdelay $0x1  }
0xa2: {  	s21 =	simm.s32 $0x1B8B  }
0xa3: {  	_ =	swait.ge [sflag:s21], $0x1  }
0xa4: {  	[sflag:s21] =	ssyncset.done $0x0  }
0xa5: {  	s23 =	simm.s32 $0x1B8E;
	s22 =	sld [smem:$0x3FFE];
	[sflag:s21] =	ssyncadd.s32 $0xFFFFFFFF  }
0xa6: {  	s24 =	simm.s32 $execute0_lowered;
	[smem:$0x3FD2] =	sst s23  }
0xa7: {  	s7 =	sshll.u32 s24, $0x1;
	_ =	strace $0x80000046;
	[dreg:$0x1] =	wrdreg $0xFFFFFFFF  }
0xa8: {  	s25 =	simm.s32 $_size_execute0_lowered;
	s5 =	sadd.s32 s5, s7;
	[dreg:$0x0] =	wrdreg $0x0  }
0xa9: {  	s7 =	sshll.u32 s25, $0x1;
	[dreg:$0x2] =	wrdreg s5  }
0xaa: {  	[dreg:$0x3] =	wrdreg s7  }
0xab: {  	[dreg:$0x4] =	wrdreg $0xC0  }
0xac: {  	_ =	task [dreg:s9], $0x5FFFF  }
0xad: {  	[dreg:$0x1] =	wrdreg $0xFFFFFFFF  }
0xae: {  	[dreg:$0x0] =	wrdreg $0x60  }
0xaf: {  	[dreg:$0x2] =	wrdreg s22  }
0xb0: {  	[dreg:$0x3] =	wrdreg s0  }
0xb1: {  	[dreg:$0x4] =	wrdreg s16  }
0xb2: {  	[dreg:$0x5] =	wrdreg s2  }
0xb3: {  	[dreg:$0x6] =	wrdreg s3  }
0xb4: {  	[dreg:$0x7] =	wrdreg s4  }
0xb5: {  	[dreg:$0x8] =	wrdreg $0x1A3800  }
0xb6: {  	[dreg:$0x9] =	wrdreg $0x1CB800  }
0xb7: {  	[dreg:$0xa] =	wrdreg $0x1CE000  }
0xb8: {  	[dreg:$0xb] =	wrdreg $0x9  }
0xb9: {  	_ =	task.clear_ibuf [dreg:s9], $0xCFFFF;
	_ =	strace $0x90000046  }
0xba: {  	s26 =	simm.s32 $0x9;
	_ =	strace $0x80000050  }
0xbb: {  	_ =	swait.ge [sflag:s26], $0x1  }
0xbc: {  	[sflag:s26] =	ssyncadd.s32 $0xFFFFFFFF  }
0xbd: {  	_ =	strace $0x90000050  }
0xbe: {  	_ =	sfence  }
0xbf: {  	s28 =	sld [smem:$0x0];
	_ =	sdelay $0x1  }
0xc0: {  	s29 =	srdreg.scid  }
0xc1: {  	s30 =	sshll.u32 s29, $0xD;
	s31 =	sshrl.u32 s29, $0x2  }
0xc2: {  	s1 =	sand.u32 $0x1, s29;
	s2 =	sand.u32 $0x4000, s30;
	s0 =	sadd.s32 s31, s28  }
0xc3: {  	s1 =	sor.u32 s2, s1;
	s0 =	sshll.u32 s0, $0x11  }
0xc4: {  	s0 =	sor.u32 s0, s1  }
0xc5: {  	s0 =	sadd.s32 $0x8F2B, s0  }
0xc6: {  	[sflag:s0] =	ssyncadd.remote.s32 $0x1  }
0xc7: {  	_ =	sfence.sel $0xFFFF  }
0xc8: {  	[dreg:$0x0] =	wrdreg $0xFFFFFFFF;
	(pc) =	sbr.abs _section_cstart, $3  }
0xc9: {  	[dreg:$0x1] =	wrdreg $0xFFFFFFFF  }
0xca: {  	_ =	task.clear_ibuf [dreg:s9], $0x2FFFF;
	_ =	strace $0x9FFFFFFF  }
0xcb: {  	(tm) =	ssettm $0x7FFFFFFF  }
tec
execute0_lowered:
.L_overlay_start_1:
0x0: {  	(tag) =	ssettag $0x1  }
0x1: {  	s3 =	rddreg [dreg:$0x0]  }
0x2: {  	s5 =	rddreg [dreg:$0x1]  }
0x3: {  	s6 =	rddreg [dreg:$0x2]  }
0x4: {  	s0 =	rddreg [dreg:$0x3]  }
0x5: {  	s1 =	rddreg [dreg:$0x4]  }
0x6: {  	s4 =	rddreg [dreg:$0x6]  }
0x7: {  	s22 =	rddreg [dreg:$0x7];
	s26 =	simm.s32 $0x0;
	s25 =	stileid.u32  }
0x8: {  	[smem:$0x7FF] =	sst s26;
	s7 =	smul.u32 $0x1380, s25  }
0x9: {  	s2 =	rddreg [dreg:$0x8];
	s8 =	simm.s32 $0xC900;
	_ =	strace $0x80000047  }
0xa: {  	p1 =	seq.s32 s25, $0xF;
	s7 =	sadd.s32 s5, s7;
	_ =	strace $0x80000048  }
0xb: {  	[tilespmem:s8], [sflag:$0x1] =	stream.linear.gather [hbm4b:s7+s26], $0x9C00, $0x200038;
	[tilespmem:$0x1CE80] =	vst v63  }
0xc: {  	s9 =	simm.s32 @p1 $0x16900;
	s7 =	sadd.s32 $0xCB0, s3;
	s8 =	simm.s32 @p1 $0x0  }
0xd: {  	[tilespmem:s9], [sflag:$0x3] =	stream.linear.gather @p1 [hbm4b:s7+s8], $0x190, $0x200038;
	[tilespmem:$0x1CE80] =	vst v63  }
0xe: {  	s7 =	sadd.s32 $0x4B0, s6;
	s9 =	simm.s32 @p1 $0x16B80  }
0xf: {  	v0 =	vimm.s32 @p1 $0x0;
	[tilespmem:s9], [sflag:$0x4] =	stream.linear.gather @p1 [hbm4b:s7+s8], $0x190, $0x200038;
	[tilespmem:$0x1CE80] =	vst v63  }
0x10: {  	[tilespmem:$0x16A90] =	vst @p1 v0  }
0x11: {  	[tilespmem:$0x16D10] =	vst @p1 v0  }
0x12: {  	[tilespmem:$0x16AA0] =	vst @p1 v0  }
0x13: {  	[tilespmem:$0x16D20] =	vst @p1 v0  }
0x14: {  	[tilespmem:$0x16AB0] =	vst @p1 v0  }
0x15: {  	[tilespmem:$0x16D30] =	vst @p1 v0  }
0x16: {  	[tilespmem:$0x16AC0] =	vst @p1 v0  }
0x17: {  	[tilespmem:$0x16D40] =	vst @p1 v0  }
0x18: {  	[tilespmem:$0x16AD0] =	vst @p1 v0  }
0x19: {  	[tilespmem:$0x16D50] =	vst @p1 v0  }
0x1a: {  	[tilespmem:$0x16AE0] =	vst @p1 v0  }
0x1b: {  	[tilespmem:$0x16D60] =	vst @p1 v0  }
0x1c: {  	[tilespmem:$0x16AF0] =	vst @p1 v0  }
0x1d: {  	[tilespmem:$0x16D70] =	vst @p1 v0  }
0x1e: {  	[tilespmem:$0x16B00] =	vst @p1 v0  }
0x1f: {  	[tilespmem:$0x16D80] =	vst @p1 v0  }
0x20: {  	[tilespmem:$0x16B10] =	vst @p1 v0  }
0x21: {  	[tilespmem:$0x16D90] =	vst @p1 v0  }
0x22: {  	[tilespmem:$0x16B20] =	vst @p1 v0  }
0x23: {  	[tilespmem:$0x16DA0] =	vst @p1 v0  }
0x24: {  	[tilespmem:$0x16B30] =	vst @p1 v0  }
0x25: {  	[tilespmem:$0x16DB0] =	vst @p1 v0  }
0x26: {  	[tilespmem:$0x16B40] =	vst @p1 v0  }
0x27: {  	s18 =	simm.s32 $0x5000;
	s29 =	sshrl.u32 s25, $0x3;
	s10 =	sshll.u32 s25, $0x7;
	[tilespmem:$0x16DC0] =	vst @p1 v0  }
0x28: {  	s31 =	smul.u32 $0x5000, s25;
	s13 =	sadd.s32 $0x180, s2;
	s14 =	sadd.s32 $0x200, s2;
	[tilespmem:$0x16B50] =	vst @p1 v0  }
0x29: {  	s15 =	sadd.s32 $0x280, s2;
	s16 =	sadd.s32 $0x300, s2;
	s17 =	sadd.s32 $0x380, s2;
	[tilespmem:$0x16DD0] =	vst @p1 v0  }
0x2a: {  	p0 =	sne.s32 @!p1 s25, $0x0;
	s30 =	smul.u32 $0x50000, s29;
	s19 =	sadd.s32 s10, s2;
	[tilespmem:$0x16B60] =	vst @p1 v0  }
0x2b: {  	s29 =	simm.s32 $0xF;
	p2 =	por @!p1 $0x0, $0x0;
	p0 =	por p0, p1;
	[tilespmem:$0x16DE0] =	vst @p1 v0  }
0x2c: {  	v2 =	vmov s29;
	s29 =	simm.s32 $0x0;
	s5 =	sadd.s32 @!p0 $0x13800, s5;
	s11 =	simm.s32 @!p0 $0x0;
	[tilespmem:$0x16B70] =	vst @p1 v0  }
0x2d: {  	s12 =	simm.s32 @!p0 $0x16500;
	s9 =	smul.u32 $0x280, s25;
	s7 =	simm.s32 @!p1 $0x0;
	[tilespmem:$0x16DF0] =	vst @p1 v0  }
0x2e: {  	[tilespmem:s12], [sflag:$0x2] =	stream.linear.gather @!p0 [hbm4b:s5+s11], $0x400, $0x200038;
	[tilespmem:$0x1CE80] =	vst v63  }
0x2f: {  	s24 =	sshrl.u32 s9, $0x3;
	s11 =	simm.s32 @!p1 $0x16900;
	s5 =	sshrl.u32 s30, $0x2  }
0x30: {  	s23 =	sadd.s32 s9, s22;
	s12 =	sadd.s32 $0x100, s2;
	s30 =	simm.s32 $0xD  }
0x31: {  	p0 =	por @p1 $0x1, $0x1;
	s28 =	sadd.s32 s24, s3;
	s6 =	sadd.s32 s6, s24  }
0x32: {  	s5 =	sadd.s32 s5, s4;
	s24 =	sadd.s32 $0x5100, s9;
	v4 =	vmov s30;
	s30 =	sadd.s32 $0x600, s2  }
0x33: {  	p0 =	por @!p1 p2, p2;
	s8 =	sadd.s32 $0x800, s28;
	s28 =	sadd.s32 $0x400, s2  }
0x34: {  	[tilespmem:s11], [sflag:$0x3] =	stream.linear.gather @!p1 [hbm4b:s8+s7], $0x280, $0x200038;
	[tilespmem:$0x1CE80] =	vst v63  }
0x35: {  	s11 =	simm.s32 @!p1 $0x16B80;
	s8 =	sshrl.u32 s31, $0x2;
	s31 =	simm.s32 $0xE  }
0x36: {  	[tilespmem:s11], [sflag:$0x4] =	stream.linear.gather @!p1 [hbm4b:s6+s7], $0x280, $0x200038;
	[tilespmem:$0x1CE80] =	vst v63  }
0x37: {  	s20 =	sadd.s32 s8, s4;
	s4 =	simm.s32 $0x5;
	s11 =	sadd.s32 $0x80, s2  }
0x38: {  	[tilespmem:s26], [sflag:$0x5] =	stream.linear.gather [hbm4b:s0+s26], $0xE00, $0x200038;
	[tilespmem:$0x1CE80] =	vst v63  }
0x39: {  	s8 =	simm.s32 $0x9;
	_ =	swait.ge [sflag:s4], $0xE00;
	[dreg:$0x13] =	wrdreg s11  }
0x3a: {  	v14 =	vmov s31;
	s31 =	simm.s32 $0x1;
	s7 =	sand.u32 $0x380, s10;
	[dreg:$0x10] =	wrdreg s12  }
0x3b: {  	s6 =	simm.s32 $0xB;
	[dreg:$0xf] =	wrdreg s13;
	[sflag:s4] =	ssyncset.done $0x0  }
0x3c: {  	s0 =	simm.s32 $0x1000;
	[dreg:$0xe] =	wrdreg s14;
	[sflag:s4] =	ssyncadd.s32 $0xFFFFF200  }
0x3d: {  	[tilespmem:s0], [sflag:$0x5] =	stream.linear.gather [hbm4b:s3+s26], $0x4000, $0x200038;
	[tilespmem:$0x1CE80] =	vst v63  }
0x3e: {  	s10 =	simm.s32 $0x6;
	_ =	swait.ge [sflag:s4], $0x4000;
	[dreg:$0xd] =	wrdreg s15  }
0x3f: {  	v0 =	vlaneseq.u32;
	s21 =	sadd.s32 s7, s5;
	s5 =	simm.s32 $0xA;
	[dreg:$0xc] =	wrdreg s16  }
0x40: {  	v1 =	vmul.u32 $0x80, v0;
	s7 =	simm.s32 $0xC;
	s11 =	simm.s32 $0x7;
	[dreg:$0xb] =	wrdreg s17  }
0x41: {  	v3 =	vimm.f32 $0.0e+00;
	v2 =	vand.u32 $0x7F, v2;
	s12 =	simm.s32 $0x8;
	s14 =	sadd.s32 $0x480, s2;
	[dreg:$0xa] =	wrdreg s28  }
0x42: {  	v19 =	vmov s29;
	v2 =	vbroadcast v2, $0x0;
	v0 =	vor.u32 $0x800, v1;
	[dreg:$0x11] =	wrdreg s14;
	s17 =	sadd.s32 $0x500, s2;
	[sflag:s4] =	ssyncset.done $0x0  }
0x43: {  	v9 =	vor.u32 s29, v1;
	v18 =	vand.u32 $0x7D, v4;
	v4 =	vimm.f32 $0.0e+00;
	s13 =	simm.s32 $0x3;
	[dreg:$0x12] =	wrdreg s17;
	[sflag:s4] =	ssyncadd.s32 $0xFFFFC000  }
0x44: {  	v7 =	vor.u32 s29, v0;
	v22 =	vmov s8;
	v17 =	vmov s31;
	[tilespmem:s18], [sflag:$0x5] =	stream.linear.gather [hbm4b:s1+s26], $0x1, $0x200038;
	[tilespmem:$0x1CE80] =	vst v63  }
0x45: {  	v21 =	vand.u32 $0x7E, v14;
	v20 =	vmov s6;
	v6 =	vmov s10;
	s15 =	simm.s32 $0x4;
	s28 =	sadd.s32 $0x580, s2;
	_ =	swait.ge [sflag:s4], $0x1  }
0x46: {  	v14 =	vand.u32 $0x79, v22;
	v16 =	vmov s5;
	v15 =	vmov s7;
	s16 =	simm.s32 $0x5;
	[dreg:$0x14] =	wrdreg s28;
	[sflag:s4] =	ssyncset.done $0x0  }
0x47: {  	v20 =	vand.u32 $0x7B, v20;
	v15 =	vand.u32 $0x7C, v15;
	v13 =	vmov s16;
	s16 =	sadd.s32 $0x680, s2;
	[dreg:$0x15] =	wrdreg s30;
	[sflag:s4] =	ssyncadd.s32 $0xFFFFFFFF  }
0x48: {  	v16 =	vand.u32 $0x7A, v16;
	v8 =	vmov s11;
	v10 =	vmov s12;
	s17 =	sadd.s32 $0x780, s2;
	s18 =	simm.s32 $0x2;
	_ =	strace $0x90000048  }
0x49: {  	v5 =	vmov s13;
	v12 =	vmov s15;
	s1 =	simm.s32 $0x1F;
	v11 =	vmov s18;
	s18 =	sadd.s32 $0x700, s2;
	_ =	strace $0x80000049  }
.LBB2_1:
0x4a: {  	p1 =	sne.s32 s1, $0x7F;
	v22 =	vand.u32 $0x76, v6;
	v23 =	vand.u32 $0x77, v8;
	v10 =	vand.u32 $0x78, v10  }
0x4b: {  	v6 =	vshll.u32 v19, $0x7;
	v12 =	vand.u32 $0x74, v12;
	v13 =	vand.u32 $0x75, v13  }
0x4c: {  	v8 =	vand.u32 $0x71, v17;
	v19 =	vor.u32 v1, v6;
	v6 =	vbroadcast v21, $0x0  }
0x4d: {  	v17 =	vbroadcast v8, $0x0;
	v21 =	vand.u32 $0x73, v5;
	v8 =	vbroadcast v18, $0x0  }
0x4e: {  	v15 =	vbroadcast v15, $0x0;
	v5 =	vand.u32 $0x72, v11;
	v11 =	vbroadcast v20, $0x0  }
0x4f: {  	v16 =	vbroadcast v16, $0x0;
	v20 =	vbroadcast v5, $0x0;
	v18 =	vor.u32 v1, v17  }
0x50: {  	v14 =	vbroadcast v14, $0x0;
	v10 =	vbroadcast v10, $0x0;
	v17 =	vor.u32 v0, v17  }
0x51: {  	v23 =	vbroadcast v23, $0x0;
	v21 =	vbroadcast v21, $0x0;
	v5 =	vld.idx.msk [tilespmem:v19+s0+$0x0], $0xffff;
	v19 =	vor.u32 v1, v20  }
0x52: {  	v13 =	vbroadcast v13, $0x0;
	v22 =	vbroadcast v22, $0x0;
	v20 =	vor.u32 v0, v20;
	v24 =	vld.idx.msk [tilespmem:v9+s26+$0x0], $0xffff  }
0x53: {  	v12 =	vbroadcast v12, $0x0;
	v26 =	vor.u32 v1, v21;
	v25 =	vld.idx.msk [tilespmem:v7+s26+$0x0], $0xffff;
	v7 =	vor.u32 v1, v2  }
0x54: {  	v27 =	vor.u32 v1, v8;
	v21 =	vor.u32 v0, v21;
	v9 =	vor.u32 v1, v6;
	v18 =	vld.idx.msk [tilespmem:v18+s26+$0x0], $0xffff  }
0x55: {  	v30 =	vor.u32 v1, v15;
	v28 =	vor.u32 v1, v12;
	v29 =	vor.u32 v1, v11;
	v17 =	vld.idx.msk [tilespmem:v17+s26+$0x0], $0xffff  }
0x56: {  	v31 =	vor.u32 v1, v14;
	v32 =	vor.u32 v1, v16;
	v12 =	vor.u32 v0, v12;
	v19 =	vld.idx.msk [tilespmem:v19+s26+$0x0], $0xffff  }
0x57: {  	v34 =	vor.u32 v1, v13;
	v35 =	vor.u32 v1, v10;
	v33 =	vbroadcast v5, $0x0;
	v20 =	vld.idx.msk [tilespmem:v20+s26+$0x0], $0xffff  }
0x58: {  	v13 =	vor.u32 v0, v13;
	v37 =	vor.u32 v1, v23;
	v36 =	vbroadcast v5, $0x1;
	v26 =	vld.idx.msk [tilespmem:v26+s26+$0x0], $0xffff  }
0x59: {  	v24 =	vmul.f32 v33, v24;
	v25 =	vmul.f32 v25, v33;
	v33 =	vor.u32 v1, v22;
	v21 =	vld.idx.msk [tilespmem:v21+s26+$0x0], $0xffff  }
0x5a: {  	v38 =	vbroadcast v5, $0x2;
	v22 =	vor.u32 v0, v22;
	v18 =	vmul.f32 v18, v36;
	v28 =	vld.idx.msk [tilespmem:v28+s26+$0x0], $0xffff  }
0x5b: {  	v3 =	vadd.f32 v24, v3;
	v4 =	vadd.f32 v25, v4;
	v17 =	vmul.f32 v17, v36;
	v12 =	vld.idx.msk [tilespmem:v12+s26+$0x0], $0xffff  }
0x5c: {  	v23 =	vor.u32 v0, v23;
	v24 =	vbroadcast v5, $0x3;
	v19 =	vmul.f32 v19, v38;
	v25 =	vld.idx.msk [tilespmem:v34+s26+$0x0], $0xffff  }
0x5d: {  	v3 =	vadd.f32 v18, v3;
	v4 =	vadd.f32 v17, v4;
	v17 =	vmul.f32 v20, v38;
	v13 =	vld.idx.msk [tilespmem:v13+s26+$0x0], $0xffff  }
0x5e: {  	v10 =	vor.u32 v0, v10;
	v20 =	vbroadcast v5, $0x4;
	v18 =	vmul.f32 v26, v24;
	v26 =	vld.idx.msk [tilespmem:v33+s26+$0x0], $0xffff  }
0x5f: {  	v3 =	vadd.f32 v19, v3;
	v4 =	vadd.f32 v17, v4;
	v17 =	vmul.f32 v21, v24;
	v19 =	vld.idx.msk [tilespmem:v22+s26+$0x0], $0xffff  }
0x60: {  	v14 =	vor.u32 v0, v14;
	v21 =	vmul.f32 v28, v20;
	v22 =	vbroadcast v5, $0x5;
	v24 =	vld.idx.msk [tilespmem:v37+s26+$0x0], $0xffff  }
0x61: {  	v3 =	vadd.f32 v18, v3;
	v4 =	vadd.f32 v17, v4;
	v12 =	vmul.f32 v12, v20;
	v17 =	vld.idx.msk [tilespmem:v23+s26+$0x0], $0xffff  }
0x62: {  	v16 =	vor.u32 v0, v16;
	v20 =	vbroadcast v5, $0x6;
	v18 =	vmul.f32 v25, v22;
	v23 =	vld.idx.msk [tilespmem:v35+s26+$0x0], $0xffff  }
0x63: {  	v3 =	vadd.f32 v21, v3;
	v4 =	vadd.f32 v12, v4;
	v12 =	vmul.f32 v13, v22;
	v10 =	vld.idx.msk [tilespmem:v10+s26+$0x0], $0xffff  }
0x64: {  	v11 =	vor.u32 v0, v11;
	v21 =	vbroadcast v5, $0x7;
	v13 =	vmul.f32 v26, v20;
	v22 =	vld.idx.msk [tilespmem:v31+s26+$0x0], $0xffff  }
0x65: {  	v3 =	vadd.f32 v18, v3;
	v4 =	vadd.f32 v12, v4;
	v12 =	vmul.f32 v19, v20;
	v14 =	vld.idx.msk [tilespmem:v14+s26+$0x0], $0xffff  }
0x66: {  	v15 =	vor.u32 v0, v15;
	v19 =	vbroadcast v5, $0x8;
	v18 =	vmul.f32 v24, v21;
	v20 =	vld.idx.msk [tilespmem:v32+s26+$0x0], $0xffff  }
0x67: {  	v3 =	vadd.f32 v13, v3;
	v4 =	vadd.f32 v12, v4;
	v12 =	vmul.f32 v17, v21;
	v13 =	vld.idx.msk [tilespmem:v16+s26+$0x0], $0xffff  }
0x68: {  	v8 =	vor.u32 v0, v8;
	v17 =	vbroadcast v5, $0x9;
	v16 =	vmul.f32 v23, v19;
	v21 =	vld.idx.msk [tilespmem:v29+s26+$0x0], $0xffff  }
0x69: {  	v3 =	vadd.f32 v18, v3;
	v4 =	vadd.f32 v12, v4;
	v10 =	vmul.f32 v10, v19;
	v11 =	vld.idx.msk [tilespmem:v11+s26+$0x0], $0xffff  }
0x6a: {  	v6 =	vor.u32 v0, v6;
	v18 =	vbroadcast v5, $0xA;
	v12 =	vmul.f32 v22, v17;
	v19 =	vld.idx.msk [tilespmem:v30+s26+$0x0], $0xffff  }
0x6b: {  	v3 =	vadd.f32 v16, v3;
	v4 =	vadd.f32 v10, v4;
	v10 =	vmul.f32 v14, v17;
	v14 =	vld.idx.msk [tilespmem:v15+s26+$0x0], $0xffff  }
0x6c: {  	v2 =	vor.u32 v0, v2;
	v16 =	vbroadcast v5, $0xB;
	v15 =	vmul.f32 v20, v18;
	v17 =	vld.idx.msk [tilespmem:v27+s26+$0x0], $0xffff  }
0x6d: {  	v3 =	vadd.f32 v12, v3;
	v4 =	vadd.f32 v10, v4;
	v10 =	vmul.f32 v13, v18;
	v8 =	vld.idx.msk [tilespmem:v8+s26+$0x0], $0xffff  }
0x6e: {  	v13 =	vbroadcast v5, $0xC;
	v12 =	vmul.f32 v21, v16;
	v9 =	vld.idx.msk [tilespmem:v9+s26+$0x0], $0xffff  }
0x6f: {  	v3 =	vadd.f32 v15, v3;
	v4 =	vadd.f32 v10, v4;
	v10 =	vmul.f32 v11, v16;
	v6 =	vld.idx.msk [tilespmem:v6+s26+$0x0], $0xffff  }
0x70: {  	v15 =	vbroadcast v5, $0xD;
	v11 =	vmul.f32 v19, v13;
	v7 =	vld.idx.msk [tilespmem:v7+s26+$0x0], $0xffff  }
0x71: {  	v3 =	vadd.f32 v12, v3;
	v4 =	vadd.f32 v10, v4;
	v10 =	vmul.f32 v14, v13;
	v2 =	vld.idx.msk [tilespmem:v2+s26+$0x0], $0xffff  }
0x72: {  	v12 =	vmov s1;
	v14 =	vbroadcast v5, $0xE;
	v13 =	vmul.f32 v17, v15  }
0x73: {  	v3 =	vadd.f32 v11, v3;
	v4 =	vadd.f32 v10, v4;
	v8 =	vmul.f32 v8, v15  }
0x74: {  	v5 =	vbroadcast v5, $0xF;
	v15 =	vand.u32 $0x7F, v12;
	v9 =	vmul.f32 v9, v14  }
0x75: {  	s3 =	sadd.s32 $0xFFFFFFFE, s1;
	s4 =	sadd.s32 $0xFFFFFFFF, s1;
	v3 =	vadd.f32 v13, v3;
	v4 =	vadd.f32 v8, v4;
	v6 =	vmul.f32 v6, v14  }
0x76: {  	v16 =	vmov s4;
	v14 =	vmov s3;
	v7 =	vmul.f32 v7, v5  }
0x77: {  	s5 =	sadd.s32 $0xFFFFFFFD, s1;
	s4 =	sadd.s32 $0xFFFFFFFC, s1;
	s3 =	sadd.s32 $0xFFFFFFFB, s1;
	v3 =	vadd.f32 v9, v3;
	v4 =	vadd.f32 v6, v4;
	v2 =	vmul.f32 v2, v5  }
0x78: {  	s6 =	sadd.s32 $0xFFFFFFFA, s1;
	v18 =	vmov s5;
	v22 =	vmov s4;
	v20 =	vmov s3  }
0x79: {  	v23 =	vmov s6;
	s5 =	sadd.s32 $0xFFFFFFF9, s1;
	s4 =	sadd.s32 $0xFFFFFFF8, s1;
	s3 =	sadd.s32 $0xFFFFFFF7, s1;
	v3 =	vadd.f32 v7, v3;
	v4 =	vadd.f32 v2, v4  }
0x7a: {  	s7 =	sadd.s32 $0xFFFFFFF5, s1;
	s8 =	sadd.s32 $0xFFFFFFF6, s1;
	s6 =	sadd.s32 $0xFFFFFFF4, s1;
	v10 =	vmov s5;
	v8 =	vmov s4;
	v6 =	vmov s3  }
.Ltmp0:
0x7b: {  	v12 =	vmov s7;
	s4 =	sadd.s32 $0xFFFFFFF3, s1;
	v13 =	vmov s8;
	s3 =	sadd.s32 $0xFFFFFFF1, s1;
	v5 =	vmov s6;
	(pc) =	sbr.rel @p1 .LBB2_1-.Ltmp0, $4  }
0x7c: {  	s5 =	sadd.s32 $0xFFFFFFF2, s1;
	v11 =	vmov s4;
	v9 =	vor.u32 s3, v1;
	v7 =	vor.u32 s3, v0  }
0x7d: {  	v17 =	vmov s5;
	v19 =	vmov s3;
	v2 =	vbroadcast v15, $0x0  }
0x7e: {  	v21 =	vand.u32 $0x7E, v16;
	v15 =	vand.u32 $0x7C, v18;
	v18 =	vand.u32 $0x7D, v14  }
0x7f: {  	v16 =	vand.u32 $0x7A, v20;
	v20 =	vand.u32 $0x7B, v22;
	s1 =	sadd.s32 $0x10, s1;
	v14 =	vand.u32 $0x79, v23  }
0x80: {  	v6 =	vand.u32 $0x76, v6;
	v8 =	vand.u32 $0x77, v8;
	v10 =	vand.u32 $0x78, v10  }
0x81: {  	v19 =	vshll.u32 v19, $0x7;
	v12 =	vand.u32 $0x74, v12;
	v13 =	vand.u32 $0x75, v13  }
0x82: {  	v17 =	vand.u32 $0x71, v17;
	v21 =	vbroadcast v21, $0x0;
	v19 =	vor.u32 v1, v19  }
0x83: {  	v22 =	vand.u32 $0x73, v5;
	v18 =	vbroadcast v18, $0x0;
	v46 =	vbroadcast v20, $0x0  }
0x84: {  	v45 =	vand.u32 $0x72, v11;
	v15 =	vbroadcast v15, $0x0;
	v17 =	vbroadcast v17, $0x0  }
0x85: {  	v16 =	vbroadcast v16, $0x0;
	v14 =	vbroadcast v14, $0x0;
	v25 =	vor.u32 v1, v2  }
0x86: {  	v23 =	vbroadcast v45, $0x0;
	v10 =	vbroadcast v10, $0x0;
	v47 =	vor.u32 v1, v17  }
0x87: {  	v22 =	vbroadcast v22, $0x0;
	v8 =	vbroadcast v8, $0x0;
	v17 =	vor.u32 v0, v17;
	v5 =	vld.idx.msk [tilespmem:v19+s0+$0x0], $0xffff  }
0x88: {  	v13 =	vbroadcast v13, $0x0;
	v6 =	vbroadcast v6, $0x0;
	v48 =	vor.u32 v1, v23  }
0x89: {  	v9 =	vld.idx.msk [tilespmem:v9+s26+$0x0], $0xffff;
	v12 =	vbroadcast v12, $0x0;
	v26 =	vor.u32 v1, v18;
	v23 =	vor.u32 v0, v23  }
0x8a: {  	v7 =	vld.idx.msk [tilespmem:v7+s26+$0x0], $0xffff;
	v27 =	vor.u32 v1, v21;
	v29 =	vor.u32 v1, v46;
	v24 =	vor.u32 v1, v22  }
0x8b: {  	v30 =	vor.u32 v1, v15;
	v31 =	vor.u32 v1, v14;
	v22 =	vor.u32 v0, v22;
	v20 =	vld.idx.msk [tilespmem:v47+s26+$0x0], $0xffff  }
0x8c: {  	v33 =	vor.u32 v1, v16;
	v28 =	vor.u32 v1, v12;
	v17 =	vld.idx.msk [tilespmem:v17+s26+$0x0], $0xffff;
	v32 =	vbroadcast v5, $0x0  }
0x8d: {  	v12 =	vor.u32 v0, v12;
	v34 =	vor.u32 v1, v13;
	v35 =	vor.u32 v1, v10;
	v19 =	vld.idx.msk [tilespmem:v48+s26+$0x0], $0xffff  }
0x8e: {  	v13 =	vor.u32 v0, v13;
	v23 =	vld.idx.msk [tilespmem:v23+s26+$0x0], $0xffff;
	v36 =	vbroadcast v5, $0x1;
	v9 =	vmul.f32 v32, v9  }
0x8f: {  	v37 =	vor.u32 v1, v8;
	v1 =	vor.u32 v1, v6;
	v24 =	vld.idx.msk [tilespmem:v24+s26+$0x0], $0xffff;
	v7 =	vmul.f32 v7, v32  }
0x90: {  	v22 =	vld.idx.msk [tilespmem:v22+s26+$0x0], $0xffff;
	v49 =	vbroadcast v5, $0x2;
	v20 =	vmul.f32 v20, v36;
	v3 =	vadd.f32 v9, v3  }
0x91: {  	v6 =	vor.u32 v0, v6;
	v50 =	vld.idx.msk [tilespmem:v28+s26+$0x0], $0xffff;
	v51 =	vmul.f32 v17, v36;
	v4 =	vadd.f32 v7, v4  }
0x92: {  	v12 =	vld.idx.msk [tilespmem:v12+s26+$0x0], $0xffff;
	v53 =	vbroadcast v5, $0x3;
	v52 =	vmul.f32 v19, v49;
	v3 =	vadd.f32 v20, v3  }
0x93: {  	v8 =	vor.u32 v0, v8;
	v54 =	vld.idx.msk [tilespmem:v34+s26+$0x0], $0xffff;
	v55 =	vmul.f32 v23, v49;
	v4 =	vadd.f32 v51, v4  }
0x94: {  	v13 =	vld.idx.msk [tilespmem:v13+s26+$0x0], $0xffff;
	v57 =	vbroadcast v5, $0x4;
	v56 =	vmul.f32 v24, v53;
	v3 =	vadd.f32 v52, v3  }
0x95: {  	v10 =	vor.u32 v0, v10;
	v1 =	vld.idx.msk [tilespmem:v1+s26+$0x0], $0xffff;
	v58 =	vmul.f32 v22, v53;
	v4 =	vadd.f32 v55, v4  }
0x96: {  	v6 =	vld.idx.msk [tilespmem:v6+s26+$0x0], $0xffff;
	v59 =	vbroadcast v5, $0x5;
	v9 =	vmul.f32 v50, v57;
	v3 =	vadd.f32 v56, v3  }
0x97: {  	v14 =	vor.u32 v0, v14;
	v60 =	vld.idx.msk [tilespmem:v37+s26+$0x0], $0xffff;
	v61 =	vmul.f32 v12, v57;
	v4 =	vadd.f32 v58, v4  }
0x98: {  	v8 =	vld.idx.msk [tilespmem:v8+s26+$0x0], $0xffff;
	v63 =	vbroadcast v5, $0x6;
	v62 =	vmul.f32 v54, v59;
	v3 =	vadd.f32 v9, v3  }
0x99: {  	v16 =	vor.u32 v0, v16;
	v22 =	vld.idx.msk [tilespmem:v35+s26+$0x0], $0xffff;
	v23 =	vmul.f32 v13, v59;
	v4 =	vadd.f32 v61, v4  }
0x9a: {  	v10 =	vld.idx.msk [tilespmem:v10+s26+$0x0], $0xffff;
	v1 =	vmul.f32 v1, v63;
	v24 =	vbroadcast v5, $0x7;
	v3 =	vadd.f32 v62, v3  }
0x9b: {  	v11 =	vor.u32 v0, v46;
	v28 =	vld.idx.msk [tilespmem:v31+s26+$0x0], $0xffff;
	v6 =	vmul.f32 v6, v63;
	v4 =	vadd.f32 v23, v4  }
0x9c: {  	v31 =	vld.idx.msk [tilespmem:v14+s26+$0x0], $0xffff;
	v34 =	vbroadcast v5, $0x8;
	v32 =	vmul.f32 v60, v24;
	v1 =	vadd.f32 v1, v3  }
0x9d: {  	v15 =	vor.u32 v0, v15;
	v35 =	vmul.f32 v8, v24;
	v3 =	vld.idx.msk [tilespmem:v33+s26+$0x0], $0xffff;
	v4 =	vadd.f32 v6, v4  }
0x9e: {  	v37 =	vbroadcast v5, $0x9;
	v36 =	vld.idx.msk [tilespmem:v16+s26+$0x0], $0xffff;
	v9 =	vmul.f32 v22, v34;
	v1 =	vadd.f32 v32, v1  }
0x9f: {  	v39 =	vor.u32 v0, v18;
	v38 =	vld.idx.msk [tilespmem:v29+s26+$0x0], $0xffff;
	v40 =	vmul.f32 v10, v34;
	v4 =	vadd.f32 v35, v4  }
0xa0: {  	v41 =	vld.idx.msk [tilespmem:v11+s26+$0x0], $0xffff;
	v43 =	vbroadcast v5, $0xA;
	v42 =	vmul.f32 v28, v37;
	v1 =	vadd.f32 v9, v1  }
0xa1: {  	v45 =	vor.u32 v0, v21;
	v44 =	vld.idx.msk [tilespmem:v30+s26+$0x0], $0xffff;
	v46 =	vmul.f32 v31, v37;
	v4 =	vadd.f32 v40, v4  }
0xa2: {  	v47 =	vld.idx.msk [tilespmem:v15+s26+$0x0], $0xffff;
	v48 =	vbroadcast v5, $0xB;
	v3 =	vmul.f32 v3, v43;
	v1 =	vadd.f32 v42, v1  }
0xa3: {  	v0 =	vor.u32 v0, v2;
	v49 =	vld.idx.msk [tilespmem:v26+s26+$0x0], $0xffff;
	v50 =	vmul.f32 v36, v43;
	v2 =	vadd.f32 v46, v4  }
0xa4: {  	v53 =	vbroadcast v5, $0xC;
	v51 =	vld.idx.msk [tilespmem:v39+s26+$0x0], $0xffff;
	v52 =	vmul.f32 v38, v48;
	v1 =	vadd.f32 v3, v1  }
0xa5: {  	v54 =	vmul.f32 v41, v48;
	v3 =	vld.idx.msk [tilespmem:v27+s26+$0x0], $0xffff;
	v2 =	vadd.f32 v50, v2  }
0xa6: {  	v55 =	vld.idx.msk [tilespmem:v45+s26+$0x0], $0xffff;
	v56 =	vbroadcast v5, $0xD;
	v9 =	vmul.f32 v44, v53;
	v1 =	vadd.f32 v52, v1  }
0xa7: {  	v57 =	vld.idx.msk [tilespmem:v25+s26+$0x0], $0xffff;
	v58 =	vmul.f32 v47, v53;
	v2 =	vadd.f32 v54, v2  }
0xa8: {  	v0 =	vld.idx.msk [tilespmem:v0+s26+$0x0], $0xffff;
	v60 =	vbroadcast v5, $0xE;
	v59 =	vmul.f32 v49, v56;
	v1 =	vadd.f32 v9, v1  }
0xa9: {  	v61 =	vmul.f32 v51, v56;
	v2 =	vadd.f32 v58, v2  }
0xaa: {  	v5 =	vbroadcast v5, $0xF;
	v3 =	vmul.f32 v3, v60;
	v1 =	vadd.f32 v59, v1  }
0xab: {  	v62 =	vmul.f32 v55, v60;
	v2 =	vadd.f32 v61, v2  }
0xac: {  	v63 =	vmul.f32 v57, v5;
	v1 =	vadd.f32 v3, v1  }
0xad: {  	v0 =	vmul.f32 v0, v5;
	v2 =	vadd.f32 v62, v2  }
0xae: {  	v1 =	vadd.f32 v63, v1  }
0xaf: {  	v0 =	vadd.f32 v0, v2  }
0xb0: {  	[tilespmem:$0x5080] =	vst v1  }
0xb1: {  	[tilespmem:$0x5090] =	vst v0  }
0xb2: {  	s0 =	simm.s32 $0x7940;
	v0 =	vimm.f32 $0.0e+00;
	_ =	strace $0x90000049  }
0xb3: {  	_ =	strace $0x8000004A;
	[tilespmem:s0+$0x30] =	vst v0  }
0xb4: {  	[tilespmem:s0+$0xFFFFFFF0] =	vst v0  }
0xb5: {  	[tilespmem:s0+$0xFFFFFFC0] =	vst v0  }
0xb6: {  	[tilespmem:s0+$0xFFFFFFE0] =	vst v0  }
0xb7: {  	[tilespmem:s0+$0x10] =	vst v0  }
0xb8: {  	[tilespmem:s0+$0x20] =	vst v0  }
0xb9: {  	[tilespmem:s0+$0x0] =	vst v0  }
0xba: {  	s1 =	simm.s32 $0xA140;
	[tilespmem:s0+$0xFFFFFFD0] =	vst v0  }
0xbb: {  	[tilespmem:s1+$0xFFFFFFC0] =	vst v0  }
0xbc: {  	[tilespmem:s1+$0x30] =	vst v0  }
0xbd: {  	[tilespmem:s1+$0x20] =	vst v0  }
0xbe: {  	[tilespmem:s1+$0x10] =	vst v0  }
0xbf: {  	[tilespmem:s1+$0xFFFFFFE0] =	vst v0  }
0xc0: {  	[tilespmem:s1+$0x0] =	vst v0  }
0xc1: {  	s3 =	simm.s32 $0x0;
	[tilespmem:s1+$0xFFFFFFF0] =	vst v0  }
.LBB2_3:
0xc2: {  	s3 =	sadd.s32 $0x8, s3;
	[tilespmem:s1+$0xFFFFFFD0] =	vst v0;
	s0 =	sadd.s32 $0x80, s0;
	s1 =	sadd.s32 $0x80, s1  }
0xc3: {  	[tilespmem:s0+$0x30] =	vst v0;
	p1 =	slt.u32 s3, $0x278  }
0xc4: {  	[tilespmem:s0+$0xFFFFFFF0] =	vst v0  }
0xc5: {  	[tilespmem:s0+$0xFFFFFFC0] =	vst v0  }
0xc6: {  	[tilespmem:s1+$0xFFFFFFC0] =	vst v0  }
0xc7: {  	[tilespmem:s1+$0x30] =	vst v0  }
0xc8: {  	[tilespmem:s0+$0xFFFFFFE0] =	vst v0  }
0xc9: {  	[tilespmem:s0+$0x10] =	vst v0  }
0xca: {  	[tilespmem:s0+$0x20] =	vst v0  }
0xcb: {  	[tilespmem:s1+$0x20] =	vst v0  }
0xcc: {  	[tilespmem:s1+$0x10] =	vst v0  }
.Ltmp1:
0xcd: {  	[tilespmem:s1+$0xFFFFFFE0] =	vst v0;
	(pc) =	sbr.rel @p1 .LBB2_3-.Ltmp1, $4  }
0xce: {  	[tilespmem:s0+$0x0] =	vst v0  }
0xcf: {  	[tilespmem:s1+$0x0] =	vst v0  }
0xd0: {  	[tilespmem:s1+$0xFFFFFFF0] =	vst v0  }
0xd1: {  	[tilespmem:s0+$0xFFFFFFD0] =	vst v0  }
0xd2: {  	[tilespmem:s1+$0xFFFFFFD0] =	vst v0  }
0xd3: {  	_ =	strace $0x9000004A  }
0xd4: {  	s0 =	simm.s32 $0x1;
	_ =	strace $0x8000004B  }
0xd5: {  	_ =	swait.ge [sflag:s0], $0x9C00  }
0xd6: {  	[sflag:s0] =	ssyncset.done $0x0  }
0xd7: {  	[sflag:s0] =	ssyncadd.s32 $0xFFFF6400;
	s0 =	simm.s32 $0xC9F0  }
0xd8: {  	v2 =	vld [tilespmem:s0+$0xFFFFFF90]  }
0xd9: {  	v3 =	vld [tilespmem:s0+$0x0]  }
0xda: {  	v4 =	vld [tilespmem:s0+$0xFFFFFFF0]  }
0xdb: {  	v5 =	vld [tilespmem:s0+$0xFFFFFFE0]  }
0xdc: {  	v6 =	vld [tilespmem:s0+$0xFFFFFFD0]  }
0xdd: {  	v7 =	vld [tilespmem:s0+$0xFFFFFFC0]  }
0xde: {  	v8 =	vld [tilespmem:s0+$0xFFFFFFB0]  }
0xdf: {  	v0 =	vimm.f32 $1.000000000e+00;
	s1 =	simm.s32 $0x7900;
	v1 =	vld [tilespmem:s0+$0xFFFFFFA0]  }
0xe0: {  	[tilespmem:v2+s1+$0x0] =	vst.idx.add.f32.msk $0xffff, v0  }
0xe1: {  	[tilespmem:v3+s1+$0x0] =	vst.idx.add.f32.msk $0xffff, v0  }
0xe2: {  	[tilespmem:v4+s1+$0x0] =	vst.idx.add.f32.msk $0xffff, v0  }
0xe3: {  	[tilespmem:v5+s1+$0x0] =	vst.idx.add.f32.msk $0xffff, v0  }
0xe4: {  	[tilespmem:v6+s1+$0x0] =	vst.idx.add.f32.msk $0xffff, v0  }
0xe5: {  	[tilespmem:v7+s1+$0x0] =	vst.idx.add.f32.msk $0xffff, v0  }
0xe6: {  	s3 =	simm.s32 $0x0;
	[tilespmem:v8+s1+$0x0] =	vst.idx.add.f32.msk $0xffff, v0  }
.LBB2_5:
0xe7: {  	s3 =	sadd.s32 $0x8, s3;
	[tilespmem:v1+s1+$0x0] =	vst.idx.add.f32.msk $0xffff, v0;
	s0 =	sadd.s32 $0x100, s0  }
0xe8: {  	v2 =	vld [tilespmem:s0+$0xFFFFFF90];
	p1 =	slt.u32 s3, $0x4D8  }
0xe9: {  	v3 =	vld [tilespmem:s0+$0x0]  }
0xea: {  	v4 =	vld [tilespmem:s0+$0xFFFFFFF0]  }
0xeb: {  	v5 =	vld [tilespmem:s0+$0xFFFFFFE0]  }
0xec: {  	v6 =	vld [tilespmem:s0+$0xFFFFFFD0]  }
0xed: {  	v7 =	vld [tilespmem:s0+$0xFFFFFFC0]  }
0xee: {  	v8 =	vld [tilespmem:s0+$0xFFFFFFB0]  }
0xef: {  	v1 =	vld [tilespmem:s0+$0xFFFFFFA0]  }
0xf0: {  	[tilespmem:v2+s1+$0x0] =	vst.idx.add.f32.msk $0xffff, v0  }
0xf1: {  	[tilespmem:v3+s1+$0x0] =	vst.idx.add.f32.msk $0xffff, v0  }
.Ltmp2:
0xf2: {  	[tilespmem:v4+s1+$0x0] =	vst.idx.add.f32.msk $0xffff, v0;
	(pc) =	sbr.rel @p1 .LBB2_5-.Ltmp2, $4  }
0xf3: {  	[tilespmem:v5+s1+$0x0] =	vst.idx.add.f32.msk $0xffff, v0  }
0xf4: {  	[tilespmem:v6+s1+$0x0] =	vst.idx.add.f32.msk $0xffff, v0  }
0xf5: {  	[tilespmem:v7+s1+$0x0] =	vst.idx.add.f32.msk $0xffff, v0  }
0xf6: {  	[tilespmem:v8+s1+$0x0] =	vst.idx.add.f32.msk $0xffff, v0  }
0xf7: {  	p1 =	sne.s32 s25, $0x0  }
.Ltmp3:
0xf8: {  	_ = 	snop;
	(pc) =	sbr.rel @p1 .LBB2_10-.Ltmp3, $2  }
0xf9: {  	_ =	sdelay $0x2  }
0xfa: {  	[tilespmem:v1+s1+$0x0] =	vst.idx.add.f32.msk $0xffff, v0  }
0xfb: {  	s0 =	simm.s32 $0x2  }
0xfc: {  	_ =	swait.ge [sflag:s0], $0x400  }
0xfd: {  	[sflag:s0] =	ssyncset.done $0x0  }
0xfe: {  	[sflag:s0] =	ssyncadd.s32 $0xFFFFFC00;
	s0 =	simm.s32 $0x165F0  }
0xff: {  	v2 =	vld [tilespmem:s0+$0xFFFFFF90]  }
0x100: {  	v3 =	vld [tilespmem:s0+$0x0]  }
0x101: {  	v4 =	vld [tilespmem:s0+$0xFFFFFFF0]  }
0x102: {  	v5 =	vld [tilespmem:s0+$0xFFFFFFE0]  }
0x103: {  	v6 =	vld [tilespmem:s0+$0xFFFFFFD0]  }
0x104: {  	v7 =	vld [tilespmem:s0+$0xFFFFFFC0]  }
0x105: {  	v8 =	vld [tilespmem:s0+$0xFFFFFFB0]  }
0x106: {  	v0 =	vimm.f32 $1.000000000e+00;
	s1 =	simm.s32 $0x7900;
	v1 =	vld [tilespmem:s0+$0xFFFFFFA0]  }
0x107: {  	[tilespmem:v2+s1+$0x0] =	vst.idx.add.f32.msk $0xffff, v0  }
0x108: {  	[tilespmem:v3+s1+$0x0] =	vst.idx.add.f32.msk $0xffff, v0  }
0x109: {  	[tilespmem:v4+s1+$0x0] =	vst.idx.add.f32.msk $0xffff, v0  }
0x10a: {  	[tilespmem:v5+s1+$0x0] =	vst.idx.add.f32.msk $0xffff, v0  }
0x10b: {  	[tilespmem:v6+s1+$0x0] =	vst.idx.add.f32.msk $0xffff, v0  }
0x10c: {  	[tilespmem:v7+s1+$0x0] =	vst.idx.add.f32.msk $0xffff, v0  }
0x10d: {  	s3 =	simm.s32 $0x0;
	[tilespmem:v8+s1+$0x0] =	vst.idx.add.f32.msk $0xffff, v0  }
.LBB2_8:
0x10e: {  	s3 =	sadd.s32 $0x8, s3;
	[tilespmem:v1+s1+$0x0] =	vst.idx.add.f32.msk $0xffff, v0;
	s0 =	sadd.s32 $0x100, s0  }
0x10f: {  	v2 =	vld [tilespmem:s0+$0xFFFFFF90];
	p2 =	slt.u32 s3, $0x18  }
0x110: {  	v3 =	vld [tilespmem:s0+$0x0]  }
0x111: {  	v4 =	vld [tilespmem:s0+$0xFFFFFFF0]  }
0x112: {  	v5 =	vld [tilespmem:s0+$0xFFFFFFE0]  }
0x113: {  	v6 =	vld [tilespmem:s0+$0xFFFFFFD0]  }
0x114: {  	v7 =	vld [tilespmem:s0+$0xFFFFFFC0]  }
0x115: {  	v8 =	vld [tilespmem:s0+$0xFFFFFFB0]  }
0x116: {  	v1 =	vld [tilespmem:s0+$0xFFFFFFA0]  }
0x117: {  	[tilespmem:v2+s1+$0x0] =	vst.idx.add.f32.msk $0xffff, v0  }
0x118: {  	[tilespmem:v3+s1+$0x0] =	vst.idx.add.f32.msk $0xffff, v0  }
.Ltmp4:
0x119: {  	[tilespmem:v4+s1+$0x0] =	vst.idx.add.f32.msk $0xffff, v0;
	(pc) =	sbr.rel @p2 .LBB2_8-.Ltmp4, $4  }
0x11a: {  	[tilespmem:v5+s1+$0x0] =	vst.idx.add.f32.msk $0xffff, v0  }
0x11b: {  	[tilespmem:v6+s1+$0x0] =	vst.idx.add.f32.msk $0xffff, v0  }
0x11c: {  	[tilespmem:v7+s1+$0x0] =	vst.idx.add.f32.msk $0xffff, v0  }
0x11d: {  	[tilespmem:v8+s1+$0x0] =	vst.idx.add.f32.msk $0xffff, v0  }
0x11e: {  	_ =	sdelay $0x3  }
0x11f: {  	[tilespmem:v1+s1+$0x0] =	vst.idx.add.f32.msk $0xffff, v0  }
.LBB2_10:
0x120: {  	_ =	strace $0x9000004B  }
0x121: {  	s0 =	simm.s32 @p0 $0x3;
	_ =	strace $0x8000004C  }
0x122: {  	_ =	swait.ge @p0 [sflag:s0], $0x190  }
0x123: {  	[sflag:s0] =	ssyncset.done @p0 $0x0  }
0x124: {  	[sflag:s0] =	ssyncadd.s32 @p0 $0xFFFFFE70;
	s0 =	simm.s32 @!p0 $0x3  }
0x125: {  	_ =	swait.ge @!p0 [sflag:s0], $0x280  }
0x126: {  	s25 =	simm.s32 $0x80;
	s1 =	simm.s32 $0x400;
	[sflag:s0] =	ssyncset.done @!p0 $0x0  }
0x127: {  	s3 =	simm.s32 $0x7900;
	s26 =	simm.s32 $0x5;
	[sflag:s0] =	ssyncadd.s32 @!p0 $0xFFFFFD80  }
0x128: {  	[spmem:s21] =	stream.strided.scatter [tilespmem:s3], [sflag:$0x5], $0x2800, s1, s25, $0x200038;
	[tilespmem:$0x1CE80] =	vst v63  }
0x129: {  	_ =	swait.ge [sflag:s26], $0x2800  }
0x12a: {  	[sflag:s26] =	ssyncset.done $0x0  }
0x12b: {  	s5 =	simm.s32 $0x1400;
	s6 =	simm.s32 $0x14000;
	[sflag:s26] =	ssyncadd.s32 $0xFFFFD800  }
0x12c: {  	s4 =	simm.s32 $0x16E00;
	s7 =	simm.s32 $0x0;
	[bflag:$0x0] =	sbarrier.arrive $0xFFFF  }
0x12d: {  	[tilespmem:s4], [sflag:$0x5] =	stream.strided.gather [spmem:s20], $0x2800, s6, s5, $0x200038;
	[tilespmem:$0x1CE80] =	vst v63  }
0x12e: {  	s8 =	simm.s32 $0x10;
	s0 =	sand.u32 $0x1C00, s7;
	_ =	swait.ge [sflag:s26], $0x2800  }
0x12f: {  	s1 =	sand.u32 $0x70, s8;
	s5 =	sadd.s32 $0x16E00, s0;
	[sflag:s26] =	ssyncset.done $0x0  }
0x130: {  	s6 =	sor.u32 s1, s5;
	[sflag:s26] =	ssyncadd.s32 $0xFFFFD800  }
0x131: {  	v0 =	vld [tilespmem:s6+$0x0]  }
0x132: {  	v1 =	vld [tilespmem:s6+$0x80]  }
0x133: {  	s3 =	sand.u32 $0x60, s7  }
0x134: {  	s4 =	sor.u32 s3, s5;
	v2 =	vld [tilespmem:s6+$0x100]  }
0x135: {  	v3 =	vld [tilespmem:s4+$0x0]  }
0x136: {  	v4 =	vld [tilespmem:s6+$0x180]  }
0x137: {  	v5 =	vld [tilespmem:s4+$0x80];
	v0 =	vadd.f32 v1, v0  }
0x138: {  	v1 =	vld [tilespmem:s6+$0x200]  }
0x139: {  	v6 =	vld [tilespmem:s4+$0x100];
	v0 =	vadd.f32 v2, v0  }
0x13a: {  	v2 =	vld [tilespmem:s6+$0x280]  }
0x13b: {  	v7 =	vld [tilespmem:s4+$0x180];
	v0 =	vadd.f32 v4, v0  }
0x13c: {  	v3 =	vadd.f32 v5, v3;
	v4 =	vld [tilespmem:s6+$0x300]  }
0x13d: {  	v5 =	vld [tilespmem:s4+$0x200];
	v0 =	vadd.f32 v1, v0  }
0x13e: {  	s10 =	sor.u32 $0x18200, s0;
	v1 =	vadd.f32 v6, v3;
	v3 =	vld [tilespmem:s6+$0x380]  }
0x13f: {  	s11 =	sor.u32 s1, s10;
	v6 =	vld [tilespmem:s4+$0x280];
	v0 =	vadd.f32 v2, v0  }
0x140: {  	s7 =	sor.u32 $0x18280, s0;
	v1 =	vadd.f32 v7, v1;
	v2 =	vld [tilespmem:s11+$0x0]  }
0x141: {  	s12 =	sor.u32 s1, s7;
	v7 =	vld [tilespmem:s4+$0x300];
	v0 =	vadd.f32 v4, v0  }
0x142: {  	s8 =	sor.u32 $0x18300, s0;
	v1 =	vadd.f32 v5, v1;
	v4 =	vld [tilespmem:s12+$0x0]  }
0x143: {  	s13 =	sor.u32 s1, s8;
	v5 =	vld [tilespmem:s4+$0x380];
	v0 =	vadd.f32 v3, v0  }
0x144: {  	s14 =	sor.u32 $0x18380, s0;
	s5 =	sor.u32 s3, s10;
	v1 =	vadd.f32 v6, v1;
	v3 =	vld [tilespmem:s13+$0x0]  }
0x145: {  	s15 =	sor.u32 s1, s14;
	v6 =	vld [tilespmem:s5+$0x0];
	v0 =	vadd.f32 v2, v0  }
0x146: {  	s25 =	sor.u32 s3, s7;
	s26 =	sadd.s32 $0x18400, s0;
	v1 =	vadd.f32 v7, v1;
	v2 =	vld [tilespmem:s15+$0x0]  }
0x147: {  	s5 =	sor.u32 s1, s26;
	v7 =	vld [tilespmem:s25+$0x0];
	v0 =	vadd.f32 v4, v0  }
0x148: {  	s8 =	sor.u32 s3, s8;
	s10 =	sadd.s32 $0x18480, s0;
	v1 =	vadd.f32 v5, v1;
	v4 =	vld [tilespmem:s5+$0x0]  }
0x149: {  	s11 =	sor.u32 s1, s10;
	v5 =	vld [tilespmem:s8+$0x0];
	v0 =	vadd.f32 v3, v0  }
0x14a: {  	s12 =	sor.u32 s3, s14;
	s13 =	sadd.s32 $0x18500, s0;
	v1 =	vadd.f32 v6, v1;
	v3 =	vld [tilespmem:s11+$0x0]  }
0x14b: {  	s14 =	sor.u32 s1, s13;
	v6 =	vld [tilespmem:s12+$0x0];
	v0 =	vadd.f32 v2, v0  }
0x14c: {  	s0 =	sadd.s32 $0x18580, s0;
	s15 =	sor.u32 s3, s26;
	v1 =	vadd.f32 v7, v1;
	v2 =	vld [tilespmem:s14+$0x0]  }
0x14d: {  	s25 =	sor.u32 s1, s0;
	v7 =	vld [tilespmem:s15+$0x0];
	v0 =	vadd.f32 v4, v0  }
0x14e: {  	s26 =	sor.u32 s3, s10;
	v1 =	vadd.f32 v5, v1;
	v4 =	vld [tilespmem:s25+$0x0]  }
0x14f: {  	v5 =	vld [tilespmem:s26+$0x0];
	v0 =	vadd.f32 v3, v0  }
0x150: {  	s7 =	sor.u32 s3, s13;
	v1 =	vadd.f32 v6, v1  }
0x151: {  	s8 =	simm.s32 $0x100;
	v3 =	vld [tilespmem:s7+$0x0];
	v0 =	vadd.f32 v2, v0  }
0x152: {  	s10 =	sor.u32 s3, s0;
	s0 =	sand.u32 $0x1C00, s8;
	s11 =	simm.s32 $0x30;
	v1 =	vadd.f32 v7, v1  }
0x153: {  	s12 =	sadd.s32 $0x16E00, s0;
	s26 =	sand.u32 $0x70, s11;
	v2 =	vld [tilespmem:s10+$0x0];
	v0 =	vadd.f32 v4, v0  }
0x154: {  	s4 =	sor.u32 s26, s12;
	v1 =	vadd.f32 v5, v1  }
0x155: {  	s28 =	simm.s32 $0x20;
	v4 =	vld [tilespmem:s4+$0x0];
	v0 =	vadd.f32 $1.000000000e+00, v0  }
0x156: {  	s25 =	sand.u32 $0x60, s28;
	v5 =	vld [tilespmem:s4+$0x80];
	v1 =	vadd.f32 v3, v1  }
0x157: {  	s5 =	sor.u32 s25, s12;
	v7 =	vld [tilespmem:s4+$0x100];
	v6 =	vshra.s32 v0, $0x1;
	v0 =	vmul.f32 $5.000000000e-01, v0  }
0x158: {  	v3 =	vld [tilespmem:s5+$0x0];
	v1 =	vadd.f32 v2, v1;
	v2 =	vsub.s32 $0x5F3759DF, v6  }
0x159: {  	v6 =	vld [tilespmem:s5+$0x80];
	v8 =	vmul.f32 v2, v0  }
0x15a: {  	v9 =	vld [tilespmem:s4+$0x180];
	v1 =	vadd.f32 $1.000000000e+00, v1  }
0x15b: {  	v10 =	vld [tilespmem:s5+$0x100];
	v4 =	vadd.f32 v5, v4;
	v8 =	vmul.f32 v2, v8  }
0x15c: {  	v5 =	vld [tilespmem:s4+$0x200];
	v11 =	vshra.s32 v1, $0x1;
	v1 =	vmul.f32 $5.000000000e-01, v1  }
0x15d: {  	v12 =	vld [tilespmem:s5+$0x180];
	v4 =	vadd.f32 v7, v4;
	v11 =	vsub.s32 $0x5F3759DF, v11;
	v8 =	vsub.f32 $1.500000000e+00, v8  }
0x15e: {  	v7 =	vld [tilespmem:s4+$0x280];
	v13 =	vmul.f32 v11, v1;
	v3 =	vadd.f32 v6, v3  }
0x15f: {  	v4 =	vadd.f32 v9, v4;
	v6 =	vld [tilespmem:s5+$0x200];
	v2 =	vmul.f32 v2, v8  }
0x160: {  	v8 =	vld [tilespmem:s4+$0x300];
	v9 =	vmul.f32 v11, v13;
	v3 =	vadd.f32 v10, v3  }
0x161: {  	v4 =	vadd.f32 v5, v4;
	v10 =	vld [tilespmem:s5+$0x280];
	v39 =	vmul.f32 v2, v0  }
0x162: {  	s13 =	sor.u32 $0x18200, s0;
	v5 =	vld [tilespmem:s4+$0x380];
	v9 =	vsub.f32 $1.500000000e+00, v9;
	v3 =	vadd.f32 v12, v3  }
0x163: {  	s14 =	sor.u32 s26, s13;
	v40 =	vld [tilespmem:s5+$0x300];
	v4 =	vadd.f32 v7, v4;
	v13 =	vmul.f32 v39, v2  }
0x164: {  	s15 =	sor.u32 $0x18280, s0;
	v7 =	vld [tilespmem:s14+$0x0];
	v9 =	vmul.f32 v11, v9;
	v3 =	vadd.f32 v6, v3  }
0x165: {  	v6 =	vld [tilespmem:s5+$0x380];
	s5 =	sor.u32 s26, s15;
	v4 =	vadd.f32 v8, v4;
	v11 =	vsub.f32 $1.500000000e+00, v13  }
0x166: {  	s8 =	sor.u32 $0x18300, s0;
	s6 =	sor.u32 s25, s13;
	v8 =	vld [tilespmem:s5+$0x0];
	v41 =	vmul.f32 v9, v1;
	v3 =	vadd.f32 v10, v3  }
0x167: {  	s10 =	sor.u32 s26, s8;
	v10 =	vld [tilespmem:s6+$0x0];
	v4 =	vadd.f32 v5, v4;
	v2 =	vmul.f32 v11, v2  }
0x168: {  	s11 =	sor.u32 s25, s15;
	s12 =	sor.u32 $0x18380, s0;
	v5 =	vld [tilespmem:s10+$0x0];
	v11 =	vmul.f32 v41, v9;
	v3 =	vadd.f32 v40, v3  }
0x169: {  	v42 =	vld [tilespmem:s11+$0x0];
	s13 =	sor.u32 s26, s12;
	v4 =	vadd.f32 v7, v4;
	v0 =	vmul.f32 v2, v0  }
0x16a: {  	s14 =	sor.u32 s25, s8;
	s15 =	sadd.s32 $0x18400, s0;
	v7 =	vld [tilespmem:s13+$0x0];
	v11 =	vsub.f32 $1.500000000e+00, v11;
	v3 =	vadd.f32 v6, v3  }
0x16b: {  	s5 =	sor.u32 s26, s15;
	v6 =	vld [tilespmem:s14+$0x0];
	v4 =	vadd.f32 v8, v4;
	v0 =	vmul.f32 v0, v2  }
0x16c: {  	s10 =	sadd.s32 $0x18480, s0;
	s14 =	sor.u32 s25, s15;
	v8 =	vld [tilespmem:s5+$0x0];
	v9 =	vmul.f32 v11, v9;
	v3 =	vadd.f32 v10, v3  }
0x16d: {  	s13 =	sor.u32 s26, s10;
	v43 =	vld [tilespmem:s14+$0x0];
	v4 =	vadd.f32 v5, v4;
	v0 =	vsub.f32 $1.500000000e+00, v0  }
0x16e: {  	s8 =	sor.u32 s25, s12;
	s15 =	sadd.s32 $0x18500, s0;
	v5 =	vld [tilespmem:s13+$0x0];
	v1 =	vmul.f32 v9, v1  }
0x16f: {  	s0 =	sadd.s32 $0x18580, s0;
	s5 =	sor.u32 s26, s15;
	v10 =	vld [tilespmem:s8+$0x0];
	v11 =	vadd.f32 v42, v3;
	v3 =	vmul.f32 v0, v2;
	v0 =	vadd.f32 v7, v4  }
0x170: {  	s11 =	sor.u32 s26, s0;
	v2 =	vld [tilespmem:s5+$0x0]  }
0x171: {  	s8 =	simm.s32 $0x19610;
	s13 =	sor.u32 s25, s10;
	v1 =	vmul.f32 v1, v9;
	v4 =	vadd.f32 v6, v11;
	v6 =	vld [tilespmem:s11+$0x0];
	v0 =	vadd.f32 v8, v0  }
0x172: {  	s12 =	simm.s32 $0x16910;
	s14 =	sor.u32 s25, s15;
	s15 =	simm.s32 $0x200;
	[tilespmem:s8+$0x0] =	vst v3;
	v8 =	vld [tilespmem:s13+$0x0]  }
0x173: {  	s7 =	simm.s32 $0x50;
	s4 =	sand.u32 $0x1C00, s15;
	v1 =	vsub.f32 $1.500000000e+00, v1;
	v7 =	vld [tilespmem:s12+$0x0];
	v5 =	vadd.f32 v5, v0  }
0x174: {  	s29 =	sand.u32 $0x70, s7;
	s10 =	sadd.s32 $0x16E00, s4;
	v4 =	vadd.f32 v10, v4  }
0x175: {  	s11 =	sor.u32 s29, s10;
	v0 =	vmul.f32 v1, v9;
	v9 =	vld [tilespmem:s14+$0x0];
	v2 =	vadd.f32 v2, v5  }
0x176: {  	s0 =	sor.u32 s25, s0;
	v11 =	vld [tilespmem:s11+$0x100];
	v4 =	vadd.f32 v43, v4  }
0x177: {  	v10 =	vld [tilespmem:s0+$0x0];
	v2 =	vadd.f32 v6, v2  }
0x178: {  	[tilespmem:s8+$0xFFFFFFF0] =	vst v0;
	v5 =	vld [tilespmem:s11+$0x0];
	v4 =	vadd.f32 v8, v4  }
0x179: {  	s31 =	simm.s32 $0x40;
	v1 =	vld [tilespmem:s12+$0xFFFFFFF0];
	v2 =	vadd.f32 $1.000000000e+00, v2  }
0x17a: {  	s30 =	sand.u32 $0x60, s31;
	s0 =	simm.s32 $0x5080;
	v6 =	vld [tilespmem:s11+$0x80];
	v4 =	vadd.f32 v9, v4  }
0x17b: {  	s12 =	sor.u32 s30, s10;
	v8 =	vld.idx.msk [tilespmem:v7+s0+$0x0], $0xffff;
	v9 =	vshra.s32 v2, $0x1;
	v2 =	vmul.f32 $5.000000000e-01, v2  }
0x17c: {  	v7 =	vld [tilespmem:s12+$0x0];
	v4 =	vadd.f32 v10, v4;
	v9 =	vsub.s32 $0x5F3759DF, v9  }
0x17d: {  	v10 =	vld [tilespmem:s12+$0x80];
	v44 =	vmul.f32 v9, v2  }
0x17e: {  	v45 =	vld [tilespmem:s11+$0x180];
	v4 =	vadd.f32 $1.000000000e+00, v4  }
0x17f: {  	v14 =	vld [tilespmem:s12+$0x100];
	v5 =	vadd.f32 v6, v5;
	v6 =	vmul.f32 v9, v44  }
0x180: {  	v46 =	vld [tilespmem:s11+$0x200];
	v15 =	vshra.s32 v4, $0x1;
	v4 =	vmul.f32 $5.000000000e-01, v4  }
0x181: {  	v16 =	vld [tilespmem:s12+$0x180];
	v5 =	vadd.f32 v11, v5;
	v11 =	vsub.s32 $0x5F3759DF, v15;
	v6 =	vsub.f32 $1.500000000e+00, v6  }
0x182: {  	v7 =	vadd.f32 v10, v7;
	v10 =	vld [tilespmem:s11+$0x280];
	v15 =	vmul.f32 v11, v4  }
0x183: {  	v47 =	vld [tilespmem:s12+$0x200];
	v5 =	vadd.f32 v45, v5;
	v6 =	vmul.f32 v9, v6  }
0x184: {  	v7 =	vadd.f32 v14, v7;
	v48 =	vmul.f32 v11, v15;
	v9 =	vld [tilespmem:s11+$0x300]  }
0x185: {  	v49 =	vld [tilespmem:s12+$0x280];
	v5 =	vadd.f32 v46, v5;
	v50 =	vmul.f32 v6, v2  }
0x186: {  	v51 =	vld [tilespmem:s11+$0x380];
	s13 =	sor.u32 $0x18200, s4;
	v7 =	vadd.f32 v16, v7;
	v14 =	vsub.f32 $1.500000000e+00, v48  }
0x187: {  	s14 =	sor.u32 s29, s13;
	v5 =	vadd.f32 v10, v5;
	v10 =	vld [tilespmem:s12+$0x300];
	v12 =	vmul.f32 v50, v6  }
0x188: {  	s15 =	sor.u32 $0x18280, s4;
	v52 =	vld [tilespmem:s14+$0x0];
	v7 =	vadd.f32 v47, v7;
	v11 =	vmul.f32 v11, v14  }
0x189: {  	s10 =	sor.u32 s29, s15;
	v53 =	vld [tilespmem:s12+$0x380];
	v5 =	vadd.f32 v9, v5;
	v9 =	vsub.f32 $1.500000000e+00, v12  }
0x18a: {  	v54 =	vld [tilespmem:s10+$0x0];
	s11 =	sor.u32 s30, s13;
	s12 =	sor.u32 $0x18300, s4;
	v7 =	vadd.f32 v49, v7;
	v55 =	vmul.f32 v11, v4  }
0x18b: {  	v56 =	vld [tilespmem:s11+$0x0];
	s13 =	sor.u32 s29, s12;
	v5 =	vadd.f32 v51, v5;
	v6 =	vmul.f32 v9, v6  }
0x18c: {  	s14 =	sor.u32 s30, s15;
	s15 =	sor.u32 $0x18380, s4;
	v7 =	vadd.f32 v10, v7;
	v10 =	vmul.f32 v55, v11;
	v9 =	vld [tilespmem:s13+$0x0]  }
0x18d: {  	v57 =	vld [tilespmem:s14+$0x0];
	s10 =	sor.u32 s29, s15;
	v5 =	vadd.f32 v52, v5;
	v2 =	vmul.f32 v6, v2  }
0x18e: {  	v58 =	vld [tilespmem:s10+$0x0];
	s11 =	sor.u32 s30, s12;
	s12 =	sadd.s32 $0x18400, s4;
	v7 =	vadd.f32 v53, v7;
	v10 =	vsub.f32 $1.500000000e+00, v10  }
0x18f: {  	v59 =	vld [tilespmem:s11+$0x0];
	s13 =	sor.u32 s29, s12;
	v5 =	vadd.f32 v54, v5;
	v2 =	vmul.f32 v2, v6  }
0x190: {  	s14 =	sor.u32 s30, s15;
	s15 =	sadd.s32 $0x18480, s4;
	v60 =	vld [tilespmem:s13+$0x0];
	v7 =	vadd.f32 v56, v7;
	v11 =	vmul.f32 v10, v11  }
0x191: {  	s10 =	sor.u32 s29, s15;
	v10 =	vld [tilespmem:s14+$0x0];
	v5 =	vadd.f32 v9, v5;
	v2 =	vsub.f32 $1.500000000e+00, v2  }
0x192: {  	s7 =	sadd.s32 $0x18500, s4;
	s11 =	sor.u32 s30, s12;
	s12 =	sadd.s32 $0x0, s9;
	v7 =	vadd.f32 v57, v7;
	v9 =	vld [tilespmem:s10+$0x0];
	v4 =	vmul.f32 v11, v4  }
0x193: {  	v61 =	vld [tilespmem:s11+$0x0];
	s13 =	sor.u32 s29, s7;
	s5 =	sand.u32 $0x7F80, s12;
	s10 =	sadd.s32 $0x18580, s4;
	v13 =	vadd.f32 v58, v5;
	v2 =	vmul.f32 v2, v6  }
0x194: {  	s11 =	sadd.s32 $0x5100, s5;
	s5 =	simm.s32 $0x19630;
	v14 =	vadd.f32 v59, v7;
	s14 =	sor.u32 s29, s10;
	v5 =	vld [tilespmem:s13+$0x0];
	v4 =	vmul.f32 v4, v11  }
0x195: {  	s6 =	sor.u32 s3, s11;
	s3 =	simm.s32 $0x16930;
	v6 =	vld [tilespmem:s14+$0x0];
	v12 =	vadd.f32 v60, v13;
	[tilespmem:s5+$0x0] =	vst v2  }
0x196: {  	s8 =	sor.u32 s30, s15;
	v3 =	vmul.f32 v3, v8;
	s4 =	simm.s32 $0x19890;
	v62 =	vadd.f32 v10, v14;
	v63 =	vsub.f32 $1.500000000e+00, v4;
	v4 =	vld [tilespmem:s3+$0x0]  }
0x197: {  	s7 =	sor.u32 s30, s7;
	s15 =	sor.u32 s1, s11;
	s1 =	simm.s32 $0x4;
	v7 =	vld [tilespmem:s8+$0x0];
	[tilespmem:s4+$0x0] =	vst v8;
	v10 =	vadd.f32 v9, v12  }
0x198: {  	s11 =	sor.u32 s30, s10;
	v8 =	vld [tilespmem:s7+$0x0];
	s7 =	simm.s32 $0x300;
	s8 =	simm.s32 $0x60;
	[tilespmem:s15+$0x0] =	vst v3;
	v9 =	vadd.f32 v61, v62;
	v3 =	vmul.f32 v63, v11  }
.LBB2_11:
0x199: {  	s13 =	sand.u32 $0x60, s8;
	s10 =	sand.u32 $0x1C00, s7;
	s12 =	sadd.s32 $0x10, s8;
	v11 =	vld [tilespmem:s11+$0x0];
	v5 =	vadd.f32 v5, v10  }
0x19a: {  	s15 =	sadd.s32 $0x16E00, s10;
	s14 =	sand.u32 $0x70, s12;
	[tilespmem:s5+$0xFFFFFFF0] =	vst v3;
	v10 =	vld.idx.msk [tilespmem:v1+s0+$0x0], $0xffff  }
0x19b: {  	s1 =	sadd.s32 $0x2, s1;
	s11 =	sor.u32 s13, s15;
	s12 =	sor.u32 s14, s15;
	v5 =	vadd.f32 v6, v5;
	v1 =	vld [tilespmem:s3+$0xFFFFFFF0]  }
0x19c: {  	p2 =	slt.u32 s1, $0x26;
	v6 =	vld [tilespmem:s12+$0x0];
	v7 =	vadd.f32 v7, v9  }
0x19d: {  	v9 =	vld [tilespmem:s12+$0x80];
	v5 =	vadd.f32 $1.000000000e+00, v5  }
0x19e: {  	v7 =	vadd.f32 v8, v7;
	v4 =	vld.idx.msk [tilespmem:v4+s0+$0x0], $0xffff  }
0x19f: {  	v8 =	vld [tilespmem:s11+$0x0];
	v12 =	vshra.s32 v5, $0x1;
	v5 =	vmul.f32 $5.000000000e-01, v5  }
0x1a0: {  	v13 =	vld [tilespmem:s12+$0x100];
	v7 =	vadd.f32 v11, v7;
	v11 =	vsub.s32 $0x5F3759DF, v12;
	[tilespmem:s4+$0xFFFFFFF0] =	vst v10;
	v10 =	vmul.f32 v0, v10;
	v0 =	vmovc v3  }
0x1a1: {  	v3 =	vld [tilespmem:s11+$0x80];
	v12 =	vmul.f32 v11, v5  }
0x1a2: {  	s15 =	sadd.s32 s28, s9;
	s28 =	smov.u32 s31;
	s31 =	smov.u32 s8;
	v14 =	vld [tilespmem:s12+$0x180];
	v7 =	vadd.f32 $1.000000000e+00, v7;
	[tilespmem:s6+$0x0] =	vst v10  }
0x1a3: {  	v6 =	vadd.f32 v9, v6;
	s6 =	sand.u32 $0x7F80, s15;
	v10 =	vld [tilespmem:s11+$0x100];
	v9 =	vmul.f32 v11, v12  }
0x1a4: {  	s4 =	sadd.s32 $0x20, s4;
	s15 =	sadd.s32 $0x5100, s6;
	v2 =	vmul.f32 v2, v4;
	v12 =	vld [tilespmem:s12+$0x200];
	v15 =	vshra.s32 v7, $0x1;
	v7 =	vmul.f32 $5.000000000e-01, v7  }
0x1a5: {  	s6 =	sor.u32 s25, s15;
	s15 =	sor.u32 s26, s15;
	s25 =	smov.u32 s30;
	v16 =	vld [tilespmem:s11+$0x180];
	v6 =	vadd.f32 v13, v6;
	v13 =	vsub.s32 $0x5F3759DF, v15;
	v9 =	vsub.f32 $1.500000000e+00, v9;
	[tilespmem:s4+$0x0] =	vst v4  }
0x1a6: {  	s30 =	smov.u32 s13;
	s26 =	smov.u32 s29;
	s29 =	smov.u32 s14;
	v3 =	vadd.f32 v3, v8;
	v4 =	vld [tilespmem:s12+$0x280];
	v8 =	vmul.f32 v13, v7;
	[tilespmem:s15+$0x0] =	vst v2  }
0x1a7: {  	v2 =	vld [tilespmem:s11+$0x200];
	v6 =	vadd.f32 v14, v6;
	v9 =	vmul.f32 v11, v9  }
0x1a8: {  	v3 =	vadd.f32 v10, v3;
	v10 =	vld [tilespmem:s12+$0x300];
	v8 =	vmul.f32 v13, v8  }
0x1a9: {  	v11 =	vld [tilespmem:s11+$0x280];
	v6 =	vadd.f32 v12, v6;
	v12 =	vmul.f32 v9, v5  }
0x1aa: {  	s13 =	sor.u32 $0x18200, s10;
	v3 =	vadd.f32 v16, v3;
	v14 =	vld [tilespmem:s12+$0x380];
	v8 =	vsub.f32 $1.500000000e+00, v8  }
0x1ab: {  	s12 =	sor.u32 s30, s13;
	s13 =	sor.u32 s29, s13;
	v15 =	vld [tilespmem:s11+$0x300];
	v4 =	vadd.f32 v4, v6;
	v6 =	vmul.f32 v12, v9  }
0x1ac: {  	s14 =	sor.u32 $0x18280, s10;
	v2 =	vadd.f32 v2, v3;
	v3 =	vld [tilespmem:s13+$0x0];
	v8 =	vmul.f32 v13, v8  }
0x1ad: {  	s13 =	sor.u32 s29, s14;
	v12 =	vld [tilespmem:s11+$0x380];
	s11 =	sor.u32 s30, s14;
	v4 =	vadd.f32 v10, v4;
	v6 =	vsub.f32 $1.500000000e+00, v6  }
0x1ae: {  	s14 =	sor.u32 $0x18300, s10;
	v2 =	vadd.f32 v11, v2;
	v10 =	vld [tilespmem:s13+$0x0];
	v11 =	vmul.f32 v8, v7  }
0x1af: {  	s13 =	sor.u32 s29, s14;
	v13 =	vld [tilespmem:s12+$0x0];
	s12 =	sor.u32 s30, s14;
	v4 =	vadd.f32 v14, v4;
	v6 =	vmul.f32 v6, v9  }
0x1b0: {  	s14 =	sor.u32 $0x18380, s10;
	v2 =	vadd.f32 v15, v2;
	v9 =	vld [tilespmem:s13+$0x0];
	v11 =	vmul.f32 v11, v8  }
0x1b1: {  	s13 =	sor.u32 s29, s14;
	v14 =	vld [tilespmem:s11+$0x0];
	s11 =	sor.u32 s30, s14;
	v3 =	vadd.f32 v3, v4;
	v4 =	vmul.f32 v6, v5  }
0x1b2: {  	s14 =	sadd.s32 $0x18400, s10;
	v2 =	vadd.f32 v12, v2;
	v5 =	vld [tilespmem:s13+$0x0];
	v11 =	vsub.f32 $1.500000000e+00, v11  }
0x1b3: {  	s13 =	sor.u32 s29, s14;
	v12 =	vld [tilespmem:s12+$0x0];
	s12 =	sor.u32 s30, s14;
	v3 =	vadd.f32 v10, v3;
	v4 =	vmul.f32 v4, v6  }
0x1b4: {  	s14 =	sadd.s32 $0x18480, s10;
	v2 =	vadd.f32 v13, v2;
	v10 =	vld [tilespmem:s13+$0x0];
	v11 =	vmul.f32 v11, v8  }
0x1b5: {  	s13 =	sor.u32 s30, s14;
	v8 =	vld [tilespmem:s11+$0x0];
	v3 =	vadd.f32 v9, v3;
	s11 =	sor.u32 s29, s14;
	v4 =	vsub.f32 $1.500000000e+00, v4  }
0x1b6: {  	s5 =	sadd.s32 $0x20, s5;
	s14 =	sadd.s32 $0x18500, s10;
	v9 =	vadd.f32 v14, v2;
	v13 =	vld [tilespmem:s11+$0x0];
	v7 =	vmul.f32 v11, v7  }
0x1b7: {  	s10 =	sadd.s32 $0x18580, s10;
	v14 =	vld [tilespmem:s12+$0x0];
	s12 =	sor.u32 s30, s14;
	v3 =	vadd.f32 v5, v3;
	s14 =	sor.u32 s29, s14;
	v2 =	vmul.f32 v4, v6  }
.Ltmp5:
0x1b8: {  	s11 =	sor.u32 s30, s10;
	s10 =	sor.u32 s29, s10;
	v4 =	vadd.f32 v12, v9;
	v5 =	vld [tilespmem:s14+$0x0];
	v7 =	vmul.f32 v7, v11;
	(pc) =	sbr.rel @p2 .LBB2_11-.Ltmp5, $4  }
0x1b9: {  	s3 =	sadd.s32 $0x20, s3;
	v3 =	vadd.f32 v10, v3;
	v6 =	vld [tilespmem:s10+$0x0];
	[tilespmem:s5+$0x0] =	vst v2  }
0x1ba: {  	v8 =	vadd.f32 v8, v4;
	v12 =	vsub.f32 $1.500000000e+00, v7;
	v4 =	vld [tilespmem:s3+$0x0]  }
0x1bb: {  	v7 =	vld [tilespmem:s13+$0x0];
	v10 =	vadd.f32 v13, v3  }
0x1bc: {  	s7 =	sadd.s32 $0x100, s7;
	s8 =	sadd.s32 $0x20, s8;
	v9 =	vadd.f32 v14, v8;
	v8 =	vld [tilespmem:s12+$0x0];
	v3 =	vmul.f32 v12, v11  }
0x1bd: {  	_ =	sdelay $0x1  }
0x1be: {  	v11 =	vld [tilespmem:s11+$0x0]  }
0x1bf: {  	v5 =	vadd.f32 v5, v10;
	v7 =	vadd.f32 v7, v9;
	_ =	sdelay $0x1  }
0x1c0: {  	v5 =	vadd.f32 v6, v5;
	v41 =	vadd.f32 v8, v7;
	_ =	sdelay $0x1  }
0x1c1: {  	v5 =	vadd.f32 $1.000000000e+00, v5;
	v6 =	vadd.f32 v11, v41;
	_ =	sdelay $0x1  }
0x1c2: {  	v42 =	vshra.s32 v5, $0x1;
	v5 =	vmul.f32 $5.000000000e-01, v5;
	v6 =	vadd.f32 $1.000000000e+00, v6  }
0x1c3: {  	v7 =	vsub.s32 $0x5F3759DF, v42  }
0x1c4: {  	v43 =	vmul.f32 v7, v5;
	v44 =	vshra.s32 v6, $0x1;
	v6 =	vmul.f32 $5.000000000e-01, v6  }
0x1c5: {  	v9 =	vsub.s32 $0x5F3759DF, v44  }
0x1c6: {  	v8 =	vmul.f32 v7, v43;
	v45 =	vmul.f32 v9, v6;
	_ =	sdelay $0x1  }
0x1c7: {  	v8 =	vsub.f32 $1.500000000e+00, v8;
	v10 =	vmul.f32 v9, v45;
	_ =	sdelay $0x1  }
0x1c8: {  	v7 =	vmul.f32 v7, v8;
	v46 =	vsub.f32 $1.500000000e+00, v10;
	_ =	sdelay $0x1  }
0x1c9: {  	v47 =	vmul.f32 v7, v5;
	v8 =	vmul.f32 v9, v46;
	_ =	sdelay $0x1  }
0x1ca: {  	v48 =	vmul.f32 v47, v7;
	v49 =	vmul.f32 v8, v6;
	_ =	sdelay $0x1  }
0x1cb: {  	v9 =	vsub.f32 $1.500000000e+00, v48;
	v10 =	vmul.f32 v49, v8;
	_ =	sdelay $0x1  }
0x1cc: {  	v7 =	vmul.f32 v9, v7;
	v50 =	vsub.f32 $1.500000000e+00, v10;
	_ =	sdelay $0x1  }
0x1cd: {  	v5 =	vmul.f32 v7, v5;
	v8 =	vmul.f32 v50, v8;
	_ =	sdelay $0x1  }
0x1ce: {  	v5 =	vmul.f32 v5, v7;
	v6 =	vmul.f32 v8, v6;
	_ =	sdelay $0x1  }
0x1cf: {  	v5 =	vsub.f32 $1.500000000e+00, v5;
	v6 =	vmul.f32 v6, v8;
	_ =	sdelay $0x1  }
0x1d0: {  	[tilespmem:s5+$0xFFFFFFF0] =	vst v3;
	v5 =	vmul.f32 v5, v7;
	v6 =	vsub.f32 $1.500000000e+00, v6  }
0x1d1: {  	s1 =	sadd.s32 $0x20, s5;
	v51 =	vld [tilespmem:s3+$0xFFFFFFF0]  }
0x1d2: {  	s12 =	sadd.s32 $0x20, s3;
	[tilespmem:s1+$0x0] =	vst v5;
	v6 =	vmul.f32 v6, v8  }
0x1d3: {  	v52 =	vld [tilespmem:s12+$0x0]  }
0x1d4: {  	v1 =	vld.idx.msk [tilespmem:v1+s0+$0x0], $0xffff;
	[tilespmem:s1+$0xFFFFFFF0] =	vst v6  }
0x1d5: {  	v53 =	vld [tilespmem:s12+$0xFFFFFFF0];
	_ =	sdelay $0x1  }
0x1d6: {  	v4 =	vld.idx.msk [tilespmem:v4+s0+$0x0], $0xffff;
	_ =	sdelay $0x1  }
0x1d7: {  	v7 =	vld.idx.msk [tilespmem:v51+s0+$0x0], $0xffff  }
0x1d8: {  	s13 =	sadd.s32 s28, s9;
	v0 =	vmul.f32 v0, v1  }
0x1d9: {  	[tilespmem:s4+$0xFFFFFFF0] =	vst v1;
	s1 =	sand.u32 $0x7F80, s13;
	v1 =	vld.idx.msk [tilespmem:v52+s0+$0x0], $0xffff  }
0x1da: {  	s14 =	sadd.s32 $0x20, s4;
	[tilespmem:s6+$0x0] =	vst v0;
	v0 =	vmul.f32 v2, v4;
	s1 =	sadd.s32 $0x5100, s1  }
0x1db: {  	[tilespmem:s14+$0x0] =	vst v4;
	s15 =	sor.u32 s26, s1;
	v2 =	vld.idx.msk [tilespmem:v53+s0+$0x0], $0xffff  }
0x1dc: {  	s26 =	sadd.s32 s31, s9;
	[tilespmem:s15+$0x0] =	vst v0;
	v0 =	vmul.f32 v3, v7  }
0x1dd: {  	[tilespmem:s14+$0xFFFFFFF0] =	vst v7;
	s1 =	sor.u32 s25, s1;
	s0 =	sand.u32 $0x7F80, s26  }
0x1de: {  	s28 =	sadd.s32 $0x20, s14;
	[tilespmem:s1+$0x0] =	vst v0;
	v0 =	vmul.f32 v5, v1;
	s0 =	sadd.s32 $0x5100, s0  }
0x1df: {  	[tilespmem:s28+$0x0] =	vst v1;
	s29 =	sor.u32 s29, s0  }
0x1e0: {  	[tilespmem:s29+$0x0] =	vst v0;
	v0 =	vmul.f32 v6, v2  }
0x1e1: {  	s0 =	sor.u32 s30, s0;
	[tilespmem:s28+$0xFFFFFFF0] =	vst v2  }
0x1e2: {  	s30 =	simm.s32 $0x5;
	[tilespmem:s0+$0x0] =	vst v0  }
0x1e3: {  	[spmem:s23] =	stream.linear.scatter [tilespmem:s24], [sflag:$0x5], $0x280, $0x200038;
	[tilespmem:$0x1CE80] =	vst v63  }
0x1e4: {  	_ =	swait.ge [sflag:s30], $0x280  }
0x1e5: {  	[sflag:s30] =	ssyncset.done $0x0  }
0x1e6: {  	[sflag:s30] =	ssyncadd.s32 $0xFFFFFD80  }
0x1e7: {  	s0 =	simm.s32 $0x5100;
	[bflag:$0x0] =	sbarrier.arrive $0xFFFF  }
0x1e8: {  	[tilespmem:s0], [sflag:$0x5] =	stream.linear.gather [spmem:s22], $0x2800, $0x200038;
	[tilespmem:$0x1CE80] =	vst v63  }
0x1e9: {  	_ =	swait.ge [sflag:s30], $0x2800  }
0x1ea: {  	[sflag:s30] =	ssyncset.done $0x0  }
0x1eb: {  	[sflag:s30] =	ssyncadd.s32 $0xFFFFD800  }
0x1ec: {  	_ =	strace $0x9000004C  }
0x1ed: {  	s31 =	simm.s32 $0xC980;
	_ =	strace $0x8000004D  }
0x1ee: {  	v0 =	vld [tilespmem:s31+$0xFFFFFFF0]  }
0x1ef: {  	v1 =	vld [tilespmem:s31+$0xFFFFFF90]  }
0x1f0: {  	v2 =	vld [tilespmem:s31+$0xFFFFFFA0]  }
0x1f1: {  	v3 =	vld [tilespmem:s31+$0xFFFFFFB0]  }
0x1f2: {  	v54 =	vld [tilespmem:s31+$0xFFFFFFC0]  }
0x1f3: {  	v55 =	vld [tilespmem:s31+$0xFFFFFFD0]  }
0x1f4: {  	v56 =	vld [tilespmem:s31+$0x70]  }
0x1f5: {  	v57 =	vld [tilespmem:s31+$0xFFFFFFE0]  }
0x1f6: {  	v58 =	vld [tilespmem:s31+$0xFFFFFF80]  }
0x1f7: {  	v61 =	vld [tilespmem:s31+$0x0]  }
0x1f8: {  	v62 =	vld [tilespmem:s31+$0x10]  }
0x1f9: {  	v63 =	vld [tilespmem:s31+$0x20]  }
0x1fa: {  	v12 =	vld [tilespmem:s31+$0x30]  }
0x1fb: {  	v13 =	vld [tilespmem:s31+$0x40]  }
0x1fc: {  	v14 =	vld [tilespmem:s31+$0x50]  }
0x1fd: {  	v0 =	vld.idx.msk [tilespmem:v0+s0+$0x0], $0xffff  }
0x1fe: {  	v59 =	vld.idx.msk [tilespmem:v1+s0+$0x0], $0xffff  }
0x1ff: {  	v2 =	vld.idx.msk [tilespmem:v2+s0+$0x0], $0xffff  }
0x200: {  	v3 =	vld.idx.msk [tilespmem:v3+s0+$0x0], $0xffff  }
0x201: {  	v4 =	vld.idx.msk [tilespmem:v54+s0+$0x0], $0xffff  }
0x202: {  	v60 =	vld.idx.msk [tilespmem:v58+s0+$0x0], $0xffff  }
0x203: {  	v5 =	vld.idx.msk [tilespmem:v55+s0+$0x0], $0xffff  }
0x204: {  	s1 =	simm.s32 $0xA100;
	v1 =	vld [tilespmem:s31+$0x60]  }
0x205: {  	[tilespmem:v56+s1+$0x0] =	vst.idx.add.f32.msk $0xffff, v0  }
0x206: {  	v0 =	vld.idx.msk [tilespmem:v57+s0+$0x0], $0xffff  }
0x207: {  	[tilespmem:v61+s1+$0x0] =	vst.idx.add.f32.msk $0xffff, v60  }
0x208: {  	[tilespmem:v62+s1+$0x0] =	vst.idx.add.f32.msk $0xffff, v59  }
0x209: {  	[tilespmem:v63+s1+$0x0] =	vst.idx.add.f32.msk $0xffff, v2  }
0x20a: {  	[tilespmem:v12+s1+$0x0] =	vst.idx.add.f32.msk $0xffff, v3  }
0x20b: {  	[tilespmem:v13+s1+$0x0] =	vst.idx.add.f32.msk $0xffff, v4  }
0x20c: {  	s3 =	simm.s32 $0x0;
	s4 =	simm.s32 $0xCA80;
	[tilespmem:v14+s1+$0x0] =	vst.idx.add.f32.msk $0xffff, v5  }
.LBB2_13:
0x20d: {  	v2 =	vld [tilespmem:s4+$0xFFFFFFF0];
	s3 =	sadd.s32 $0x8, s3  }
0x20e: {  	v3 =	vld [tilespmem:s4+$0xFFFFFF90];
	p2 =	slt.u32 s3, $0x4D8  }
0x20f: {  	v4 =	vld [tilespmem:s4+$0xFFFFFFA0]  }
0x210: {  	v5 =	vld [tilespmem:s4+$0xFFFFFFB0]  }
0x211: {  	v6 =	vld [tilespmem:s4+$0xFFFFFFC0]  }
0x212: {  	v7 =	vld [tilespmem:s4+$0xFFFFFFD0]  }
0x213: {  	v8 =	vld [tilespmem:s4+$0x70]  }
0x214: {  	v9 =	vld [tilespmem:s4+$0xFFFFFFE0]  }
0x215: {  	v2 =	vld.idx.msk [tilespmem:v2+s0+$0x0], $0xffff  }
0x216: {  	v10 =	vld [tilespmem:s4+$0xFFFFFF80]  }
0x217: {  	v3 =	vld.idx.msk [tilespmem:v3+s0+$0x0], $0xffff  }
0x218: {  	v4 =	vld.idx.msk [tilespmem:v4+s0+$0x0], $0xffff  }
0x219: {  	v5 =	vld.idx.msk [tilespmem:v5+s0+$0x0], $0xffff  }
0x21a: {  	v6 =	vld.idx.msk [tilespmem:v6+s0+$0x0], $0xffff  }
0x21b: {  	[tilespmem:v8+s1+$0x0] =	vst.idx.add.f32.msk $0xffff, v2  }
0x21c: {  	v2 =	vld.idx.msk [tilespmem:v7+s0+$0x0], $0xffff  }
0x21d: {  	v7 =	vld.idx.msk [tilespmem:v9+s0+$0x0], $0xffff  }
0x21e: {  	v8 =	vld.idx.msk [tilespmem:v10+s0+$0x0], $0xffff  }
0x21f: {  	v9 =	vld [tilespmem:s4+$0x0]  }
0x220: {  	v10 =	vld [tilespmem:s4+$0x10]  }
0x221: {  	v11 =	vld [tilespmem:s4+$0x20]  }
0x222: {  	v12 =	vld [tilespmem:s4+$0x30]  }
0x223: {  	v13 =	vld [tilespmem:s4+$0x40]  }
0x224: {  	v14 =	vld [tilespmem:s4+$0x50]  }
0x225: {  	v15 =	vld [tilespmem:s4+$0x60]  }
0x226: {  	[tilespmem:v1+s1+$0x0] =	vst.idx.add.f32.msk $0xffff, v0;
	v0 =	vmov v7  }
0x227: {  	[tilespmem:v9+s1+$0x0] =	vst.idx.add.f32.msk $0xffff, v8  }
.Ltmp6:
0x228: {  	[tilespmem:v10+s1+$0x0] =	vst.idx.add.f32.msk $0xffff, v3;
	(pc) =	sbr.rel @p2 .LBB2_13-.Ltmp6, $4  }
0x229: {  	[tilespmem:v11+s1+$0x0] =	vst.idx.add.f32.msk $0xffff, v4  }
0x22a: {  	[tilespmem:v12+s1+$0x0] =	vst.idx.add.f32.msk $0xffff, v5;
	v1 =	vmov v15  }
0x22b: {  	[tilespmem:v13+s1+$0x0] =	vst.idx.add.f32.msk $0xffff, v6  }
0x22c: {  	s4 =	sadd.s32 $0x100, s4;
	[tilespmem:v14+s1+$0x0] =	vst.idx.add.f32.msk $0xffff, v2  }
.Ltmp7:
0x22d: {  	_ = 	snop;
	(pc) =	sbr.rel @p1 .LBB2_18-.Ltmp7, $2  }
0x22e: {  	_ =	sdelay $0x2  }
0x22f: {  	[tilespmem:v1+s1+$0x0] =	vst.idx.add.f32.msk $0xffff, v0  }
0x230: {  	s3 =	simm.s32 $0x16580  }
0x231: {  	v0 =	vld [tilespmem:s3+$0xFFFFFFF0]  }
0x232: {  	v1 =	vld [tilespmem:s3+$0xFFFFFF90]  }
0x233: {  	v2 =	vld [tilespmem:s3+$0xFFFFFFA0]  }
0x234: {  	v3 =	vld [tilespmem:s3+$0xFFFFFFB0]  }
0x235: {  	v4 =	vld [tilespmem:s3+$0xFFFFFFC0]  }
0x236: {  	v5 =	vld [tilespmem:s3+$0xFFFFFFD0]  }
0x237: {  	v6 =	vld [tilespmem:s3+$0x70]  }
0x238: {  	v7 =	vld [tilespmem:s3+$0xFFFFFFE0]  }
0x239: {  	v8 =	vld [tilespmem:s3+$0xFFFFFF80]  }
0x23a: {  	v63 =	vld [tilespmem:s3+$0x0]  }
0x23b: {  	v10 =	vld [tilespmem:s3+$0x10]  }
0x23c: {  	v11 =	vld [tilespmem:s3+$0x20]  }
0x23d: {  	v12 =	vld [tilespmem:s3+$0x30]  }
0x23e: {  	v13 =	vld [tilespmem:s3+$0x40]  }
0x23f: {  	s0 =	simm.s32 $0x5100;
	v14 =	vld [tilespmem:s3+$0x50]  }
0x240: {  	v0 =	vld.idx.msk [tilespmem:v0+s0+$0x0], $0xffff  }
0x241: {  	v9 =	vld.idx.msk [tilespmem:v1+s0+$0x0], $0xffff  }
0x242: {  	v2 =	vld.idx.msk [tilespmem:v2+s0+$0x0], $0xffff  }
0x243: {  	v3 =	vld.idx.msk [tilespmem:v3+s0+$0x0], $0xffff  }
0x244: {  	v4 =	vld.idx.msk [tilespmem:v4+s0+$0x0], $0xffff  }
0x245: {  	v62 =	vld.idx.msk [tilespmem:v8+s0+$0x0], $0xffff  }
0x246: {  	v5 =	vld.idx.msk [tilespmem:v5+s0+$0x0], $0xffff  }
0x247: {  	s1 =	simm.s32 $0xA100;
	v1 =	vld [tilespmem:s3+$0x60]  }
0x248: {  	[tilespmem:v6+s1+$0x0] =	vst.idx.add.f32.msk $0xffff, v0  }
0x249: {  	v0 =	vld.idx.msk [tilespmem:v7+s0+$0x0], $0xffff  }
0x24a: {  	[tilespmem:v63+s1+$0x0] =	vst.idx.add.f32.msk $0xffff, v62  }
0x24b: {  	[tilespmem:v10+s1+$0x0] =	vst.idx.add.f32.msk $0xffff, v9  }
0x24c: {  	[tilespmem:v11+s1+$0x0] =	vst.idx.add.f32.msk $0xffff, v2  }
0x24d: {  	[tilespmem:v12+s1+$0x0] =	vst.idx.add.f32.msk $0xffff, v3  }
0x24e: {  	[tilespmem:v13+s1+$0x0] =	vst.idx.add.f32.msk $0xffff, v4  }
0x24f: {  	s4 =	simm.s32 $0x16680;
	s3 =	simm.s32 $0x0;
	[tilespmem:v14+s1+$0x0] =	vst.idx.add.f32.msk $0xffff, v5  }
.LBB2_16:
0x250: {  	v2 =	vld [tilespmem:s4+$0xFFFFFFF0];
	s3 =	sadd.s32 $0x8, s3  }
0x251: {  	v3 =	vld [tilespmem:s4+$0xFFFFFF90];
	p2 =	slt.u32 s3, $0x18  }
0x252: {  	v4 =	vld [tilespmem:s4+$0xFFFFFFA0]  }
0x253: {  	v5 =	vld [tilespmem:s4+$0xFFFFFFB0]  }
0x254: {  	v6 =	vld [tilespmem:s4+$0xFFFFFFC0]  }
0x255: {  	v7 =	vld [tilespmem:s4+$0xFFFFFFD0]  }
0x256: {  	v8 =	vld [tilespmem:s4+$0x70]  }
0x257: {  	v9 =	vld [tilespmem:s4+$0xFFFFFFE0]  }
0x258: {  	v2 =	vld.idx.msk [tilespmem:v2+s0+$0x0], $0xffff  }
0x259: {  	v10 =	vld [tilespmem:s4+$0xFFFFFF80]  }
0x25a: {  	v3 =	vld.idx.msk [tilespmem:v3+s0+$0x0], $0xffff  }
0x25b: {  	v4 =	vld.idx.msk [tilespmem:v4+s0+$0x0], $0xffff  }
0x25c: {  	v5 =	vld.idx.msk [tilespmem:v5+s0+$0x0], $0xffff  }
0x25d: {  	v6 =	vld.idx.msk [tilespmem:v6+s0+$0x0], $0xffff  }
0x25e: {  	[tilespmem:v8+s1+$0x0] =	vst.idx.add.f32.msk $0xffff, v2  }
0x25f: {  	v2 =	vld.idx.msk [tilespmem:v7+s0+$0x0], $0xffff  }
0x260: {  	v7 =	vld.idx.msk [tilespmem:v9+s0+$0x0], $0xffff  }
0x261: {  	v8 =	vld.idx.msk [tilespmem:v10+s0+$0x0], $0xffff  }
0x262: {  	v9 =	vld [tilespmem:s4+$0x0]  }
0x263: {  	v10 =	vld [tilespmem:s4+$0x10]  }
0x264: {  	v11 =	vld [tilespmem:s4+$0x20]  }
0x265: {  	v12 =	vld [tilespmem:s4+$0x30]  }
0x266: {  	v13 =	vld [tilespmem:s4+$0x40]  }
0x267: {  	v14 =	vld [tilespmem:s4+$0x50]  }
0x268: {  	v15 =	vld [tilespmem:s4+$0x60]  }
0x269: {  	[tilespmem:v1+s1+$0x0] =	vst.idx.add.f32.msk $0xffff, v0;
	v0 =	vmov v7  }
0x26a: {  	[tilespmem:v9+s1+$0x0] =	vst.idx.add.f32.msk $0xffff, v8  }
.Ltmp8:
0x26b: {  	[tilespmem:v10+s1+$0x0] =	vst.idx.add.f32.msk $0xffff, v3;
	(pc) =	sbr.rel @p2 .LBB2_16-.Ltmp8, $4  }
0x26c: {  	[tilespmem:v11+s1+$0x0] =	vst.idx.add.f32.msk $0xffff, v4  }
0x26d: {  	[tilespmem:v12+s1+$0x0] =	vst.idx.add.f32.msk $0xffff, v5;
	v1 =	vmov v15  }
0x26e: {  	[tilespmem:v13+s1+$0x0] =	vst.idx.add.f32.msk $0xffff, v6  }
0x26f: {  	s4 =	sadd.s32 $0x100, s4;
	[tilespmem:v14+s1+$0x0] =	vst.idx.add.f32.msk $0xffff, v2  }
0x270: {  	_ =	sdelay $0x3  }
0x271: {  	[tilespmem:v1+s1+$0x0] =	vst.idx.add.f32.msk $0xffff, v0  }
.LBB2_18:
0x272: {  	_ =	strace $0x9000004D  }
0x273: {  	s0 =	simm.s32 @p0 $0x4;
	_ =	strace $0x8000004E  }
0x274: {  	_ =	swait.ge @p0 [sflag:s0], $0x190  }
0x275: {  	[sflag:s0] =	ssyncset.done @p0 $0x0  }
0x276: {  	[sflag:s0] =	ssyncadd.s32 @p0 $0xFFFFFE70;
	s0 =	simm.s32 @!p0 $0x4  }
0x277: {  	_ =	swait.ge @!p0 [sflag:s0], $0x280  }
0x278: {  	s22 =	simm.s32 $0x80;
	s1 =	simm.s32 $0x400;
	[sflag:s0] =	ssyncset.done @!p0 $0x0  }
0x279: {  	s3 =	simm.s32 $0xA100;
	s23 =	simm.s32 $0x5;
	[sflag:s0] =	ssyncadd.s32 @!p0 $0xFFFFFD80  }
0x27a: {  	[spmem:s21] =	stream.strided.scatter [tilespmem:s3], [sflag:$0x5], $0x2800, s1, s22, $0x200038;
	[tilespmem:$0x1CE80] =	vst v63  }
0x27b: {  	_ =	swait.ge [sflag:s23], $0x2800  }
0x27c: {  	[sflag:s23] =	ssyncset.done $0x0  }
0x27d: {  	s24 =	simm.s32 $0x1400;
	[sflag:s23] =	ssyncadd.s32 $0xFFFFD800  }
0x27e: {  	s25 =	simm.s32 $0x14000;
	s4 =	simm.s32 $0x16E00;
	[bflag:$0x0] =	sbarrier.arrive $0xFFFF  }
0x27f: {  	[tilespmem:s4], [sflag:$0x5] =	stream.strided.gather [spmem:s20], $0x2800, s25, s24, $0x200038;
	[tilespmem:$0x1CE80] =	vst v63  }
0x280: {  	_ =	swait.ge [sflag:s23], $0x2800  }
0x281: {  	[sflag:s23] =	ssyncset.done $0x0  }
0x282: {  	v0 =	vimm.f32 $0.0e+00;
	[sflag:s23] =	ssyncadd.s32 $0xFFFFD800  }
0x283: {  	s26 =	simm.s32 $0x0;
	[tilespmem:$0x19B00] =	vst v0  }
0x284: {  	s29 =	simm.s32 $0x10;
	s28 =	sand.u32 $0x1C00, s26;
	[tilespmem:$0x19B10] =	vst v0  }
0x285: {  	s30 =	sadd.s32 $0x16E00, s28;
	s3 =	sand.u32 $0x70, s29;
	[tilespmem:$0x19B20] =	vst v0  }
0x286: {  	s5 =	sor.u32 s3, s30;
	[tilespmem:$0x19B30] =	vst v0  }
0x287: {  	v0 =	vld [tilespmem:s5+$0x0]  }
0x288: {  	v1 =	vld [tilespmem:s5+$0x80]  }
0x289: {  	v2 =	vld [tilespmem:s5+$0x100]  }
0x28a: {  	s0 =	sand.u32 $0x60, s26;
	v3 =	vld [tilespmem:s5+$0x180]  }
0x28b: {  	s4 =	sor.u32 s0, s30;
	v4 =	vld [tilespmem:s5+$0x280]  }
0x28c: {  	v5 =	vld [tilespmem:s4+$0x0]  }
0x28d: {  	v6 =	vld [tilespmem:s4+$0x80]  }
0x28e: {  	s31 =	sor.u32 $0x18200, s28;
	v7 =	vld [tilespmem:s4+$0x100]  }
0x28f: {  	s7 =	sor.u32 $0x18280, s28;
	s8 =	sor.u32 $0x18300, s28;
	s10 =	sor.u32 $0x18380, s28;
	v8 =	vld [tilespmem:s4+$0x180]  }
0x290: {  	s11 =	sadd.s32 $0x18400, s28;
	s12 =	sadd.s32 $0x18480, s28;
	s13 =	sadd.s32 $0x18500, s28;
	v9 =	vld [tilespmem:s4+$0x200]  }
0x291: {  	s1 =	sadd.s32 $0x18580, s28;
	s14 =	sor.u32 s3, s31;
	s15 =	sor.u32 s3, s7;
	v10 =	vld [tilespmem:s4+$0x280]  }
0x292: {  	s21 =	sor.u32 s3, s10;
	s22 =	sor.u32 s3, s11;
	s20 =	sor.u32 s3, s8;
	v11 =	vld [tilespmem:s4+$0x300]  }
0x293: {  	s24 =	sor.u32 s3, s13;
	s23 =	sor.u32 s3, s12;
	s3 =	sor.u32 s3, s1;
	v12 =	vld [tilespmem:s4+$0x380]  }
0x294: {  	s26 =	sor.u32 s0, s31;
	v13 =	vld [tilespmem:s3+$0x0]  }
0x295: {  	v14 =	vld [tilespmem:s26+$0x0];
	v0 =	vadd.f32 v1, v0  }
0x296: {  	s29 =	sor.u32 s0, s7;
	v1 =	vld [tilespmem:s5+$0x200]  }
0x297: {  	s31 =	simm.s32 $0x16B90;
	v15 =	vld [tilespmem:s29+$0x0];
	v2 =	vadd.f32 v2, v0  }
0x298: {  	s30 =	sor.u32 s0, s8;
	s8 =	sor.u32 s0, s10;
	v16 =	vld [tilespmem:s31+$0x0]  }
0x299: {  	v17 =	vld [tilespmem:s8+$0x0];
	v2 =	vadd.f32 v3, v2  }
0x29a: {  	s11 =	sor.u32 s0, s11;
	v3 =	vld [tilespmem:s5+$0x300]  }
0x29b: {  	v18 =	vld [tilespmem:s11+$0x0];
	v1 =	vadd.f32 v1, v2  }
0x29c: {  	s25 =	simm.s32 $0x19610;
	v2 =	vld [tilespmem:s5+$0x380]  }
0x29d: {  	v19 =	vld [tilespmem:s25+$0xFFFFFFF0];
	v1 =	vadd.f32 v4, v1  }
0x29e: {  	s28 =	simm.s32 $0x19890;
	v4 =	vld [tilespmem:s14+$0x0]  }
0x29f: {  	v20 =	vld [tilespmem:s28+$0xFFFFFFF0];
	v1 =	vadd.f32 v3, v1  }
0x2a0: {  	s6 =	simm.s32 $0x5000;
	v3 =	vld [tilespmem:s15+$0x0]  }
0x2a1: {  	v0 =	vld.msk [tilespmem:s6+$0x0], $0xffff;
	s14 =	sor.u32 s0, s13;
	v1 =	vadd.f32 v2, v1  }
0x2a2: {  	s12 =	sor.u32 s0, s12;
	v5 =	vadd.f32 v6, v5;
	v55 =	vld [tilespmem:s14+$0x0];
	s15 =	simm.s32 $0x100  }
0x2a3: {  	s0 =	sor.u32 s0, s1;
	s1 =	sand.u32 $0x1C00, s15;
	v2 =	vld [tilespmem:s20+$0x0];
	s20 =	simm.s32 $0x30;
	v1 =	vadd.f32 v4, v1  }
0x2a4: {  	v5 =	vadd.f32 v7, v5;
	s3 =	sand.u32 $0x70, s20;
	v4 =	vld [tilespmem:s21+$0x0];
	s21 =	sadd.s32 $0x16E00, s1  }
0x2a5: {  	v1 =	vadd.f32 v3, v1;
	v3 =	vld [tilespmem:s22+$0x0];
	s22 =	sor.u32 s3, s21  }
0x2a6: {  	v5 =	vadd.f32 v8, v5;
	v56 =	vld [tilespmem:s22+$0x0]  }
0x2a7: {  	v6 =	vld [tilespmem:s22+$0x80]  }
0x2a8: {  	v5 =	vadd.f32 v9, v5;
	v7 =	vld [tilespmem:s22+$0x100]  }
0x2a9: {  	v8 =	vld [tilespmem:s22+$0x180]  }
0x2aa: {  	v5 =	vadd.f32 v10, v5;
	v9 =	vld [tilespmem:s22+$0x200]  }
0x2ab: {  	v10 =	vld [tilespmem:s22+$0x280]  }
0x2ac: {  	v5 =	vadd.f32 v11, v5;
	v11 =	vld [tilespmem:s22+$0x300]  }
0x2ad: {  	v1 =	vadd.f32 v2, v1;
	v2 =	vld [tilespmem:s23+$0x0];
	s23 =	simm.s32 $0x20  }
0x2ae: {  	v59 =	vld [tilespmem:s22+$0x380];
	s5 =	sand.u32 $0x60, s23  }
0x2af: {  	v1 =	vadd.f32 v4, v1;
	v4 =	vld [tilespmem:s24+$0x0];
	s6 =	sor.u32 s5, s21  }
0x2b0: {  	v21 =	vld [tilespmem:s6+$0x0]  }
0x2b1: {  	v57 =	vld [tilespmem:s6+$0x80]  }
0x2b2: {  	v61 =	vld [tilespmem:s6+$0x380];
	v1 =	vadd.f32 v3, v1  }
0x2b3: {  	v3 =	vld [tilespmem:s25+$0x0];
	v6 =	vadd.f32 v6, v56  }
0x2b4: {  	s24 =	sor.u32 $0x18200, s1;
	v1 =	vadd.f32 v2, v1;
	v2 =	vld [tilespmem:s28+$0x0]  }
0x2b5: {  	s25 =	sor.u32 s3, s24;
	v6 =	vadd.f32 v7, v6;
	v7 =	vld [tilespmem:s6+$0x100]  }
0x2b6: {  	vm0 =	vmxor vm0, vm0;
	s4 =	sadd.s32 $0x0, s9;
	v60 =	vld [tilespmem:s25+$0x0];
	v1 =	vadd.f32 v4, v1  }
0x2b7: {  	vm1 =	vmmov vm0;
	s10 =	sadd.s32 $0x10, s4;
	v6 =	vadd.f32 v8, v6;
	v8 =	vld [tilespmem:s6+$0x180]  }
0x2b8: {  	p0 =	slt.u32 s10, $0x2710;
	v4 =	vld [tilespmem:s30+$0x0];
	v58 =	vadd.f32 v57, v21;
	v54 =	vmul.f32 v3, v3;
	v1 =	vadd.f32 v13, v1  }
0x2b9: {  	vm1 =	vmneg @p0 vm1;
	v5 =	vadd.f32 v12, v5;
	v6 =	vadd.f32 v9, v6;
	v9 =	vld [tilespmem:s6+$0x200]  }
0x2ba: {  	s26 =	sor.u32 $0x18280, s1;
	v2 =	vmul.f32 v2, v54;
	v7 =	vadd.f32 v7, v58;
	v1 =	vmul.f32 v1, v3;
	v3 =	vld [tilespmem:s12+$0x0]  }
0x2bb: {  	v5 =	vadd.f32 v14, v5;
	s28 =	sor.u32 s3, s26;
	v6 =	vadd.f32 v10, v6;
	v10 =	vld [tilespmem:s6+$0x280]  }
0x2bc: {  	v7 =	vadd.f32 v8, v7;
	v8 =	vld [tilespmem:s28+$0x0];
	v1 =	vadd.f32 v2, v1  }
0x2bd: {  	s29 =	sor.u32 $0x18300, s1;
	v5 =	vadd.f32 v15, v5;
	v2 =	vld [tilespmem:s0+$0x0]  }
0x2be: {  	s30 =	sor.u32 s3, s29;
	v6 =	vadd.f32 v11, v6;
	v11 =	vld [tilespmem:s6+$0x300];
	v1 =	vadd.f32 v1, v0  }
0x2bf: {  	v4 =	vadd.f32 v4, v5;
	s0 =	simm.s32 $0x19B00;
	v5 =	vadd.f32 v9, v7;
	v7 =	vld [tilespmem:s30+$0x0]  }
0x2c0: {  	v6 =	vadd.f32 v59, v6;
	[tilespmem:v16+s0+$0x0] =	vst.idx.add.f32.msk vm1, v1  }
0x2c1: {  	s7 =	sor.u32 s5, s24;
	v4 =	vadd.f32 v17, v4;
	v1 =	vld [tilespmem:s31+$0xFFFFFFF0];
	s31 =	sor.u32 $0x18380, s1  }
0x2c2: {  	s14 =	sadd.s32 $0x18400, s1;
	v9 =	vld [tilespmem:s7+$0x0];
	v5 =	vadd.f32 v10, v5;
	v6 =	vadd.f32 v60, v6;
	s12 =	sor.u32 s3, s31  }
0x2c3: {  	s15 =	sor.u32 s3, s14;
	v4 =	vadd.f32 v18, v4;
	v10 =	vld [tilespmem:s12+$0x0]  }
0x2c4: {  	s13 =	sor.u32 s5, s26;
	s21 =	sadd.s32 $0x18480, s1;
	v5 =	vadd.f32 v11, v5;
	v11 =	vld [tilespmem:s15+$0x0];
	v6 =	vadd.f32 v8, v6  }
0x2c5: {  	s22 =	sor.u32 s3, s21;
	v3 =	vadd.f32 v3, v4;
	v8 =	vld [tilespmem:s13+$0x0]  }
0x2c6: {  	s20 =	sor.u32 s5, s29;
	s24 =	sadd.s32 $0x18500, s1;
	v4 =	vadd.f32 v61, v5;
	v5 =	vld [tilespmem:s22+$0x0];
	v6 =	vadd.f32 v7, v6  }
0x2c7: {  	s25 =	sor.u32 s3, s24;
	v7 =	vld [tilespmem:s20+$0x0]  }
0x2c8: {  	s26 =	sadd.s32 $0x18580, s1;
	s23 =	sor.u32 s5, s31;
	v4 =	vadd.f32 v9, v4;
	v9 =	vld [tilespmem:s25+$0x0];
	v6 =	vadd.f32 v10, v6  }
0x2c9: {  	s3 =	sor.u32 s3, s26;
	v3 =	vadd.f32 v55, v3;
	v10 =	vld [tilespmem:s23+$0x0]  }
0x2ca: {  	s1 =	simm.s32 $0x19630;
	v4 =	vadd.f32 v8, v4;
	v8 =	vld [tilespmem:s3+$0x0];
	v6 =	vadd.f32 v11, v6  }
0x2cb: {  	s28 =	sor.u32 s5, s14;
	v2 =	vadd.f32 v2, v3;
	v3 =	vmul.f32 v19, v19;
	v11 =	vld [tilespmem:s1+$0x0]  }
0x2cc: {  	vm3 =	vmmov vm0;
	v62 =	vld [tilespmem:s28+$0x0];
	vm1 =	vmmov vm0;
	s3 =	simm.s32 $0x198B0;
	v6 =	vadd.f32 v5, v6  }
0x2cd: {  	p0 =	slt.u32 s4, $0x2710;
	s29 =	sor.u32 s5, s21;
	v2 =	vmul.f32 v2, v19;
	v3 =	vmul.f32 v20, v3;
	v63 =	vld [tilespmem:s3+$0x0];
	v4 =	vadd.f32 v7, v4  }
0x2ce: {  	vm2 =	vmmov vm0;
	s4 =	simm.s32 $0x16BB0;
	vm1 =	vmneg @p0 vm1;
	s31 =	sadd.s32 $0x20, s9;
	v5 =	vld [tilespmem:s29+$0x0];
	v6 =	vadd.f32 v9, v6  }
0x2cf: {  	s30 =	sor.u32 s5, s24;
	vm1 =	vmmov vm1;
	p0 =	slt.u32 s31, $0x2710;
	s6 =	sadd.s32 $0x10, s31;
	v2 =	vadd.f32 v3, v2;
	v3 =	vld [tilespmem:s4+$0x0];
	v7 =	vadd.f32 v10, v4  }
0x2d0: {  	vm3 =	vmneg @p0 vm3;
	p0 =	slt.u32 s6, $0x2710;
	v4 =	vld [tilespmem:s30+$0x0];
	v10 =	vmul.f32 v11, v11;
	v8 =	vadd.f32 v8, v6  }
0x2d1: {  	s5 =	sor.u32 s5, s26;
	vm2 =	vmneg @p0 vm2;
	v9 =	vadd.f32 v62, v7;
	v7 =	vld [tilespmem:s1+$0xFFFFFFF0]  }
0x2d2: {  	s7 =	simm.s32 $0x40;
	s6 =	simm.s32 $0x200;
	v2 =	vadd.f32 v2, v0;
	v6 =	vld [tilespmem:s5+$0x0];
	s5 =	simm.s32 $0x2;
	v10 =	vmul.f32 v63, v10;
	v8 =	vmul.f32 v8, v11  }
.LBB2_19:
0x2d3: {  	s8 =	sand.u32 $0x60, s7;
	s10 =	sand.u32 $0x1C00, s6;
	s11 =	sadd.s32 $0x10, s7;
	v5 =	vadd.f32 v5, v9;
	v9 =	vld [tilespmem:s3+$0xFFFFFFF0]  }
0x2d4: {  	s5 =	sadd.s32 $0x2, s5;
	s12 =	sadd.s32 $0x16E00, s10;
	s20 =	sand.u32 $0x70, s11;
	v11 =	vld [tilespmem:s4+$0xFFFFFFF0];
	v8 =	vadd.f32 v10, v8  }
0x2d5: {  	p0 =	slt.u32 s5, $0x26;
	s11 =	sor.u32 s8, s12;
	s12 =	sor.u32 s20, s12;
	v4 =	vadd.f32 v4, v5;
	[tilespmem:v1+s0+$0x0] =	vst.idx.add.f32.msk vm1, v2;
	vm1 =	vmmov vm3  }
0x2d6: {  	v2 =	vld [tilespmem:s12+$0x0];
	v8 =	vadd.f32 v8, v0  }
0x2d7: {  	v5 =	vld [tilespmem:s12+$0x80];
	v4 =	vadd.f32 v6, v4;
	v6 =	vmul.f32 v7, v7  }
0x2d8: {  	[tilespmem:v3+s0+$0x0] =	vst.idx.add.f32.msk vm2, v8  }
0x2d9: {  	v3 =	vld [tilespmem:s12+$0x100];
	v4 =	vmul.f32 v4, v7;
	v6 =	vmul.f32 v9, v6;
	v1 =	vmov v11  }
0x2da: {  	v7 =	vld [tilespmem:s11+$0x0]  }
0x2db: {  	v8 =	vld [tilespmem:s12+$0x180];
	v4 =	vadd.f32 v6, v4  }
0x2dc: {  	v6 =	vld [tilespmem:s11+$0x80];
	v5 =	vadd.f32 v5, v2  }
0x2dd: {  	v9 =	vld [tilespmem:s12+$0x200];
	v2 =	vadd.f32 v4, v0  }
0x2de: {  	v4 =	vld [tilespmem:s11+$0x100];
	v3 =	vadd.f32 v3, v5  }
0x2df: {  	v5 =	vld [tilespmem:s12+$0x280]  }
0x2e0: {  	v10 =	vld [tilespmem:s11+$0x180];
	v3 =	vadd.f32 v8, v3  }
0x2e1: {  	v6 =	vadd.f32 v6, v7;
	v7 =	vld [tilespmem:s12+$0x300]  }
0x2e2: {  	v8 =	vld [tilespmem:s11+$0x200];
	v3 =	vadd.f32 v9, v3  }
0x2e3: {  	s13 =	sor.u32 $0x18200, s10;
	v4 =	vadd.f32 v4, v6;
	v6 =	vld [tilespmem:s12+$0x380]  }
0x2e4: {  	s12 =	sor.u32 s8, s13;
	s13 =	sor.u32 s20, s13;
	v9 =	vld [tilespmem:s11+$0x280];
	v3 =	vadd.f32 v5, v3  }
0x2e5: {  	s14 =	sor.u32 $0x18280, s10;
	v4 =	vadd.f32 v10, v4;
	v5 =	vld [tilespmem:s13+$0x0]  }
0x2e6: {  	s13 =	sor.u32 s8, s14;
	s14 =	sor.u32 s20, s14;
	v10 =	vld [tilespmem:s11+$0x300];
	v3 =	vadd.f32 v7, v3  }
0x2e7: {  	s15 =	sor.u32 $0x18300, s10;
	v4 =	vadd.f32 v8, v4;
	v7 =	vld [tilespmem:s14+$0x0]  }
0x2e8: {  	s14 =	sor.u32 s20, s15;
	v8 =	vld [tilespmem:s11+$0x380];
	s11 =	sor.u32 s8, s15;
	v3 =	vadd.f32 v6, v3  }
0x2e9: {  	s15 =	sor.u32 $0x18380, s10;
	v4 =	vadd.f32 v9, v4;
	v6 =	vld [tilespmem:s14+$0x0]  }
0x2ea: {  	s14 =	sor.u32 s20, s15;
	v9 =	vld [tilespmem:s12+$0x0];
	s12 =	sor.u32 s8, s15;
	v3 =	vadd.f32 v5, v3  }
0x2eb: {  	s15 =	sadd.s32 $0x18400, s10;
	v4 =	vadd.f32 v10, v4;
	v5 =	vld [tilespmem:s14+$0x0]  }
0x2ec: {  	s14 =	sor.u32 s20, s15;
	v10 =	vld [tilespmem:s13+$0x0];
	s13 =	sor.u32 s8, s15;
	v3 =	vadd.f32 v7, v3  }
0x2ed: {  	s15 =	sadd.s32 $0x18480, s10;
	v4 =	vadd.f32 v8, v4;
	v7 =	vld [tilespmem:s14+$0x0]  }
0x2ee: {  	s14 =	sor.u32 s20, s15;
	v8 =	vld [tilespmem:s11+$0x0];
	s11 =	sor.u32 s8, s15;
	v3 =	vadd.f32 v6, v3  }
0x2ef: {  	s15 =	sadd.s32 $0x18500, s10;
	v4 =	vadd.f32 v9, v4;
	v6 =	vld [tilespmem:s14+$0x0]  }
0x2f0: {  	s14 =	sor.u32 s20, s15;
	v9 =	vld [tilespmem:s12+$0x0];
	s12 =	sor.u32 s8, s15;
	v3 =	vadd.f32 v5, v3  }
0x2f1: {  	s1 =	sadd.s32 $0x20, s1;
	s10 =	sadd.s32 $0x18580, s10;
	v4 =	vadd.f32 v10, v4;
	v10 =	vld [tilespmem:s14+$0x0]  }
0x2f2: {  	s8 =	sor.u32 s8, s10;
	s10 =	sor.u32 s20, s10;
	v3 =	vadd.f32 v7, v3;
	v11 =	vld [tilespmem:s1+$0x0]  }
0x2f3: {  	v4 =	vadd.f32 v8, v4;
	v7 =	vld [tilespmem:s10+$0x0]  }
0x2f4: {  	s3 =	sadd.s32 $0x20, s3;
	v8 =	vld [tilespmem:s13+$0x0];
	v3 =	vadd.f32 v6, v3  }
0x2f5: {  	v6 =	vadd.f32 v9, v4;
	v12 =	vld [tilespmem:s3+$0x0]  }
.Ltmp9:
0x2f6: {  	v5 =	vld [tilespmem:s11+$0x0];
	v3 =	vadd.f32 v10, v3;
	(pc) =	sbr.rel @p0 .LBB2_19-.Ltmp9, $4  }
0x2f7: {  	s4 =	sadd.s32 $0x20, s4;
	s10 =	sadd.s32 s7, s9;
	v4 =	vld [tilespmem:s12+$0x0]  }
0x2f8: {  	vm3 =	vmmov vm0;
	p2 =	slt.u32 s10, $0x2710;
	s10 =	sadd.s32 $0x10, s10;
	v13 =	vmul.f32 v11, v11;
	v10 =	vadd.f32 v7, v3;
	v3 =	vld [tilespmem:s4+$0x0]  }
0x2f9: {  	vm2 =	vmmov vm0;
	vm3 =	vmneg @p2 vm3;
	p2 =	slt.u32 s10, $0x2710;
	v9 =	vadd.f32 v8, v6;
	v6 =	vld [tilespmem:s8+$0x0]  }
0x2fa: {  	s6 =	sadd.s32 $0x100, s6;
	s7 =	sadd.s32 $0x20, s7;
	vm2 =	vmneg @p2 vm2;
	v7 =	vld [tilespmem:s1+$0xFFFFFFF0];
	v8 =	vmul.f32 v10, v11;
	v10 =	vmul.f32 v12, v13  }
0x2fb: {  	v5 =	vadd.f32 v5, v9  }
0x2fc: {  	v58 =	vld [tilespmem:s3+$0xFFFFFFF0]  }
0x2fd: {  	v4 =	vadd.f32 v4, v5;
	_ =	sdelay $0x1  }
0x2fe: {  	v59 =	vld [tilespmem:s4+$0xFFFFFFF0];
	v4 =	vadd.f32 v6, v4;
	v60 =	vmul.f32 v7, v7;
	_ =	sdelay $0x1  }
0x2ff: {  	v4 =	vmul.f32 v4, v7;
	v6 =	vmul.f32 v58, v60  }
0x300: {  	v61 =	vadd.f32 v10, v8  }
0x301: {  	v4 =	vadd.f32 v6, v4  }
0x302: {  	v62 =	vadd.f32 v61, v0  }
0x303: {  	[tilespmem:v1+s0+$0x0] =	vst.idx.add.f32.msk vm1, v2;
	v63 =	vadd.f32 v4, v0  }
0x304: {  	[tilespmem:v3+s0+$0x0] =	vst.idx.add.f32.msk vm2, v62  }
0x305: {  	[tilespmem:v59+s0+$0x0] =	vst.idx.add.f32.msk vm3, v63  }
0x306: {  	_ =	strace $0x9000004E  }
0x307: {  	s1 =	simm.s32 $0x19B00;
	s0 =	simm.s32 $0x5;
	_ =	strace $0x8000004F  }
0x308: {  	[spmem:s19] =	stream.linear.scatter [tilespmem:s1], [sflag:$0x5], $0x40, $0x200038;
	[tilespmem:$0x1CE80] =	vst v63  }
0x309: {  	_ =	swait.ge [sflag:s0], $0x40  }
0x30a: {  	[sflag:s0] =	ssyncset.done $0x0  }
0x30b: {  	[sflag:s0] =	ssyncadd.s32 $0xFFFFFFC0  }
0x30c: {  	[bflag:$0x0] =	sbarrier.arrive $0xFFFF  }
0x30d: {  	_ =	strace @p1 $0x9000004F  }
0x30e: {  	_ =	sfence.sel @p1 $0x180000  }
0x30f: {  	[bflag:$0x0] =	sbarrier.arrive @p1 $0xFFFF  }
0x310: {  	_ =	strace @p1 $0x90000047  }
0x311: {  	[bflag:$0x2] =	sbarrier.arrive @p1 $0xFFFF  }
0x312: {  	vm0 =	vmmov vm3;
	_ =	shalt @p1  }
.LBB2_21:
0x313: {  	s3 =	simm.s32 $0x19B80  }
0x314: {  	[tilespmem:s3], [sflag:$0x5] =	stream.linear.gather [spmem:s2], $0x40, $0x200038;
	[tilespmem:$0x1CE80] =	vst v63  }
0x315: {  	_ =	swait.ge [sflag:s0], $0x40  }
0x316: {  	[sflag:s0] =	ssyncset.done $0x0  }
0x317: {  	s25 =	simm.s32 $0x19C00;
	s26 =	rddreg [dreg:$0x13];
	[sflag:s0] =	ssyncadd.s32 $0xFFFFFFC0  }
0x318: {  	[tilespmem:s25], [sflag:$0x5] =	stream.linear.gather [spmem:s26], $0x40, $0x200038;
	[tilespmem:$0x1CE80] =	vst v63  }
0x319: {  	_ =	swait.ge [sflag:s0], $0x40  }
0x31a: {  	[sflag:s0] =	ssyncset.done $0x0  }
0x31b: {  	s28 =	simm.s32 $0x19C80;
	s29 =	rddreg [dreg:$0x10];
	[sflag:s0] =	ssyncadd.s32 $0xFFFFFFC0  }
0x31c: {  	[tilespmem:s28], [sflag:$0x5] =	stream.linear.gather [spmem:s29], $0x40, $0x200038;
	[tilespmem:$0x1CE80] =	vst v63  }
0x31d: {  	_ =	swait.ge [sflag:s0], $0x40  }
0x31e: {  	[sflag:s0] =	ssyncset.done $0x0  }
0x31f: {  	s30 =	simm.s32 $0x19D00;
	s31 =	rddreg [dreg:$0xf];
	[sflag:s0] =	ssyncadd.s32 $0xFFFFFFC0  }
0x320: {  	[tilespmem:s30], [sflag:$0x5] =	stream.linear.gather [spmem:s31], $0x40, $0x200038;
	[tilespmem:$0x1CE80] =	vst v63  }
0x321: {  	_ =	swait.ge [sflag:s0], $0x40  }
0x322: {  	[sflag:s0] =	ssyncset.done $0x0  }
0x323: {  	s4 =	simm.s32 $0x19D80;
	s5 =	rddreg [dreg:$0xe];
	[sflag:s0] =	ssyncadd.s32 $0xFFFFFFC0  }
0x324: {  	[tilespmem:s4], [sflag:$0x5] =	stream.linear.gather [spmem:s5], $0x40, $0x200038;
	[tilespmem:$0x1CE80] =	vst v63  }
0x325: {  	_ =	swait.ge [sflag:s0], $0x40  }
0x326: {  	[sflag:s0] =	ssyncset.done $0x0  }
0x327: {  	s6 =	simm.s32 $0x19E00;
	s7 =	rddreg [dreg:$0xd];
	[sflag:s0] =	ssyncadd.s32 $0xFFFFFFC0  }
0x328: {  	[tilespmem:s6], [sflag:$0x5] =	stream.linear.gather [spmem:s7], $0x40, $0x200038;
	[tilespmem:$0x1CE80] =	vst v63  }
0x329: {  	_ =	swait.ge [sflag:s0], $0x40  }
0x32a: {  	[sflag:s0] =	ssyncset.done $0x0  }
0x32b: {  	s8 =	simm.s32 $0x19E80;
	s9 =	rddreg [dreg:$0xc];
	[sflag:s0] =	ssyncadd.s32 $0xFFFFFFC0  }
0x32c: {  	[tilespmem:s8], [sflag:$0x5] =	stream.linear.gather [spmem:s9], $0x40, $0x200038;
	[tilespmem:$0x1CE80] =	vst v63  }
0x32d: {  	_ =	swait.ge [sflag:s0], $0x40  }
0x32e: {  	[sflag:s0] =	ssyncset.done $0x0  }
0x32f: {  	s10 =	simm.s32 $0x19F00;
	s11 =	rddreg [dreg:$0xb];
	[sflag:s0] =	ssyncadd.s32 $0xFFFFFFC0  }
0x330: {  	[tilespmem:s10], [sflag:$0x5] =	stream.linear.gather [spmem:s11], $0x40, $0x200038;
	[tilespmem:$0x1CE80] =	vst v63  }
0x331: {  	_ =	swait.ge [sflag:s0], $0x40  }
0x332: {  	[sflag:s0] =	ssyncset.done $0x0  }
0x333: {  	s12 =	simm.s32 $0x19F80;
	s13 =	rddreg [dreg:$0xa];
	[sflag:s0] =	ssyncadd.s32 $0xFFFFFFC0  }
0x334: {  	[tilespmem:s12], [sflag:$0x5] =	stream.linear.gather [spmem:s13], $0x40, $0x200038;
	[tilespmem:$0x1CE80] =	vst v63  }
0x335: {  	_ =	swait.ge [sflag:s0], $0x40  }
0x336: {  	[sflag:s0] =	ssyncset.done $0x0  }
0x337: {  	s14 =	simm.s32 $0x1A000;
	s15 =	rddreg [dreg:$0x11];
	[sflag:s0] =	ssyncadd.s32 $0xFFFFFFC0  }
0x338: {  	[tilespmem:s14], [sflag:$0x5] =	stream.linear.gather [spmem:s15], $0x40, $0x200038;
	[tilespmem:$0x1CE80] =	vst v63  }
0x339: {  	_ =	swait.ge [sflag:s0], $0x40  }
0x33a: {  	[sflag:s0] =	ssyncset.done $0x0  }
0x33b: {  	s19 =	simm.s32 $0x1A080;
	s20 =	rddreg [dreg:$0x12];
	[sflag:s0] =	ssyncadd.s32 $0xFFFFFFC0  }
0x33c: {  	[tilespmem:s19], [sflag:$0x5] =	stream.linear.gather [spmem:s20], $0x40, $0x200038;
	[tilespmem:$0x1CE80] =	vst v63  }
0x33d: {  	_ =	swait.ge [sflag:s0], $0x40  }
0x33e: {  	[sflag:s0] =	ssyncset.done $0x0  }
0x33f: {  	s21 =	simm.s32 $0x1A100;
	s22 =	rddreg [dreg:$0x14];
	[sflag:s0] =	ssyncadd.s32 $0xFFFFFFC0  }
0x340: {  	[tilespmem:s21], [sflag:$0x5] =	stream.linear.gather [spmem:s22], $0x40, $0x200038;
	[tilespmem:$0x1CE80] =	vst v63  }
0x341: {  	_ =	swait.ge [sflag:s0], $0x40  }
0x342: {  	[sflag:s0] =	ssyncset.done $0x0  }
0x343: {  	s23 =	simm.s32 $0x1A180;
	s24 =	rddreg [dreg:$0x15];
	[sflag:s0] =	ssyncadd.s32 $0xFFFFFFC0  }
0x344: {  	[tilespmem:s23], [sflag:$0x5] =	stream.linear.gather [spmem:s24], $0x40, $0x200038;
	[tilespmem:$0x1CE80] =	vst v63  }
0x345: {  	_ =	swait.ge [sflag:s0], $0x40  }
0x346: {  	[sflag:s0] =	ssyncset.done $0x0  }
0x347: {  	s25 =	simm.s32 $0x1A200;
	[sflag:s0] =	ssyncadd.s32 $0xFFFFFFC0  }
0x348: {  	[tilespmem:s25], [sflag:$0x5] =	stream.linear.gather [spmem:s16], $0x40, $0x200038;
	[tilespmem:$0x1CE80] =	vst v63  }
0x349: {  	_ =	swait.ge [sflag:s0], $0x40  }
0x34a: {  	[sflag:s0] =	ssyncset.done $0x0  }
0x34b: {  	s26 =	simm.s32 $0x1A280;
	[sflag:s0] =	ssyncadd.s32 $0xFFFFFFC0  }
0x34c: {  	[tilespmem:s26], [sflag:$0x5] =	stream.linear.gather [spmem:s18], $0x40, $0x200038;
	[tilespmem:$0x1CE80] =	vst v63  }
0x34d: {  	_ =	swait.ge [sflag:s0], $0x40  }
0x34e: {  	[sflag:s0] =	ssyncset.done $0x0  }
0x34f: {  	s28 =	simm.s32 $0x1A300;
	[sflag:s0] =	ssyncadd.s32 $0xFFFFFFC0  }
0x350: {  	[tilespmem:s28], [sflag:$0x5] =	stream.linear.gather [spmem:s17], $0x40, $0x200038;
	[tilespmem:$0x1CE80] =	vst v63  }
0x351: {  	_ =	swait.ge [sflag:s0], $0x40  }
0x352: {  	[sflag:s0] =	ssyncset.done $0x0  }
0x353: {  	[sflag:s0] =	ssyncadd.s32 $0xFFFFFFC0  }
0x354: {  	v0 =	vld [tilespmem:$0x19B80]  }
0x355: {  	v1 =	vld [tilespmem:$0x19C00]  }
0x356: {  	v2 =	vld [tilespmem:$0x19C80]  }
0x357: {  	v3 =	vld [tilespmem:$0x19D00]  }
0x358: {  	v4 =	vld [tilespmem:$0x19D80]  }
0x359: {  	v5 =	vld [tilespmem:$0x19E00]  }
0x35a: {  	v6 =	vld [tilespmem:$0x19E80]  }
0x35b: {  	v7 =	vld [tilespmem:$0x19F00]  }
0x35c: {  	v8 =	vld [tilespmem:$0x19F80]  }
0x35d: {  	v9 =	vld [tilespmem:$0x1A000]  }
0x35e: {  	v10 =	vld [tilespmem:$0x1A080]  }
0x35f: {  	v11 =	vld [tilespmem:$0x1A100]  }
0x360: {  	v12 =	vld [tilespmem:$0x1A180]  }
0x361: {  	v13 =	vld [tilespmem:$0x1A200]  }
0x362: {  	v14 =	vld [tilespmem:$0x1A280]  }
0x363: {  	v15 =	vld [tilespmem:$0x1A300]  }
0x364: {  	v16 =	vld [tilespmem:$0x19B90]  }
0x365: {  	v17 =	vld [tilespmem:$0x19C10]  }
0x366: {  	v18 =	vld [tilespmem:$0x19C90]  }
0x367: {  	v19 =	vld [tilespmem:$0x19D10]  }
0x368: {  	v20 =	vld [tilespmem:$0x19D90]  }
0x369: {  	v21 =	vld [tilespmem:$0x19E10]  }
0x36a: {  	v22 =	vld [tilespmem:$0x19E90]  }
0x36b: {  	v23 =	vld [tilespmem:$0x19F10]  }
0x36c: {  	v24 =	vld [tilespmem:$0x19F90]  }
0x36d: {  	v25 =	vld [tilespmem:$0x1A010]  }
0x36e: {  	v26 =	vld [tilespmem:$0x1A090]  }
0x36f: {  	v27 =	vld [tilespmem:$0x1A110]  }
0x370: {  	v28 =	vld [tilespmem:$0x1A190]  }
0x371: {  	v29 =	vld [tilespmem:$0x1A210]  }
0x372: {  	v30 =	vld [tilespmem:$0x1A290]  }
0x373: {  	v31 =	vld [tilespmem:$0x1A310]  }
0x374: {  	v32 =	vld [tilespmem:$0x19BA0]  }
0x375: {  	v33 =	vld [tilespmem:$0x19C20]  }
0x376: {  	v34 =	vld [tilespmem:$0x19BB0]  }
0x377: {  	v35 =	vld [tilespmem:$0x19C30]  }
0x378: {  	v36 =	vld [tilespmem:$0x19CA0]  }
0x379: {  	v59 =	vld [tilespmem:$0x19CB0];
	v0 =	vadd.f32 v1, v0  }
0x37a: {  	v60 =	vld [tilespmem:$0x19D20];
	v16 =	vadd.f32 v17, v16  }
0x37b: {  	v62 =	vld [tilespmem:$0x19D30];
	v61 =	vadd.f32 v33, v32;
	v0 =	vadd.f32 v2, v0  }
0x37c: {  	v37 =	vld [tilespmem:$0x19DA0];
	v63 =	vadd.f32 v35, v34;
	v16 =	vadd.f32 v18, v16  }
0x37d: {  	v38 =	vld [tilespmem:$0x19DB0];
	v2 =	vadd.f32 v36, v61;
	v0 =	vadd.f32 v3, v0  }
0x37e: {  	v39 =	vld [tilespmem:$0x19E20];
	v1 =	vadd.f32 v59, v63;
	v16 =	vadd.f32 v19, v16  }
0x37f: {  	v40 =	vld [tilespmem:$0x19E30];
	v2 =	vadd.f32 v60, v2;
	v0 =	vadd.f32 v4, v0  }
0x380: {  	v41 =	vld [tilespmem:$0x19EA0];
	v1 =	vadd.f32 v62, v1;
	v16 =	vadd.f32 v20, v16  }
0x381: {  	v42 =	vld [tilespmem:$0x19EB0];
	v2 =	vadd.f32 v37, v2;
	v0 =	vadd.f32 v5, v0  }
0x382: {  	v43 =	vld [tilespmem:$0x19F20];
	v1 =	vadd.f32 v38, v1;
	v16 =	vadd.f32 v21, v16  }
0x383: {  	v44 =	vld [tilespmem:$0x19F30];
	v2 =	vadd.f32 v39, v2;
	v0 =	vadd.f32 v6, v0  }
0x384: {  	v45 =	vld [tilespmem:$0x19FA0];
	v1 =	vadd.f32 v40, v1;
	v16 =	vadd.f32 v22, v16  }
0x385: {  	v46 =	vld [tilespmem:$0x19FB0];
	v2 =	vadd.f32 v41, v2;
	v0 =	vadd.f32 v7, v0  }
0x386: {  	v47 =	vld [tilespmem:$0x1A020];
	v1 =	vadd.f32 v42, v1;
	v16 =	vadd.f32 v23, v16  }
0x387: {  	v48 =	vld [tilespmem:$0x1A030];
	v2 =	vadd.f32 v43, v2;
	v0 =	vadd.f32 v8, v0  }
0x388: {  	v50 =	vld [tilespmem:$0x1A0A0];
	v1 =	vadd.f32 v44, v1;
	v49 =	vadd.f32 v24, v16  }
0x389: {  	v51 =	vld [tilespmem:$0x1A0B0];
	v2 =	vadd.f32 v45, v2;
	v0 =	vadd.f32 v9, v0  }
0x38a: {  	v52 =	vld [tilespmem:$0x1A120];
	v1 =	vadd.f32 v46, v1;
	v8 =	vadd.f32 v25, v49  }
0x38b: {  	v53 =	vld [tilespmem:$0x1A130];
	v2 =	vadd.f32 v47, v2;
	v0 =	vadd.f32 v10, v0  }
0x38c: {  	v54 =	vld [tilespmem:$0x1A1A0];
	v1 =	vadd.f32 v48, v1;
	v8 =	vadd.f32 v26, v8  }
0x38d: {  	v55 =	vld [tilespmem:$0x1A1B0];
	v2 =	vadd.f32 v50, v2;
	v0 =	vadd.f32 v11, v0  }
0x38e: {  	v56 =	vld [tilespmem:$0x1A220];
	v1 =	vadd.f32 v51, v1;
	v8 =	vadd.f32 v27, v8  }
0x38f: {  	v57 =	vld [tilespmem:$0x1A230];
	v2 =	vadd.f32 v52, v2;
	v0 =	vadd.f32 v12, v0  }
0x390: {  	v58 =	vld [tilespmem:$0x1A2A0];
	v1 =	vadd.f32 v53, v1;
	v8 =	vadd.f32 v28, v8  }
0x391: {  	v59 =	vld [tilespmem:$0x1A2B0];
	v2 =	vadd.f32 v54, v2;
	v0 =	vadd.f32 v13, v0  }
0x392: {  	v60 =	vld [tilespmem:$0x1A320];
	v1 =	vadd.f32 v55, v1;
	v8 =	vadd.f32 v29, v8  }
0x393: {  	v61 =	vld [tilespmem:$0x1A330];
	v2 =	vadd.f32 v56, v2;
	v0 =	vadd.f32 v14, v0  }
0x394: {  	v1 =	vadd.f32 v57, v1;
	v8 =	vadd.f32 v30, v8  }
0x395: {  	v2 =	vadd.f32 v58, v2;
	v0 =	vadd.f32 v15, v0  }
0x396: {  	v1 =	vadd.f32 v59, v1;
	v62 =	vadd.f32 v31, v8  }
0x397: {  	v63 =	vadd.f32 v60, v2;
	[tilespmem:$0x19B00] =	vst v0  }
0x398: {  	v1 =	vadd.f32 v61, v1;
	[tilespmem:$0x19B10] =	vst v62  }
0x399: {  	[tilespmem:$0x19B20] =	vst v63  }
0x39a: {  	s29 =	simm.s32 $0x0;
	s30 =	rddreg [dreg:$0x5];
	[tilespmem:$0x19B30] =	vst v1  }
0x39b: {  	[hbm4b:s30+s29] =	stream.linear.scatter [tilespmem:s1], [sflag:$0x5], $0x80, $0x200038;
	[tilespmem:$0x1CE80] =	vst v63  }
0x39c: {  	_ =	swait.ge [sflag:s0], $0x80  }
0x39d: {  	[sflag:s0] =	ssyncset.done $0x0  }
0x39e: {  	[sflag:s0] =	ssyncadd.s32 $0xFFFFFF80  }
0x39f: {  	_ =	strace $0x9000004F  }
0x3a0: {  	_ =	sfence.sel $0x180000  }
0x3a1: {  	[bflag:$0x0] =	sbarrier.arrive $0xFFFF  }
0x3a2: {  	_ =	strace $0x90000047  }
0x3a3: {  	[bflag:$0x2] =	sbarrier.arrive $0xFFFF  }
0x3a4: {  	s31 =	rddreg [dreg:$0x9]  }
0x3a5: {  	s0 =	sadd.s32 $0x100000, s31  }
0x3a6: {  	[sflag:s0] =	ssyncadd.tile.s32 $0x1;
	_ =	shalt  }
.Lfunc_end2:
_tile_overlayer_lowered:
.L_overlay_start_2:
0x3a7: {  	(tag) =	ssettag $0x2  }
0x3a8: {  	s0 =	rddreg [dreg:$0x0];
	s2 =	stileid.u32  }
0x3a9: {  	s1 =	rddreg [dreg:$0x1];
	p0 =	sne.s32 s2, $0x0  }
0x3aa: {  	s3 =	rddreg [dreg:$0x2];
	[bflag:$0x3] =	sbarrier.arrive $0xFFFF;
	s2 =	simm.s32 @!p0 $0x1C05  }
0x3ab: {  	[timem:s3], [sflag:s2] =	dma.local @!p0 [hbm:s0], s1  }
0x3ac: {  	s0 =	simm.s32 @!p0 $0x5  }
0x3ad: {  	_ =	swait.ge @!p0 [sflag:s0], s1  }
0x3ae: {  	s1 =	ssub.s32 @!p0 $0x0, s1;
	[sflag:s0] =	ssyncset.done @!p0 $0x0  }
0x3af: {  	[sflag:s0] =	ssyncadd.s32 @!p0 s1  }
0x3b0: {  	[bflag:$0x3] =	sbarrier.arrive $0xFFFF  }
0x3b1: {  	_ =	shalt  }

</sc_bundles>
